<compile_context>
chip_gen: v7x
topology: tpu7x:2x2x1
jax: 0.10.2.dev20260603
libtpu: 0.0.44.dev20260713+nightly
codegen_flags: <defaults>
</compile_context>

<pallas_src>
import functools

import jax
import jax.numpy as jnp
from jax import lax
from jax.experimental import pallas as pl
from jax.experimental.pallas import tpu as pltpu
from jax.experimental.pallas import tpu_sc as plsc

N = 10000
E = 320000
F1 = 64
NC = 2
NS = 16
NW = NC * NS
EPW = E // NW
CH = 80
NCH = EPW // CH
NP = 10240
STRIPE = NP // NS

_mesh = plsc.VectorSubcoreMesh(core_axis_name="c", subcore_axis_name="s")


@functools.partial(
    pl.kernel,
    out_type=jax.ShapeDtypeStruct((NC, NP), jnp.float32),
    mesh=_mesh,
    scratch_types=[
        pltpu.VMEM((NCH, CH), jnp.int32),
        pltpu.VMEM((CH,), jnp.float32),
        pltpu.VMEM_SHARED((NP,), jnp.float32),
        pltpu.SemaphoreType.DMA,
    ],
    compiler_params=pltpu.CompilerParams(use_tc_tiling_on_sc=False),
)
def _sc_degree(row_hbm, ones_hbm, zeros_hbm, out_hbm, idx_v, ones_v, acc,
               sem):
    cid = lax.axis_index("c")
    sid = lax.axis_index("s")
    wid = sid * NC + cid
    pltpu.sync_copy(row_hbm.at[wid], idx_v)
    pltpu.sync_copy(ones_hbm, ones_v)
    pltpu.sync_copy(zeros_hbm.at[pl.ds(sid * STRIPE, STRIPE)],
                    acc.at[pl.ds(sid * STRIPE, STRIPE)])
    plsc.subcore_barrier()

    def body(c, carry):
        pltpu.async_copy(ones_v, acc.at[idx_v.at[c]], sem, add=True)
        return carry

    lax.fori_loop(0, NCH, body, 0)

    def drain(c, carry):
        pltpu.make_async_copy(ones_v, acc.at[idx_v.at[0]], sem).wait()
        return carry

    lax.fori_loop(0, NCH, drain, 0)
    plsc.subcore_barrier()
    pltpu.sync_copy(acc.at[pl.ds(sid * STRIPE, STRIPE)],
                    out_hbm.at[cid, pl.ds(sid * STRIPE, STRIPE)])


@functools.partial(
    pl.kernel,
    out_type=jax.ShapeDtypeStruct((NC, NP, F1), jnp.float32),
    mesh=_mesh,
    scratch_types=[
        pltpu.VMEM((NCH, CH), jnp.int32),
        pltpu.VMEM((NCH, CH), jnp.int32),
        [pltpu.VMEM((CH, F1), jnp.float32)] * 4,
        pltpu.VMEM_SHARED((NP, F1), jnp.float32),
        pltpu.VMEM_SHARED((NP, F1), jnp.float32),
        [pltpu.SemaphoreType.DMA] * 4,
        [pltpu.SemaphoreType.DMA] * 4,
    ],
    compiler_params=pltpu.CompilerParams(use_tc_tiling_on_sc=False),
)
def _sc_edge_pass(z_hbm, row_hbm, col_hbm, zeros_hbm, out_hbm,
                  rows_v, cols_v, bufs, acc, zbuf, gsems, ssems):
    cid = lax.axis_index("c")
    sid = lax.axis_index("s")
    wid = sid * NC + cid
    pltpu.sync_copy(row_hbm.at[wid], rows_v)
    pltpu.sync_copy(col_hbm.at[wid], cols_v)
    pltpu.sync_copy(zeros_hbm.at[pl.ds(sid * STRIPE, STRIPE)],
                    acc.at[pl.ds(sid * STRIPE, STRIPE)])

    @pl.when(sid < NS - 1)
    def _():
        pltpu.sync_copy(z_hbm.at[pl.ds(sid * STRIPE, STRIPE)],
                        zbuf.at[pl.ds(sid * STRIPE, STRIPE)])

    @pl.when(sid == NS - 1)
    def _():
        pltpu.sync_copy(z_hbm.at[pl.ds((NS - 1) * STRIPE, N - (NS - 1) * STRIPE)],
                        zbuf.at[pl.ds((NS - 1) * STRIPE, N - (NS - 1) * STRIPE)])
    plsc.subcore_barrier()

    def g(c, b):
        pltpu.async_copy(zbuf.at[rows_v.at[c]], bufs[b], gsems[b])

    def gw(c, b):
        pltpu.make_async_copy(zbuf.at[rows_v.at[c]], bufs[b],
                              gsems[b]).wait()

    def s(c, b):
        pltpu.async_copy(bufs[b], acc.at[cols_v.at[c]], ssems[b], add=True)

    def sw(c, b):
        pltpu.make_async_copy(bufs[b], acc.at[cols_v.at[c]],
                              ssems[b]).wait()

    g(0, 0)
    g(1, 1)
    gw(0, 0); s(0, 0); g(2, 2)
    gw(1, 1); s(1, 1); g(3, 3)

    def quad(k, carry):
        c0 = 2 + 4 * k
        for j in range(4):
            c = c0 + j
            b = (2 + j) % 4
            b2 = (b + 2) % 4
            gw(c, b)
            s(c, b)
            sw(c - 2, b2)
            g(c + 2, b2)
        return carry

    lax.fori_loop(0, (NCH - 5) // 4, quad, 0)
    gw(NCH - 3, 2); s(NCH - 3, 2); sw(NCH - 5, 0); g(NCH - 1, 0)
    gw(NCH - 2, 3); s(NCH - 2, 3); sw(NCH - 4, 1)
    gw(NCH - 1, 0); s(NCH - 1, 0)
    sw(NCH - 3, 2)
    sw(NCH - 2, 3)
    sw(NCH - 1, 0)
    plsc.subcore_barrier()
    pltpu.sync_copy(acc.at[pl.ds(sid * STRIPE, STRIPE)],
                    out_hbm.at[cid, pl.ds(sid * STRIPE, STRIPE)])


def _mm2_body(x_ref, w0_ref, w1_ref, m0_ref, m1_ref):
    x = x_ref[...]
    m0_ref[...] = jnp.dot(x, w0_ref[...], preferred_element_type=jnp.float32)
    m1_ref[...] = jnp.dot(x, w1_ref[...], preferred_element_type=jnp.float32)


def _scale_body(p_ref, m1_ref, dinv_ref, z1_ref):
    p = p_ref[...]
    deg = p[0:1, :] + p[1:2, :]
    dinv_lane = jnp.where(deg > 0.0, lax.rsqrt(jnp.maximum(deg, 1.0e-12)),
                          0.0)
    dinv = jnp.transpose(dinv_lane, (1, 0))[:N]
    dinv_ref[...] = dinv
    z1_ref[...] = m1_ref[...] * dinv


def _mid_body(m0_ref, b_ref, dinv_ref, a0_ref, a1_ref, h_ref, z2_ref):
    dinv = dinv_ref[...]
    s = -dinv * (a0_ref[...].reshape(N, F1) + a1_ref[...].reshape(N, F1))
    h = jnp.maximum(m0_ref[...] + s + b_ref[...], 0.0)
    h_ref[...] = h
    z2_ref[...] = dinv * h


def _hw_body(h_ref, w_ref, hw_ref):
    hw_ref[...] = jnp.dot(h_ref[...], w_ref[...],
                          preferred_element_type=jnp.float32)


def _final_body(hw_ref, w1_ref, b_ref, dinv_ref, a0_ref, a1_ref, o_ref):
    s = -dinv_ref[...] * (a0_ref[...].reshape(N, F1)
                          + a1_ref[...].reshape(N, F1))
    o_ref[...] = (hw_ref[...]
                  + jnp.dot(s, w1_ref[...], preferred_element_type=jnp.float32)
                  + b_ref[...])


def _full(shape):
    return pl.BlockSpec(shape, lambda i: tuple(0 for _ in shape))


def _part(k, shape):
    return pl.BlockSpec((1,) + shape, lambda i: (k,) + tuple(0 for _ in shape))


def kernel(x, edge_index, W0a, W1a, ba, W0b, W1b, bb):
    row = edge_index[0].reshape(NW, NCH, CH)
    col = edge_index[1].reshape(NW, NCH, CH)
    ones_ch = jnp.ones((CH,), jnp.float32)
    zeros1 = jnp.zeros((NP,), jnp.float32)
    zeros2 = jnp.zeros((NP, F1), jnp.float32)

    degp = _sc_degree(row, ones_ch, zeros1)

    m0, m1 = pl.pallas_call(
        _mm2_body,
        grid=(1,),
        in_specs=[_full((N, 128)), _full((128, F1)), _full((128, F1))],
        out_specs=[_full((N, F1)), _full((N, F1))],
        out_shape=[jax.ShapeDtypeStruct((N, F1), jnp.float32),
                   jax.ShapeDtypeStruct((N, F1), jnp.float32)],
    )(x, W0a, W1a)

    dinv, z1 = pl.pallas_call(
        _scale_body,
        grid=(1,),
        in_specs=[_full((NC, NP)), _full((N, F1))],
        out_specs=[_full((N, 1)), _full((N, F1))],
        out_shape=[jax.ShapeDtypeStruct((N, 1), jnp.float32),
                   jax.ShapeDtypeStruct((N, F1), jnp.float32)],
    )(degp, m1)

    acc1 = _sc_edge_pass(z1, row, col, zeros2)

    h, z2 = pl.pallas_call(
        _mid_body,
        grid=(1,),
        in_specs=[_full((N, F1)), _full((1, F1)), _full((N, 1)),
                  _part(0, (N, F1)), _part(1, (N, F1))],
        out_specs=[_full((N, F1)), _full((N, F1))],
        out_shape=[jax.ShapeDtypeStruct((N, F1), jnp.float32),
                   jax.ShapeDtypeStruct((N, F1), jnp.float32)],
    )(m0, ba.reshape(1, F1), dinv, acc1, acc1)

    hw = pl.pallas_call(
        _hw_body,
        grid=(1,),
        in_specs=[_full((N, F1)), _full((F1, 128))],
        out_specs=_full((N, 128)),
        out_shape=jax.ShapeDtypeStruct((N, 128), jnp.float32),
    )(h, W0b)

    acc2 = _sc_edge_pass(z2, row, col, zeros2)

    out = pl.pallas_call(
        _final_body,
        grid=(1,),
        in_specs=[_full((N, 128)), _full((F1, 128)), _full((1, 128)),
                  _full((N, 1)), _part(0, (N, F1)), _part(1, (N, F1))],
        out_specs=_full((N, 128)),
        out_shape=jax.ShapeDtypeStruct((N, 128), jnp.float32),
    )(hw, W1b, bb.reshape(1, 128), dinv, acc2, acc2)

    return out

# --- scband reference (transcript-rebuilt; emitter-appended) ---
"""Pipeline reference for scband-cheb-encoder-55284819034171 (READ-ONLY COPY).

The authoritative reference and input builder live on the scoring server;
editing this copy changes nothing except your own understanding.
"""

import jax, jax.numpy as jnp
import numpy as np

N_NODES = 10000
N_EDGES = 320000
IN_CH = 128
HID_CH = 64


def setup_inputs(seed: int = 0) -> dict:
    key = jax.random.key(seed)
    ks = jax.random.split(key, 8)
    x = jax.random.normal(ks[0], (N_NODES, IN_CH), dtype=jnp.float32)
    edge_index = jax.random.randint(ks[1], (2, N_EDGES), 0, N_NODES, dtype=jnp.int64 if jax.config.jax_enable_x64 else jnp.int32).astype(jnp.int32)
    # ChebConv(in=128, out=64, K=2): lins[0], lins[1] (no bias) + bias
    W0a = jax.random.normal(ks[2], (IN_CH, HID_CH), dtype=jnp.float32) * 0.05
    W1a = jax.random.normal(ks[3], (IN_CH, HID_CH), dtype=jnp.float32) * 0.05
    ba = jnp.zeros((HID_CH,), dtype=jnp.float32)
    # ChebConv(in=64, out=128, K=2)
    W0b = jax.random.normal(ks[4], (HID_CH, IN_CH), dtype=jnp.float32) * 0.05
    W1b = jax.random.normal(ks[5], (HID_CH, IN_CH), dtype=jnp.float32) * 0.05
    bb = jnp.zeros((IN_CH,), dtype=jnp.float32)
    return {"x": x, "edge_index": edge_index, "W0a": W0a, "W1a": W1a, "ba": ba, "W0b": W0b, "W1b": W1b, "bb": bb}


def _cheb_conv_k2(x, edge_index, W0, W1, b):
    # Faithful to PyG ChebConv with K=2, normalization='sym', lambda_max=2.0:
    #   L_hat = 2/lambda_max * (I - D^-1/2 A D^-1/2) - I = -D^-1/2 A D^-1/2 (off-diagonal edges;
    #   the +1 diagonal from get_laplacian and the -1 self-loops from add_self_loops cancel).
    # Tx0 = x; Tx1 = L_hat @ x; out = Tx0 @ W0 + Tx1 @ W1 + b
    n = x.shape[0]
    row = edge_index[0]  # source (x_j)
    col = edge_index[1]  # target (aggregation index)
    w = jnp.ones(row.shape[0], dtype=x.dtype)
    deg = jax.ops.segment_sum(w, row, num_segments=n)
    dinv = jnp.where(deg > 0, 1.0 / jnp.sqrt(deg), 0.0)
    norm = -(dinv[row] * w * dinv[col])
    Tx0 = x
    msgs = norm[:, None] * jnp.take(x, row, axis=0)
    Tx1 = jax.ops.segment_sum(msgs, col, num_segments=n)
    return Tx0 @ W0 + Tx1 @ W1 + b


def reference(x, edge_index, W0a, W1a, ba, W0b, W1b, bb):
    h = jax.nn.relu(_cheb_conv_k2(x, edge_index, W0a, W1a, ba))
    return _cheb_conv_k2(h, edge_index, W0b, W1b, bb)

if __name__ == "__main__":
    import jax
    _d = setup_inputs()
    print(jax.jit(kernel)(*tuple(_d.values())))

</pallas_src>

<mosaic_0001>
#map = affine_map<(d0, d1) -> (0, 0, 0)>
#map1 = affine_map<(d0, d1) -> (0)>
#map2 = affine_map<(d0, d1) -> (0, 0)>
module attributes {stable_mosaic.version = 14 : i64} {
  func.func @_sc_degree(%arg0: i32, %arg1: i32, %arg2: memref<32x125x80xi32, #tpu.memory_space<hbm>>, %arg3: memref<80xf32, #tpu.memory_space<hbm>>, %arg4: memref<10240xf32, #tpu.memory_space<hbm>>, %arg5: memref<2x10240xf32, #tpu.memory_space<hbm>>, %arg6: memref<125x80xi32, #tpu.memory_space<vmem>>, %arg7: memref<80xf32, #tpu.memory_space<vmem>>, %arg8: memref<10240xf32, #tpu.memory_space<vmem_shared>>, %arg9: memref<!tpu.dma_semaphore, #tpu.memory_space<semaphore_mem>>) attributes {dimension_semantics = [#tpu.dimension_semantics<core_parallel>, #tpu.dimension_semantics<subcore_parallel>], iteration_bounds = array<i64: 2, 16>, scalar_prefetch = 0 : i64, scratch_operands = 4 : i64, tpu.core_type = #tpu.core_type<sc_vector_subcore>, window_params = [{transform_indices = #map}, {transform_indices = #map1}, {transform_indices = #map1}, {transform_indices = #map2}]} {
    %mul3A = arith.constant 2 : i32
    %mul3A_0 = arith.muli %arg1, %mul3A : i32
    %add3A = arith.addi %mul3A_0, %arg0 : i32
    "tpu.region"() ({
      %run_scoped3A = tpu.sem_alloc : memref<!tpu.dma_semaphore, #tpu.memory_space<semaphore_mem>>
      %dma_start3A = arith.constant 0 : i32
      %dma_start3A_21 = arith.constant 0 : i32
      %dma_start3A_22 = tpu.memref_slice %arg2[%add3A, %dma_start3A, %dma_start3A_21] : memref<32x125x80xi32, #tpu.memory_space<hbm>> -> memref<1x125x80xi32, #tpu.memory_space<hbm>>
      %dma_start3A_23 = tpu.memref_squeeze %dma_start3A_22 : memref<1x125x80xi32, #tpu.memory_space<hbm>> -> memref<125x80xi32, #tpu.memory_space<hbm>>
      %dma_start3A_24 = arith.constant 0 : i32
      %dma_start3A_25 = arith.constant 0 : i32
      %dma_start3A_26 = tpu.memref_slice %arg2[%add3A, %dma_start3A_24, %dma_start3A_25] : memref<32x125x80xi32, #tpu.memory_space<hbm>> -> memref<1x125x80xi32, #tpu.memory_space<hbm>>
      %dma_start3A_27 = tpu.memref_squeeze %dma_start3A_26 : memref<1x125x80xi32, #tpu.memory_space<hbm>> -> memref<125x80xi32, #tpu.memory_space<hbm>>
      tpu.enqueue_dma source(%dma_start3A_27 : memref<125x80xi32, #tpu.memory_space<hbm>>) target(%arg6 : memref<125x80xi32, #tpu.memory_space<vmem>>) target_semaphore(%run_scoped3A : memref<!tpu.dma_semaphore, #tpu.memory_space<semaphore_mem>>)
      %dma_wait3A = arith.constant 0 : i32
      %dma_wait3A_28 = arith.constant 0 : i32
      %dma_wait3A_29 = tpu.memref_slice %arg2[%add3A, %dma_wait3A, %dma_wait3A_28] : memref<32x125x80xi32, #tpu.memory_space<hbm>> -> memref<1x125x80xi32, #tpu.memory_space<hbm>>
      %dma_wait3A_30 = tpu.memref_squeeze %dma_wait3A_29 : memref<1x125x80xi32, #tpu.memory_space<hbm>> -> memref<125x80xi32, #tpu.memory_space<hbm>>
      %dma_wait3A_31 = arith.constant 0 : i32
      %dma_wait3A_32 = arith.constant 0 : i32
      %dma_wait3A_33 = tpu.memref_slice %arg2[%add3A, %dma_wait3A_31, %dma_wait3A_32] : memref<32x125x80xi32, #tpu.memory_space<hbm>> -> memref<1x125x80xi32, #tpu.memory_space<hbm>>
      %dma_wait3A_34 = tpu.memref_squeeze %dma_wait3A_33 : memref<1x125x80xi32, #tpu.memory_space<hbm>> -> memref<125x80xi32, #tpu.memory_space<hbm>>
      tpu.wait_dma2 semaphore(%run_scoped3A : memref<!tpu.dma_semaphore, #tpu.memory_space<semaphore_mem>>) src(%dma_wait3A_34 : memref<125x80xi32, #tpu.memory_space<hbm>>) dst(%arg6 : memref<125x80xi32, #tpu.memory_space<vmem>>)
      tpu.yield
    }) : () -> ()
    "tpu.region"() ({
      %run_scoped3A = tpu.sem_alloc : memref<!tpu.dma_semaphore, #tpu.memory_space<semaphore_mem>>
      tpu.enqueue_dma source(%arg3 : memref<80xf32, #tpu.memory_space<hbm>>) target(%arg7 : memref<80xf32, #tpu.memory_space<vmem>>) target_semaphore(%run_scoped3A : memref<!tpu.dma_semaphore, #tpu.memory_space<semaphore_mem>>)
      tpu.wait_dma2 semaphore(%run_scoped3A : memref<!tpu.dma_semaphore, #tpu.memory_space<semaphore_mem>>) src(%arg3 : memref<80xf32, #tpu.memory_space<hbm>>) dst(%arg7 : memref<80xf32, #tpu.memory_space<vmem>>)
      tpu.yield
    }) : () -> ()
    %mul3A_1 = arith.constant 640 : i32
    %mul3A_2 = arith.muli %arg1, %mul3A_1 : i32
    %mul3A_3 = arith.constant 640 : i32
    %mul3A_4 = arith.muli %arg1, %mul3A_3 : i32
    "tpu.region"() ({
      %run_scoped3A = tpu.sem_alloc : memref<!tpu.dma_semaphore, #tpu.memory_space<semaphore_mem>>
      %dma_start3A = tpu.memref_slice %arg8[%mul3A_4] : memref<10240xf32, #tpu.memory_space<vmem_shared>> -> memref<640xf32, #tpu.memory_space<vmem_shared>>
      %dma_start3A_21 = tpu.memref_slice %arg4[%mul3A_2] : memref<10240xf32, #tpu.memory_space<hbm>> -> memref<640xf32, #tpu.memory_space<hbm>>
      tpu.enqueue_dma source(%dma_start3A_21 : memref<640xf32, #tpu.memory_space<hbm>>) target(%dma_start3A : memref<640xf32, #tpu.memory_space<vmem_shared>>) target_semaphore(%run_scoped3A : memref<!tpu.dma_semaphore, #tpu.memory_space<semaphore_mem>>)
      %dma_wait3A = tpu.memref_slice %arg8[%mul3A_4] : memref<10240xf32, #tpu.memory_space<vmem_shared>> -> memref<640xf32, #tpu.memory_space<vmem_shared>>
      %dma_wait3A_22 = tpu.memref_slice %arg4[%mul3A_2] : memref<10240xf32, #tpu.memory_space<hbm>> -> memref<640xf32, #tpu.memory_space<hbm>>
      tpu.wait_dma2 semaphore(%run_scoped3A : memref<!tpu.dma_semaphore, #tpu.memory_space<semaphore_mem>>) src(%dma_wait3A_22 : memref<640xf32, #tpu.memory_space<hbm>>) dst(%dma_wait3A : memref<640xf32, #tpu.memory_space<vmem_shared>>)
      tpu.yield
    }) : () -> ()
    %barrier3A = arith.constant 0 : index
    tpu.barrier barrier_id(%barrier3A)
    %scan3A = arith.constant 0 : i32
    %scan3A_5 = arith.constant 0 : i32
    %scan3A_6 = arith.constant 125 : i32
    %scan3A_7 = arith.addi %scan3A_5, %scan3A_6 : i32
    %scan3A_8 = arith.constant 1 : i32
    scf.for %scan3A_21 = %scan3A_5 to %scan3A_7 step %scan3A_8  : i32 {
      %dma_start3A = arith.constant 0 : i32
      %dma_start3A_22 = tpu.memref_slice %arg6[%scan3A_21, %dma_start3A] : memref<125x80xi32, #tpu.memory_space<vmem>> -> memref<1x80xi32, #tpu.memory_space<vmem>>
      %dma_start3A_23 = tpu.memref_squeeze %dma_start3A_22 : memref<1x80xi32, #tpu.memory_space<vmem>> -> memref<80xi32, #tpu.memory_space<vmem>>
      %dma_start3A_24 = arith.constant 0 : i32
      %dma_start3A_25 = tpu.memref_slice %arg8[%dma_start3A_24] : memref<10240xf32, #tpu.memory_space<vmem_shared>> -> memref<10240xf32, #tpu.memory_space<vmem_shared>>
      tpu.enqueue_indirect_dma source(%arg7 : memref<80xf32, #tpu.memory_space<vmem>>) target(%dma_start3A_25 : memref<10240xf32, #tpu.memory_space<vmem_shared>>) offsets(%dma_start3A_23 : memref<80xi32, #tpu.memory_space<vmem>>) semaphore(%arg9 : memref<!tpu.dma_semaphore, #tpu.memory_space<semaphore_mem>>) {add = true}
    }
    %scan3A_9 = arith.constant 125 : i32
    %scan3A_10 = arith.constant 0 : i32
    %scan3A_11 = arith.constant 0 : i32
    %scan3A_12 = arith.constant 125 : i32
    %scan3A_13 = arith.addi %scan3A_11, %scan3A_12 : i32
    %scan3A_14 = arith.constant 1 : i32
    scf.for %scan3A_21 = %scan3A_11 to %scan3A_13 step %scan3A_14  : i32 {
      %dma_wait3A = arith.constant 0 : i32
      %dma_wait3A_22 = arith.constant 0 : i32
      %dma_wait3A_23 = tpu.memref_slice %arg6[%dma_wait3A, %dma_wait3A_22] : memref<125x80xi32, #tpu.memory_space<vmem>> -> memref<1x80xi32, #tpu.memory_space<vmem>>
      %dma_wait3A_24 = tpu.memref_squeeze %dma_wait3A_23 : memref<1x80xi32, #tpu.memory_space<vmem>> -> memref<80xi32, #tpu.memory_space<vmem>>
      %dma_wait3A_25 = arith.constant 0 : i32
      %dma_wait3A_26 = tpu.memref_slice %arg8[%dma_wait3A_25] : memref<10240xf32, #tpu.memory_space<vmem_shared>> -> memref<10240xf32, #tpu.memory_space<vmem_shared>>
      tpu.wait_indirect_dma semaphore(%arg9 : memref<!tpu.dma_semaphore, #tpu.memory_space<semaphore_mem>>) src(%arg7 : memref<80xf32, #tpu.memory_space<vmem>>) dst(%dma_wait3A_26 : memref<10240xf32, #tpu.memory_space<vmem_shared>>)
    }
    %scan3A_15 = arith.constant 125 : i32
    %barrier3A_16 = arith.constant 0 : index
    tpu.barrier barrier_id(%barrier3A_16)
    %mul3A_17 = arith.constant 640 : i32
    %mul3A_18 = arith.muli %arg1, %mul3A_17 : i32
    %mul3A_19 = arith.constant 640 : i32
    %mul3A_20 = arith.muli %arg1, %mul3A_19 : i32
    "tpu.region"() ({
      %run_scoped3A = tpu.sem_alloc : memref<!tpu.dma_semaphore, #tpu.memory_space<semaphore_mem>>
      %dma_start3A = tpu.memref_slice %arg5[%arg0, %mul3A_20] : memref<2x10240xf32, #tpu.memory_space<hbm>> -> memref<1x640xf32, #tpu.memory_space<hbm>>
      %dma_start3A_21 = tpu.memref_squeeze %dma_start3A : memref<1x640xf32, #tpu.memory_space<hbm>> -> memref<640xf32, #tpu.memory_space<hbm>>
      %dma_start3A_22 = tpu.memref_slice %arg8[%mul3A_18] : memref<10240xf32, #tpu.memory_space<vmem_shared>> -> memref<640xf32, #tpu.memory_space<vmem_shared>>
      tpu.enqueue_dma source(%dma_start3A_22 : memref<640xf32, #tpu.memory_space<vmem_shared>>) target(%dma_start3A_21 : memref<640xf32, #tpu.memory_space<hbm>>) target_semaphore(%run_scoped3A : memref<!tpu.dma_semaphore, #tpu.memory_space<semaphore_mem>>)
      %dma_wait3A = tpu.memref_slice %arg5[%arg0, %mul3A_20] : memref<2x10240xf32, #tpu.memory_space<hbm>> -> memref<1x640xf32, #tpu.memory_space<hbm>>
      %dma_wait3A_23 = tpu.memref_squeeze %dma_wait3A : memref<1x640xf32, #tpu.memory_space<hbm>> -> memref<640xf32, #tpu.memory_space<hbm>>
      %dma_wait3A_24 = tpu.memref_slice %arg8[%mul3A_18] : memref<10240xf32, #tpu.memory_space<vmem_shared>> -> memref<640xf32, #tpu.memory_space<vmem_shared>>
      tpu.wait_dma2 semaphore(%run_scoped3A : memref<!tpu.dma_semaphore, #tpu.memory_space<semaphore_mem>>) src(%dma_wait3A_24 : memref<640xf32, #tpu.memory_space<vmem_shared>>) dst(%dma_wait3A_23 : memref<640xf32, #tpu.memory_space<hbm>>)
      tpu.yield
    }) : () -> ()
    return
  }
}

#map = affine_map<(d0, d1) -> (0, 0)>
#map1 = affine_map<(d0, d1) -> (0, 0, 0)>
module attributes {stable_mosaic.version = 14 : i64} {
  func.func @_sc_edge_pass(%arg0: i32, %arg1: i32, %arg2: memref<10000x64xf32, #tpu.memory_space<hbm>>, %arg3: memref<32x125x80xi32, #tpu.memory_space<hbm>>, %arg4: memref<32x125x80xi32, #tpu.memory_space<hbm>>, %arg5: memref<10240x64xf32, #tpu.memory_space<hbm>>, %arg6: memref<2x10240x64xf32, #tpu.memory_space<hbm>>, %arg7: memref<125x80xi32, #tpu.memory_space<vmem>>, %arg8: memref<125x80xi32, #tpu.memory_space<vmem>>, %arg9: memref<80x64xf32, #tpu.memory_space<vmem>>, %arg10: memref<80x64xf32, #tpu.memory_space<vmem>>, %arg11: memref<80x64xf32, #tpu.memory_space<vmem>>, %arg12: memref<80x64xf32, #tpu.memory_space<vmem>>, %arg13: memref<10240x64xf32, #tpu.memory_space<vmem_shared>>, %arg14: memref<10240x64xf32, #tpu.memory_space<vmem_shared>>, %arg15: memref<!tpu.dma_semaphore, #tpu.memory_space<semaphore_mem>>, %arg16: memref<!tpu.dma_semaphore, #tpu.memory_space<semaphore_mem>>, %arg17: memref<!tpu.dma_semaphore, #tpu.memory_space<semaphore_mem>>, %arg18: memref<!tpu.dma_semaphore, #tpu.memory_space<semaphore_mem>>, %arg19: memref<!tpu.dma_semaphore, #tpu.memory_space<semaphore_mem>>, %arg20: memref<!tpu.dma_semaphore, #tpu.memory_space<semaphore_mem>>, %arg21: memref<!tpu.dma_semaphore, #tpu.memory_space<semaphore_mem>>, %arg22: memref<!tpu.dma_semaphore, #tpu.memory_space<semaphore_mem>>) attributes {dimension_semantics = [#tpu.dimension_semantics<core_parallel>, #tpu.dimension_semantics<subcore_parallel>], iteration_bounds = array<i64: 2, 16>, scalar_prefetch = 0 : i64, scratch_operands = 16 : i64, tpu.core_type = #tpu.core_type<sc_vector_subcore>, window_params = [{transform_indices = #map}, {transform_indices = #map1}, {transform_indices = #map1}, {transform_indices = #map}, {transform_indices = #map1}]} {
    %mul3A = arith.constant 2 : i32
    %mul3A_0 = arith.muli %arg1, %mul3A : i32
    %add3A = arith.addi %mul3A_0, %arg0 : i32
    "tpu.region"() ({
      %run_scoped3A = tpu.sem_alloc : memref<!tpu.dma_semaphore, #tpu.memory_space<semaphore_mem>>
      %dma_start3A_159 = arith.constant 0 : i32
      %dma_start3A_160 = arith.constant 0 : i32
      %dma_start3A_161 = tpu.memref_slice %arg3[%add3A, %dma_start3A_159, %dma_start3A_160] : memref<32x125x80xi32, #tpu.memory_space<hbm>> -> memref<1x125x80xi32, #tpu.memory_space<hbm>>
      %dma_start3A_162 = tpu.memref_squeeze %dma_start3A_161 : memref<1x125x80xi32, #tpu.memory_space<hbm>> -> memref<125x80xi32, #tpu.memory_space<hbm>>
      %dma_start3A_163 = arith.constant 0 : i32
      %dma_start3A_164 = arith.constant 0 : i32
      %dma_start3A_165 = tpu.memref_slice %arg3[%add3A, %dma_start3A_163, %dma_start3A_164] : memref<32x125x80xi32, #tpu.memory_space<hbm>> -> memref<1x125x80xi32, #tpu.memory_space<hbm>>
      %dma_start3A_166 = tpu.memref_squeeze %dma_start3A_165 : memref<1x125x80xi32, #tpu.memory_space<hbm>> -> memref<125x80xi32, #tpu.memory_space<hbm>>
      tpu.enqueue_dma source(%dma_start3A_166 : memref<125x80xi32, #tpu.memory_space<hbm>>) target(%arg7 : memref<125x80xi32, #tpu.memory_space<vmem>>) target_semaphore(%run_scoped3A : memref<!tpu.dma_semaphore, #tpu.memory_space<semaphore_mem>>)
      %dma_wait3A_167 = arith.constant 0 : i32
      %dma_wait3A_168 = arith.constant 0 : i32
      %dma_wait3A_169 = tpu.memref_slice %arg3[%add3A, %dma_wait3A_167, %dma_wait3A_168] : memref<32x125x80xi32, #tpu.memory_space<hbm>> -> memref<1x125x80xi32, #tpu.memory_space<hbm>>
      %dma_wait3A_170 = tpu.memref_squeeze %dma_wait3A_169 : memref<1x125x80xi32, #tpu.memory_space<hbm>> -> memref<125x80xi32, #tpu.memory_space<hbm>>
      %dma_wait3A_171 = arith.constant 0 : i32
      %dma_wait3A_172 = arith.constant 0 : i32
      %dma_wait3A_173 = tpu.memref_slice %arg3[%add3A, %dma_wait3A_171, %dma_wait3A_172] : memref<32x125x80xi32, #tpu.memory_space<hbm>> -> memref<1x125x80xi32, #tpu.memory_space<hbm>>
      %dma_wait3A_174 = tpu.memref_squeeze %dma_wait3A_173 : memref<1x125x80xi32, #tpu.memory_space<hbm>> -> memref<125x80xi32, #tpu.memory_space<hbm>>
      tpu.wait_dma2 semaphore(%run_scoped3A : memref<!tpu.dma_semaphore, #tpu.memory_space<semaphore_mem>>) src(%dma_wait3A_174 : memref<125x80xi32, #tpu.memory_space<hbm>>) dst(%arg7 : memref<125x80xi32, #tpu.memory_space<vmem>>)
      tpu.yield
    }) : () -> ()
    "tpu.region"() ({
      %run_scoped3A = tpu.sem_alloc : memref<!tpu.dma_semaphore, #tpu.memory_space<semaphore_mem>>
      %dma_start3A_159 = arith.constant 0 : i32
      %dma_start3A_160 = arith.constant 0 : i32
      %dma_start3A_161 = tpu.memref_slice %arg4[%add3A, %dma_start3A_159, %dma_start3A_160] : memref<32x125x80xi32, #tpu.memory_space<hbm>> -> memref<1x125x80xi32, #tpu.memory_space<hbm>>
      %dma_start3A_162 = tpu.memref_squeeze %dma_start3A_161 : memref<1x125x80xi32, #tpu.memory_space<hbm>> -> memref<125x80xi32, #tpu.memory_space<hbm>>
      %dma_start3A_163 = arith.constant 0 : i32
      %dma_start3A_164 = arith.constant 0 : i32
      %dma_start3A_165 = tpu.memref_slice %arg4[%add3A, %dma_start3A_163, %dma_start3A_164] : memref<32x125x80xi32, #tpu.memory_space<hbm>> -> memref<1x125x80xi32, #tpu.memory_space<hbm>>
      %dma_start3A_166 = tpu.memref_squeeze %dma_start3A_165 : memref<1x125x80xi32, #tpu.memory_space<hbm>> -> memref<125x80xi32, #tpu.memory_space<hbm>>
      tpu.enqueue_dma source(%dma_start3A_166 : memref<125x80xi32, #tpu.memory_space<hbm>>) target(%arg8 : memref<125x80xi32, #tpu.memory_space<vmem>>) target_semaphore(%run_scoped3A : memref<!tpu.dma_semaphore, #tpu.memory_space<semaphore_mem>>)
      %dma_wait3A_167 = arith.constant 0 : i32
      %dma_wait3A_168 = arith.constant 0 : i32
      %dma_wait3A_169 = tpu.memref_slice %arg4[%add3A, %dma_wait3A_167, %dma_wait3A_168] : memref<32x125x80xi32, #tpu.memory_space<hbm>> -> memref<1x125x80xi32, #tpu.memory_space<hbm>>
      %dma_wait3A_170 = tpu.memref_squeeze %dma_wait3A_169 : memref<1x125x80xi32, #tpu.memory_space<hbm>> -> memref<125x80xi32, #tpu.memory_space<hbm>>
      %dma_wait3A_171 = arith.constant 0 : i32
      %dma_wait3A_172 = arith.constant 0 : i32
      %dma_wait3A_173 = tpu.memref_slice %arg4[%add3A, %dma_wait3A_171, %dma_wait3A_172] : memref<32x125x80xi32, #tpu.memory_space<hbm>> -> memref<1x125x80xi32, #tpu.memory_space<hbm>>
      %dma_wait3A_174 = tpu.memref_squeeze %dma_wait3A_173 : memref<1x125x80xi32, #tpu.memory_space<hbm>> -> memref<125x80xi32, #tpu.memory_space<hbm>>
      tpu.wait_dma2 semaphore(%run_scoped3A : memref<!tpu.dma_semaphore, #tpu.memory_space<semaphore_mem>>) src(%dma_wait3A_174 : memref<125x80xi32, #tpu.memory_space<hbm>>) dst(%arg8 : memref<125x80xi32, #tpu.memory_space<vmem>>)
      tpu.yield
    }) : () -> ()
    %mul3A_1 = arith.constant 640 : i32
    %mul3A_2 = arith.muli %arg1, %mul3A_1 : i32
    %mul3A_3 = arith.constant 640 : i32
    %mul3A_4 = arith.muli %arg1, %mul3A_3 : i32
    "tpu.region"() ({
      %run_scoped3A = tpu.sem_alloc : memref<!tpu.dma_semaphore, #tpu.memory_space<semaphore_mem>>
      %dma_start3A_159 = arith.constant 0 : i32
      %dma_start3A_160 = tpu.memref_slice %arg13[%mul3A_4, %dma_start3A_159] : memref<10240x64xf32, #tpu.memory_space<vmem_shared>> -> memref<640x64xf32, #tpu.memory_space<vmem_shared>>
      %dma_start3A_161 = arith.constant 0 : i32
      %dma_start3A_162 = tpu.memref_slice %arg5[%mul3A_2, %dma_start3A_161] : memref<10240x64xf32, #tpu.memory_space<hbm>> -> memref<640x64xf32, #tpu.memory_space<hbm>>
      tpu.enqueue_dma source(%dma_start3A_162 : memref<640x64xf32, #tpu.memory_space<hbm>>) target(%dma_start3A_160 : memref<640x64xf32, #tpu.memory_space<vmem_shared>>) target_semaphore(%run_scoped3A : memref<!tpu.dma_semaphore, #tpu.memory_space<semaphore_mem>>)
      %dma_wait3A_163 = arith.constant 0 : i32
      %dma_wait3A_164 = tpu.memref_slice %arg13[%mul3A_4, %dma_wait3A_163] : memref<10240x64xf32, #tpu.memory_space<vmem_shared>> -> memref<640x64xf32, #tpu.memory_space<vmem_shared>>
      %dma_wait3A_165 = arith.constant 0 : i32
      %dma_wait3A_166 = tpu.memref_slice %arg5[%mul3A_2, %dma_wait3A_165] : memref<10240x64xf32, #tpu.memory_space<hbm>> -> memref<640x64xf32, #tpu.memory_space<hbm>>
      tpu.wait_dma2 semaphore(%run_scoped3A : memref<!tpu.dma_semaphore, #tpu.memory_space<semaphore_mem>>) src(%dma_wait3A_166 : memref<640x64xf32, #tpu.memory_space<hbm>>) dst(%dma_wait3A_164 : memref<640x64xf32, #tpu.memory_space<vmem_shared>>)
      tpu.yield
    }) : () -> ()
    %lt3A = arith.constant 15 : i32
    %lt3A_5 = arith.cmpi slt, %arg1, %lt3A : i32
    %convert_element_type3A = arith.extui %lt3A_5 : i1 to i32
    %cond3A = arith.constant 0 : i32
    %cond3A_6 = arith.cmpi ne, %convert_element_type3A, %cond3A : i32
    scf.if %cond3A_6 {
      %mul3A_159 = arith.constant 640 : i32
      %mul3A_160 = arith.muli %arg1, %mul3A_159 : i32
      %mul3A_161 = arith.constant 640 : i32
      %mul3A_162 = arith.muli %arg1, %mul3A_161 : i32
      "tpu.region"() ({
        %run_scoped3A = tpu.sem_alloc : memref<!tpu.dma_semaphore, #tpu.memory_space<semaphore_mem>>
        %dma_start3A_163 = arith.constant 0 : i32
        %dma_start3A_164 = tpu.memref_slice %arg14[%mul3A_162, %dma_start3A_163] : memref<10240x64xf32, #tpu.memory_space<vmem_shared>> -> memref<640x64xf32, #tpu.memory_space<vmem_shared>>
        %dma_start3A_165 = arith.constant 0 : i32
        %dma_start3A_166 = tpu.memref_slice %arg2[%mul3A_160, %dma_start3A_165] : memref<10000x64xf32, #tpu.memory_space<hbm>> -> memref<640x64xf32, #tpu.memory_space<hbm>>
        tpu.enqueue_dma source(%dma_start3A_166 : memref<640x64xf32, #tpu.memory_space<hbm>>) target(%dma_start3A_164 : memref<640x64xf32, #tpu.memory_space<vmem_shared>>) target_semaphore(%run_scoped3A : memref<!tpu.dma_semaphore, #tpu.memory_space<semaphore_mem>>)
        %dma_wait3A_167 = arith.constant 0 : i32
        %dma_wait3A_168 = tpu.memref_slice %arg14[%mul3A_162, %dma_wait3A_167] : memref<10240x64xf32, #tpu.memory_space<vmem_shared>> -> memref<640x64xf32, #tpu.memory_space<vmem_shared>>
        %dma_wait3A_169 = arith.constant 0 : i32
        %dma_wait3A_170 = tpu.memref_slice %arg2[%mul3A_160, %dma_wait3A_169] : memref<10000x64xf32, #tpu.memory_space<hbm>> -> memref<640x64xf32, #tpu.memory_space<hbm>>
        tpu.wait_dma2 semaphore(%run_scoped3A : memref<!tpu.dma_semaphore, #tpu.memory_space<semaphore_mem>>) src(%dma_wait3A_170 : memref<640x64xf32, #tpu.memory_space<hbm>>) dst(%dma_wait3A_168 : memref<640x64xf32, #tpu.memory_space<vmem_shared>>)
        tpu.yield
      }) : () -> ()
    } else {
    }
    %eq3A = arith.constant 15 : i32
    %eq3A_7 = arith.cmpi eq, %arg1, %eq3A : i32
    %convert_element_type3A_8 = arith.extui %eq3A_7 : i1 to i32
    %cond3A_9 = arith.constant 0 : i32
    %cond3A_10 = arith.cmpi ne, %convert_element_type3A_8, %cond3A_9 : i32
    scf.if %cond3A_10 {
      "tpu.region"() ({
        %run_scoped3A = tpu.sem_alloc : memref<!tpu.dma_semaphore, #tpu.memory_space<semaphore_mem>>
        %dma_start3A_159 = arith.constant 9600 : i32
        %dma_start3A_160 = arith.constant 0 : i32
        %dma_start3A_161 = tpu.memref_slice %arg14[%dma_start3A_159, %dma_start3A_160] : memref<10240x64xf32, #tpu.memory_space<vmem_shared>> -> memref<400x64xf32, #tpu.memory_space<vmem_shared>>
        %dma_start3A_162 = arith.constant 9600 : i32
        %dma_start3A_163 = arith.constant 0 : i32
        %dma_start3A_164 = tpu.memref_slice %arg2[%dma_start3A_162, %dma_start3A_163] : memref<10000x64xf32, #tpu.memory_space<hbm>> -> memref<400x64xf32, #tpu.memory_space<hbm>>
        tpu.enqueue_dma source(%dma_start3A_164 : memref<400x64xf32, #tpu.memory_space<hbm>>) target(%dma_start3A_161 : memref<400x64xf32, #tpu.memory_space<vmem_shared>>) target_semaphore(%run_scoped3A : memref<!tpu.dma_semaphore, #tpu.memory_space<semaphore_mem>>)
        %dma_wait3A_165 = arith.constant 9600 : i32
        %dma_wait3A_166 = arith.constant 0 : i32
        %dma_wait3A_167 = tpu.memref_slice %arg14[%dma_wait3A_165, %dma_wait3A_166] : memref<10240x64xf32, #tpu.memory_space<vmem_shared>> -> memref<400x64xf32, #tpu.memory_space<vmem_shared>>
        %dma_wait3A_168 = arith.constant 9600 : i32
        %dma_wait3A_169 = arith.constant 0 : i32
        %dma_wait3A_170 = tpu.memref_slice %arg2[%dma_wait3A_168, %dma_wait3A_169] : memref<10000x64xf32, #tpu.memory_space<hbm>> -> memref<400x64xf32, #tpu.memory_space<hbm>>
        tpu.wait_dma2 semaphore(%run_scoped3A : memref<!tpu.dma_semaphore, #tpu.memory_space<semaphore_mem>>) src(%dma_wait3A_170 : memref<400x64xf32, #tpu.memory_space<hbm>>) dst(%dma_wait3A_167 : memref<400x64xf32, #tpu.memory_space<vmem_shared>>)
        tpu.yield
      }) : () -> ()
    } else {
    }
    %barrier3A = arith.constant 0 : index
    tpu.barrier barrier_id(%barrier3A)
    %dma_start3A = arith.constant 0 : i32
    %dma_start3A_11 = arith.constant 0 : i32
    %dma_start3A_12 = tpu.memref_slice %arg7[%dma_start3A, %dma_start3A_11] : memref<125x80xi32, #tpu.memory_space<vmem>> -> memref<1x80xi32, #tpu.memory_space<vmem>>
    %dma_start3A_13 = tpu.memref_squeeze %dma_start3A_12 : memref<1x80xi32, #tpu.memory_space<vmem>> -> memref<80xi32, #tpu.memory_space<vmem>>
    %dma_start3A_14 = arith.constant 0 : i32
    %dma_start3A_15 = arith.constant 0 : i32
    %dma_start3A_16 = tpu.memref_slice %arg14[%dma_start3A_14, %dma_start3A_15] : memref<10240x64xf32, #tpu.memory_space<vmem_shared>> -> memref<10240x64xf32, #tpu.memory_space<vmem_shared>>
    tpu.enqueue_indirect_dma source(%dma_start3A_16 : memref<10240x64xf32, #tpu.memory_space<vmem_shared>>) target(%arg9 : memref<80x64xf32, #tpu.memory_space<vmem>>) offsets(%dma_start3A_13 : memref<80xi32, #tpu.memory_space<vmem>>) semaphore(%arg15 : memref<!tpu.dma_semaphore, #tpu.memory_space<semaphore_mem>>)
    %dma_start3A_17 = arith.constant 1 : i32
    %dma_start3A_18 = arith.constant 0 : i32
    %dma_start3A_19 = tpu.memref_slice %arg7[%dma_start3A_17, %dma_start3A_18] : memref<125x80xi32, #tpu.memory_space<vmem>> -> memref<1x80xi32, #tpu.memory_space<vmem>>
    %dma_start3A_20 = tpu.memref_squeeze %dma_start3A_19 : memref<1x80xi32, #tpu.memory_space<vmem>> -> memref<80xi32, #tpu.memory_space<vmem>>
    %dma_start3A_21 = arith.constant 0 : i32
    %dma_start3A_22 = arith.constant 0 : i32
    %dma_start3A_23 = tpu.memref_slice %arg14[%dma_start3A_21, %dma_start3A_22] : memref<10240x64xf32, #tpu.memory_space<vmem_shared>> -> memref<10240x64xf32, #tpu.memory_space<vmem_shared>>
    tpu.enqueue_indirect_dma source(%dma_start3A_23 : memref<10240x64xf32, #tpu.memory_space<vmem_shared>>) target(%arg10 : memref<80x64xf32, #tpu.memory_space<vmem>>) offsets(%dma_start3A_20 : memref<80xi32, #tpu.memory_space<vmem>>) semaphore(%arg16 : memref<!tpu.dma_semaphore, #tpu.memory_space<semaphore_mem>>)
    %dma_wait3A = arith.constant 0 : i32
    %dma_wait3A_24 = arith.constant 0 : i32
    %dma_wait3A_25 = tpu.memref_slice %arg7[%dma_wait3A, %dma_wait3A_24] : memref<125x80xi32, #tpu.memory_space<vmem>> -> memref<1x80xi32, #tpu.memory_space<vmem>>
    %dma_wait3A_26 = tpu.memref_squeeze %dma_wait3A_25 : memref<1x80xi32, #tpu.memory_space<vmem>> -> memref<80xi32, #tpu.memory_space<vmem>>
    %dma_wait3A_27 = arith.constant 0 : i32
    %dma_wait3A_28 = arith.constant 0 : i32
    %dma_wait3A_29 = tpu.memref_slice %arg14[%dma_wait3A_27, %dma_wait3A_28] : memref<10240x64xf32, #tpu.memory_space<vmem_shared>> -> memref<10240x64xf32, #tpu.memory_space<vmem_shared>>
    tpu.wait_indirect_dma semaphore(%arg15 : memref<!tpu.dma_semaphore, #tpu.memory_space<semaphore_mem>>) src(%dma_wait3A_29 : memref<10240x64xf32, #tpu.memory_space<vmem_shared>>) dst(%arg9 : memref<80x64xf32, #tpu.memory_space<vmem>>)
    %dma_start3A_30 = arith.constant 0 : i32
    %dma_start3A_31 = arith.constant 0 : i32
    %dma_start3A_32 = tpu.memref_slice %arg8[%dma_start3A_30, %dma_start3A_31] : memref<125x80xi32, #tpu.memory_space<vmem>> -> memref<1x80xi32, #tpu.memory_space<vmem>>
    %dma_start3A_33 = tpu.memref_squeeze %dma_start3A_32 : memref<1x80xi32, #tpu.memory_space<vmem>> -> memref<80xi32, #tpu.memory_space<vmem>>
    %dma_start3A_34 = arith.constant 0 : i32
    %dma_start3A_35 = arith.constant 0 : i32
    %dma_start3A_36 = tpu.memref_slice %arg13[%dma_start3A_34, %dma_start3A_35] : memref<10240x64xf32, #tpu.memory_space<vmem_shared>> -> memref<10240x64xf32, #tpu.memory_space<vmem_shared>>
    tpu.enqueue_indirect_dma source(%arg9 : memref<80x64xf32, #tpu.memory_space<vmem>>) target(%dma_start3A_36 : memref<10240x64xf32, #tpu.memory_space<vmem_shared>>) offsets(%dma_start3A_33 : memref<80xi32, #tpu.memory_space<vmem>>) semaphore(%arg19 : memref<!tpu.dma_semaphore, #tpu.memory_space<semaphore_mem>>) {add = true}
    %dma_start3A_37 = arith.constant 2 : i32
    %dma_start3A_38 = arith.constant 0 : i32
    %dma_start3A_39 = tpu.memref_slice %arg7[%dma_start3A_37, %dma_start3A_38] : memref<125x80xi32, #tpu.memory_space<vmem>> -> memref<1x80xi32, #tpu.memory_space<vmem>>
    %dma_start3A_40 = tpu.memref_squeeze %dma_start3A_39 : memref<1x80xi32, #tpu.memory_space<vmem>> -> memref<80xi32, #tpu.memory_space<vmem>>
    %dma_start3A_41 = arith.constant 0 : i32
    %dma_start3A_42 = arith.constant 0 : i32
    %dma_start3A_43 = tpu.memref_slice %arg14[%dma_start3A_41, %dma_start3A_42] : memref<10240x64xf32, #tpu.memory_space<vmem_shared>> -> memref<10240x64xf32, #tpu.memory_space<vmem_shared>>
    tpu.enqueue_indirect_dma source(%dma_start3A_43 : memref<10240x64xf32, #tpu.memory_space<vmem_shared>>) target(%arg11 : memref<80x64xf32, #tpu.memory_space<vmem>>) offsets(%dma_start3A_40 : memref<80xi32, #tpu.memory_space<vmem>>) semaphore(%arg17 : memref<!tpu.dma_semaphore, #tpu.memory_space<semaphore_mem>>)
    %dma_wait3A_44 = arith.constant 1 : i32
    %dma_wait3A_45 = arith.constant 0 : i32
    %dma_wait3A_46 = tpu.memref_slice %arg7[%dma_wait3A_44, %dma_wait3A_45] : memref<125x80xi32, #tpu.memory_space<vmem>> -> memref<1x80xi32, #tpu.memory_space<vmem>>
    %dma_wait3A_47 = tpu.memref_squeeze %dma_wait3A_46 : memref<1x80xi32, #tpu.memory_space<vmem>> -> memref<80xi32, #tpu.memory_space<vmem>>
    %dma_wait3A_48 = arith.constant 0 : i32
    %dma_wait3A_49 = arith.constant 0 : i32
    %dma_wait3A_50 = tpu.memref_slice %arg14[%dma_wait3A_48, %dma_wait3A_49] : memref<10240x64xf32, #tpu.memory_space<vmem_shared>> -> memref<10240x64xf32, #tpu.memory_space<vmem_shared>>
    tpu.wait_indirect_dma semaphore(%arg16 : memref<!tpu.dma_semaphore, #tpu.memory_space<semaphore_mem>>) src(%dma_wait3A_50 : memref<10240x64xf32, #tpu.memory_space<vmem_shared>>) dst(%arg10 : memref<80x64xf32, #tpu.memory_space<vmem>>)
    %dma_start3A_51 = arith.constant 1 : i32
    %dma_start3A_52 = arith.constant 0 : i32
    %dma_start3A_53 = tpu.memref_slice %arg8[%dma_start3A_51, %dma_start3A_52] : memref<125x80xi32, #tpu.memory_space<vmem>> -> memref<1x80xi32, #tpu.memory_space<vmem>>
    %dma_start3A_54 = tpu.memref_squeeze %dma_start3A_53 : memref<1x80xi32, #tpu.memory_space<vmem>> -> memref<80xi32, #tpu.memory_space<vmem>>
    %dma_start3A_55 = arith.constant 0 : i32
    %dma_start3A_56 = arith.constant 0 : i32
    %dma_start3A_57 = tpu.memref_slice %arg13[%dma_start3A_55, %dma_start3A_56] : memref<10240x64xf32, #tpu.memory_space<vmem_shared>> -> memref<10240x64xf32, #tpu.memory_space<vmem_shared>>
    tpu.enqueue_indirect_dma source(%arg10 : memref<80x64xf32, #tpu.memory_space<vmem>>) target(%dma_start3A_57 : memref<10240x64xf32, #tpu.memory_space<vmem_shared>>) offsets(%dma_start3A_54 : memref<80xi32, #tpu.memory_space<vmem>>) semaphore(%arg20 : memref<!tpu.dma_semaphore, #tpu.memory_space<semaphore_mem>>) {add = true}
    %dma_start3A_58 = arith.constant 3 : i32
    %dma_start3A_59 = arith.constant 0 : i32
    %dma_start3A_60 = tpu.memref_slice %arg7[%dma_start3A_58, %dma_start3A_59] : memref<125x80xi32, #tpu.memory_space<vmem>> -> memref<1x80xi32, #tpu.memory_space<vmem>>
    %dma_start3A_61 = tpu.memref_squeeze %dma_start3A_60 : memref<1x80xi32, #tpu.memory_space<vmem>> -> memref<80xi32, #tpu.memory_space<vmem>>
    %dma_start3A_62 = arith.constant 0 : i32
    %dma_start3A_63 = arith.constant 0 : i32
    %dma_start3A_64 = tpu.memref_slice %arg14[%dma_start3A_62, %dma_start3A_63] : memref<10240x64xf32, #tpu.memory_space<vmem_shared>> -> memref<10240x64xf32, #tpu.memory_space<vmem_shared>>
    tpu.enqueue_indirect_dma source(%dma_start3A_64 : memref<10240x64xf32, #tpu.memory_space<vmem_shared>>) target(%arg12 : memref<80x64xf32, #tpu.memory_space<vmem>>) offsets(%dma_start3A_61 : memref<80xi32, #tpu.memory_space<vmem>>) semaphore(%arg18 : memref<!tpu.dma_semaphore, #tpu.memory_space<semaphore_mem>>)
    %scan3A = arith.constant 0 : i32
    %scan3A_65 = arith.constant 0 : i32
    %scan3A_66 = arith.constant 30 : i32
    %scan3A_67 = arith.addi %scan3A_65, %scan3A_66 : i32
    %scan3A_68 = arith.constant 1 : i32
    scf.for %scan3A_159 = %scan3A_65 to %scan3A_67 step %scan3A_68  : i32 {
      %mul3A_160 = arith.constant 4 : i32
      %mul3A_161 = arith.muli %mul3A_160, %scan3A_159 : i32
      %add3A_162 = arith.constant 2 : i32
      %add3A_163 = arith.addi %add3A_162, %mul3A_161 : i32
      %add3A_164 = arith.constant 0 : i32
      %add3A_165 = arith.addi %add3A_163, %add3A_164 : i32
      %dma_wait3A_166 = arith.constant 0 : i32
      %dma_wait3A_167 = tpu.memref_slice %arg7[%add3A_165, %dma_wait3A_166] : memref<125x80xi32, #tpu.memory_space<vmem>> -> memref<1x80xi32, #tpu.memory_space<vmem>>
      %dma_wait3A_168 = tpu.memref_squeeze %dma_wait3A_167 : memref<1x80xi32, #tpu.memory_space<vmem>> -> memref<80xi32, #tpu.memory_space<vmem>>
      %dma_wait3A_169 = arith.constant 0 : i32
      %dma_wait3A_170 = arith.constant 0 : i32
      %dma_wait3A_171 = tpu.memref_slice %arg14[%dma_wait3A_169, %dma_wait3A_170] : memref<10240x64xf32, #tpu.memory_space<vmem_shared>> -> memref<10240x64xf32, #tpu.memory_space<vmem_shared>>
      tpu.wait_indirect_dma semaphore(%arg17 : memref<!tpu.dma_semaphore, #tpu.memory_space<semaphore_mem>>) src(%dma_wait3A_171 : memref<10240x64xf32, #tpu.memory_space<vmem_shared>>) dst(%arg11 : memref<80x64xf32, #tpu.memory_space<vmem>>)
      %dma_start3A_172 = arith.constant 0 : i32
      %dma_start3A_173 = tpu.memref_slice %arg8[%add3A_165, %dma_start3A_172] : memref<125x80xi32, #tpu.memory_space<vmem>> -> memref<1x80xi32, #tpu.memory_space<vmem>>
      %dma_start3A_174 = tpu.memref_squeeze %dma_start3A_173 : memref<1x80xi32, #tpu.memory_space<vmem>> -> memref<80xi32, #tpu.memory_space<vmem>>
      %dma_start3A_175 = arith.constant 0 : i32
      %dma_start3A_176 = arith.constant 0 : i32
      %dma_start3A_177 = tpu.memref_slice %arg13[%dma_start3A_175, %dma_start3A_176] : memref<10240x64xf32, #tpu.memory_space<vmem_shared>> -> memref<10240x64xf32, #tpu.memory_space<vmem_shared>>
      tpu.enqueue_indirect_dma source(%arg11 : memref<80x64xf32, #tpu.memory_space<vmem>>) target(%dma_start3A_177 : memref<10240x64xf32, #tpu.memory_space<vmem_shared>>) offsets(%dma_start3A_174 : memref<80xi32, #tpu.memory_space<vmem>>) semaphore(%arg21 : memref<!tpu.dma_semaphore, #tpu.memory_space<semaphore_mem>>) {add = true}
      %sub3A = arith.constant 2 : i32
      %sub3A_178 = arith.subi %add3A_165, %sub3A : i32
      %dma_wait3A_179 = arith.constant 0 : i32
      %dma_wait3A_180 = tpu.memref_slice %arg8[%sub3A_178, %dma_wait3A_179] : memref<125x80xi32, #tpu.memory_space<vmem>> -> memref<1x80xi32, #tpu.memory_space<vmem>>
      %dma_wait3A_181 = tpu.memref_squeeze %dma_wait3A_180 : memref<1x80xi32, #tpu.memory_space<vmem>> -> memref<80xi32, #tpu.memory_space<vmem>>
      %dma_wait3A_182 = arith.constant 0 : i32
      %dma_wait3A_183 = arith.constant 0 : i32
      %dma_wait3A_184 = tpu.memref_slice %arg13[%dma_wait3A_182, %dma_wait3A_183] : memref<10240x64xf32, #tpu.memory_space<vmem_shared>> -> memref<10240x64xf32, #tpu.memory_space<vmem_shared>>
      tpu.wait_indirect_dma semaphore(%arg19 : memref<!tpu.dma_semaphore, #tpu.memory_space<semaphore_mem>>) src(%arg9 : memref<80x64xf32, #tpu.memory_space<vmem>>) dst(%dma_wait3A_184 : memref<10240x64xf32, #tpu.memory_space<vmem_shared>>)
      %add3A_185 = arith.constant 2 : i32
      %add3A_186 = arith.addi %add3A_165, %add3A_185 : i32
      %dma_start3A_187 = arith.constant 0 : i32
      %dma_start3A_188 = tpu.memref_slice %arg7[%add3A_186, %dma_start3A_187] : memref<125x80xi32, #tpu.memory_space<vmem>> -> memref<1x80xi32, #tpu.memory_space<vmem>>
      %dma_start3A_189 = tpu.memref_squeeze %dma_start3A_188 : memref<1x80xi32, #tpu.memory_space<vmem>> -> memref<80xi32, #tpu.memory_space<vmem>>
      %dma_start3A_190 = arith.constant 0 : i32
      %dma_start3A_191 = arith.constant 0 : i32
      %dma_start3A_192 = tpu.memref_slice %arg14[%dma_start3A_190, %dma_start3A_191] : memref<10240x64xf32, #tpu.memory_space<vmem_shared>> -> memref<10240x64xf32, #tpu.memory_space<vmem_shared>>
      tpu.enqueue_indirect_dma source(%dma_start3A_192 : memref<10240x64xf32, #tpu.memory_space<vmem_shared>>) target(%arg9 : memref<80x64xf32, #tpu.memory_space<vmem>>) offsets(%dma_start3A_189 : memref<80xi32, #tpu.memory_space<vmem>>) semaphore(%arg15 : memref<!tpu.dma_semaphore, #tpu.memory_space<semaphore_mem>>)
      %add3A_193 = arith.constant 1 : i32
      %add3A_194 = arith.addi %add3A_163, %add3A_193 : i32
      %dma_wait3A_195 = arith.constant 0 : i32
      %dma_wait3A_196 = tpu.memref_slice %arg7[%add3A_194, %dma_wait3A_195] : memref<125x80xi32, #tpu.memory_space<vmem>> -> memref<1x80xi32, #tpu.memory_space<vmem>>
      %dma_wait3A_197 = tpu.memref_squeeze %dma_wait3A_196 : memref<1x80xi32, #tpu.memory_space<vmem>> -> memref<80xi32, #tpu.memory_space<vmem>>
      %dma_wait3A_198 = arith.constant 0 : i32
      %dma_wait3A_199 = arith.constant 0 : i32
      %dma_wait3A_200 = tpu.memref_slice %arg14[%dma_wait3A_198, %dma_wait3A_199] : memref<10240x64xf32, #tpu.memory_space<vmem_shared>> -> memref<10240x64xf32, #tpu.memory_space<vmem_shared>>
      tpu.wait_indirect_dma semaphore(%arg18 : memref<!tpu.dma_semaphore, #tpu.memory_space<semaphore_mem>>) src(%dma_wait3A_200 : memref<10240x64xf32, #tpu.memory_space<vmem_shared>>) dst(%arg12 : memref<80x64xf32, #tpu.memory_space<vmem>>)
      %dma_start3A_201 = arith.constant 0 : i32
      %dma_start3A_202 = tpu.memref_slice %arg8[%add3A_194, %dma_start3A_201] : memref<125x80xi32, #tpu.memory_space<vmem>> -> memref<1x80xi32, #tpu.memory_space<vmem>>
      %dma_start3A_203 = tpu.memref_squeeze %dma_start3A_202 : memref<1x80xi32, #tpu.memory_space<vmem>> -> memref<80xi32, #tpu.memory_space<vmem>>
      %dma_start3A_204 = arith.constant 0 : i32
      %dma_start3A_205 = arith.constant 0 : i32
      %dma_start3A_206 = tpu.memref_slice %arg13[%dma_start3A_204, %dma_start3A_205] : memref<10240x64xf32, #tpu.memory_space<vmem_shared>> -> memref<10240x64xf32, #tpu.memory_space<vmem_shared>>
      tpu.enqueue_indirect_dma source(%arg12 : memref<80x64xf32, #tpu.memory_space<vmem>>) target(%dma_start3A_206 : memref<10240x64xf32, #tpu.memory_space<vmem_shared>>) offsets(%dma_start3A_203 : memref<80xi32, #tpu.memory_space<vmem>>) semaphore(%arg22 : memref<!tpu.dma_semaphore, #tpu.memory_space<semaphore_mem>>) {add = true}
      %sub3A_207 = arith.constant 2 : i32
      %sub3A_208 = arith.subi %add3A_194, %sub3A_207 : i32
      %dma_wait3A_209 = arith.constant 0 : i32
      %dma_wait3A_210 = tpu.memref_slice %arg8[%sub3A_208, %dma_wait3A_209] : memref<125x80xi32, #tpu.memory_space<vmem>> -> memref<1x80xi32, #tpu.memory_space<vmem>>
      %dma_wait3A_211 = tpu.memref_squeeze %dma_wait3A_210 : memref<1x80xi32, #tpu.memory_space<vmem>> -> memref<80xi32, #tpu.memory_space<vmem>>
      %dma_wait3A_212 = arith.constant 0 : i32
      %dma_wait3A_213 = arith.constant 0 : i32
      %dma_wait3A_214 = tpu.memref_slice %arg13[%dma_wait3A_212, %dma_wait3A_213] : memref<10240x64xf32, #tpu.memory_space<vmem_shared>> -> memref<10240x64xf32, #tpu.memory_space<vmem_shared>>
      tpu.wait_indirect_dma semaphore(%arg20 : memref<!tpu.dma_semaphore, #tpu.memory_space<semaphore_mem>>) src(%arg10 : memref<80x64xf32, #tpu.memory_space<vmem>>) dst(%dma_wait3A_214 : memref<10240x64xf32, #tpu.memory_space<vmem_shared>>)
      %add3A_215 = arith.constant 2 : i32
      %add3A_216 = arith.addi %add3A_194, %add3A_215 : i32
      %dma_start3A_217 = arith.constant 0 : i32
      %dma_start3A_218 = tpu.memref_slice %arg7[%add3A_216, %dma_start3A_217] : memref<125x80xi32, #tpu.memory_space<vmem>> -> memref<1x80xi32, #tpu.memory_space<vmem>>
      %dma_start3A_219 = tpu.memref_squeeze %dma_start3A_218 : memref<1x80xi32, #tpu.memory_space<vmem>> -> memref<80xi32, #tpu.memory_space<vmem>>
      %dma_start3A_220 = arith.constant 0 : i32
      %dma_start3A_221 = arith.constant 0 : i32
      %dma_start3A_222 = tpu.memref_slice %arg14[%dma_start3A_220, %dma_start3A_221] : memref<10240x64xf32, #tpu.memory_space<vmem_shared>> -> memref<10240x64xf32, #tpu.memory_space<vmem_shared>>
      tpu.enqueue_indirect_dma source(%dma_start3A_222 : memref<10240x64xf32, #tpu.memory_space<vmem_shared>>) target(%arg10 : memref<80x64xf32, #tpu.memory_space<vmem>>) offsets(%dma_start3A_219 : memref<80xi32, #tpu.memory_space<vmem>>) semaphore(%arg16 : memref<!tpu.dma_semaphore, #tpu.memory_space<semaphore_mem>>)
      %add3A_223 = arith.constant 2 : i32
      %add3A_224 = arith.addi %add3A_163, %add3A_223 : i32
      %dma_wait3A_225 = arith.constant 0 : i32
      %dma_wait3A_226 = tpu.memref_slice %arg7[%add3A_224, %dma_wait3A_225] : memref<125x80xi32, #tpu.memory_space<vmem>> -> memref<1x80xi32, #tpu.memory_space<vmem>>
      %dma_wait3A_227 = tpu.memref_squeeze %dma_wait3A_226 : memref<1x80xi32, #tpu.memory_space<vmem>> -> memref<80xi32, #tpu.memory_space<vmem>>
      %dma_wait3A_228 = arith.constant 0 : i32
      %dma_wait3A_229 = arith.constant 0 : i32
      %dma_wait3A_230 = tpu.memref_slice %arg14[%dma_wait3A_228, %dma_wait3A_229] : memref<10240x64xf32, #tpu.memory_space<vmem_shared>> -> memref<10240x64xf32, #tpu.memory_space<vmem_shared>>
      tpu.wait_indirect_dma semaphore(%arg15 : memref<!tpu.dma_semaphore, #tpu.memory_space<semaphore_mem>>) src(%dma_wait3A_230 : memref<10240x64xf32, #tpu.memory_space<vmem_shared>>) dst(%arg9 : memref<80x64xf32, #tpu.memory_space<vmem>>)
      %dma_start3A_231 = arith.constant 0 : i32
      %dma_start3A_232 = tpu.memref_slice %arg8[%add3A_224, %dma_start3A_231] : memref<125x80xi32, #tpu.memory_space<vmem>> -> memref<1x80xi32, #tpu.memory_space<vmem>>
      %dma_start3A_233 = tpu.memref_squeeze %dma_start3A_232 : memref<1x80xi32, #tpu.memory_space<vmem>> -> memref<80xi32, #tpu.memory_space<vmem>>
      %dma_start3A_234 = arith.constant 0 : i32
      %dma_start3A_235 = arith.constant 0 : i32
      %dma_start3A_236 = tpu.memref_slice %arg13[%dma_start3A_234, %dma_start3A_235] : memref<10240x64xf32, #tpu.memory_space<vmem_shared>> -> memref<10240x64xf32, #tpu.memory_space<vmem_shared>>
      tpu.enqueue_indirect_dma source(%arg9 : memref<80x64xf32, #tpu.memory_space<vmem>>) target(%dma_start3A_236 : memref<10240x64xf32, #tpu.memory_space<vmem_shared>>) offsets(%dma_start3A_233 : memref<80xi32, #tpu.memory_space<vmem>>) semaphore(%arg19 : memref<!tpu.dma_semaphore, #tpu.memory_space<semaphore_mem>>) {add = true}
      %sub3A_237 = arith.constant 2 : i32
      %sub3A_238 = arith.subi %add3A_224, %sub3A_237 : i32
      %dma_wait3A_239 = arith.constant 0 : i32
      %dma_wait3A_240 = tpu.memref_slice %arg8[%sub3A_238, %dma_wait3A_239] : memref<125x80xi32, #tpu.memory_space<vmem>> -> memref<1x80xi32, #tpu.memory_space<vmem>>
      %dma_wait3A_241 = tpu.memref_squeeze %dma_wait3A_240 : memref<1x80xi32, #tpu.memory_space<vmem>> -> memref<80xi32, #tpu.memory_space<vmem>>
      %dma_wait3A_242 = arith.constant 0 : i32
      %dma_wait3A_243 = arith.constant 0 : i32
      %dma_wait3A_244 = tpu.memref_slice %arg13[%dma_wait3A_242, %dma_wait3A_243] : memref<10240x64xf32, #tpu.memory_space<vmem_shared>> -> memref<10240x64xf32, #tpu.memory_space<vmem_shared>>
      tpu.wait_indirect_dma semaphore(%arg21 : memref<!tpu.dma_semaphore, #tpu.memory_space<semaphore_mem>>) src(%arg11 : memref<80x64xf32, #tpu.memory_space<vmem>>) dst(%dma_wait3A_244 : memref<10240x64xf32, #tpu.memory_space<vmem_shared>>)
      %add3A_245 = arith.constant 2 : i32
      %add3A_246 = arith.addi %add3A_224, %add3A_245 : i32
      %dma_start3A_247 = arith.constant 0 : i32
      %dma_start3A_248 = tpu.memref_slice %arg7[%add3A_246, %dma_start3A_247] : memref<125x80xi32, #tpu.memory_space<vmem>> -> memref<1x80xi32, #tpu.memory_space<vmem>>
      %dma_start3A_249 = tpu.memref_squeeze %dma_start3A_248 : memref<1x80xi32, #tpu.memory_space<vmem>> -> memref<80xi32, #tpu.memory_space<vmem>>
      %dma_start3A_250 = arith.constant 0 : i32
      %dma_start3A_251 = arith.constant 0 : i32
      %dma_start3A_252 = tpu.memref_slice %arg14[%dma_start3A_250, %dma_start3A_251] : memref<10240x64xf32, #tpu.memory_space<vmem_shared>> -> memref<10240x64xf32, #tpu.memory_space<vmem_shared>>
      tpu.enqueue_indirect_dma source(%dma_start3A_252 : memref<10240x64xf32, #tpu.memory_space<vmem_shared>>) target(%arg11 : memref<80x64xf32, #tpu.memory_space<vmem>>) offsets(%dma_start3A_249 : memref<80xi32, #tpu.memory_space<vmem>>) semaphore(%arg17 : memref<!tpu.dma_semaphore, #tpu.memory_space<semaphore_mem>>)
      %add3A_253 = arith.constant 3 : i32
      %add3A_254 = arith.addi %add3A_163, %add3A_253 : i32
      %dma_wait3A_255 = arith.constant 0 : i32
      %dma_wait3A_256 = tpu.memref_slice %arg7[%add3A_254, %dma_wait3A_255] : memref<125x80xi32, #tpu.memory_space<vmem>> -> memref<1x80xi32, #tpu.memory_space<vmem>>
      %dma_wait3A_257 = tpu.memref_squeeze %dma_wait3A_256 : memref<1x80xi32, #tpu.memory_space<vmem>> -> memref<80xi32, #tpu.memory_space<vmem>>
      %dma_wait3A_258 = arith.constant 0 : i32
      %dma_wait3A_259 = arith.constant 0 : i32
      %dma_wait3A_260 = tpu.memref_slice %arg14[%dma_wait3A_258, %dma_wait3A_259] : memref<10240x64xf32, #tpu.memory_space<vmem_shared>> -> memref<10240x64xf32, #tpu.memory_space<vmem_shared>>
      tpu.wait_indirect_dma semaphore(%arg16 : memref<!tpu.dma_semaphore, #tpu.memory_space<semaphore_mem>>) src(%dma_wait3A_260 : memref<10240x64xf32, #tpu.memory_space<vmem_shared>>) dst(%arg10 : memref<80x64xf32, #tpu.memory_space<vmem>>)
      %dma_start3A_261 = arith.constant 0 : i32
      %dma_start3A_262 = tpu.memref_slice %arg8[%add3A_254, %dma_start3A_261] : memref<125x80xi32, #tpu.memory_space<vmem>> -> memref<1x80xi32, #tpu.memory_space<vmem>>
      %dma_start3A_263 = tpu.memref_squeeze %dma_start3A_262 : memref<1x80xi32, #tpu.memory_space<vmem>> -> memref<80xi32, #tpu.memory_space<vmem>>
      %dma_start3A_264 = arith.constant 0 : i32
      %dma_start3A_265 = arith.constant 0 : i32
      %dma_start3A_266 = tpu.memref_slice %arg13[%dma_start3A_264, %dma_start3A_265] : memref<10240x64xf32, #tpu.memory_space<vmem_shared>> -> memref<10240x64xf32, #tpu.memory_space<vmem_shared>>
      tpu.enqueue_indirect_dma source(%arg10 : memref<80x64xf32, #tpu.memory_space<vmem>>) target(%dma_start3A_266 : memref<10240x64xf32, #tpu.memory_space<vmem_shared>>) offsets(%dma_start3A_263 : memref<80xi32, #tpu.memory_space<vmem>>) semaphore(%arg20 : memref<!tpu.dma_semaphore, #tpu.memory_space<semaphore_mem>>) {add = true}
      %sub3A_267 = arith.constant 2 : i32
      %sub3A_268 = arith.subi %add3A_254, %sub3A_267 : i32
      %dma_wait3A_269 = arith.constant 0 : i32
      %dma_wait3A_270 = tpu.memref_slice %arg8[%sub3A_268, %dma_wait3A_269] : memref<125x80xi32, #tpu.memory_space<vmem>> -> memref<1x80xi32, #tpu.memory_space<vmem>>
      %dma_wait3A_271 = tpu.memref_squeeze %dma_wait3A_270 : memref<1x80xi32, #tpu.memory_space<vmem>> -> memref<80xi32, #tpu.memory_space<vmem>>
      %dma_wait3A_272 = arith.constant 0 : i32
      %dma_wait3A_273 = arith.constant 0 : i32
      %dma_wait3A_274 = tpu.memref_slice %arg13[%dma_wait3A_272, %dma_wait3A_273] : memref<10240x64xf32, #tpu.memory_space<vmem_shared>> -> memref<10240x64xf32, #tpu.memory_space<vmem_shared>>
      tpu.wait_indirect_dma semaphore(%arg22 : memref<!tpu.dma_semaphore, #tpu.memory_space<semaphore_mem>>) src(%arg12 : memref<80x64xf32, #tpu.memory_space<vmem>>) dst(%dma_wait3A_274 : memref<10240x64xf32, #tpu.memory_space<vmem_shared>>)
      %add3A_275 = arith.constant 2 : i32
      %add3A_276 = arith.addi %add3A_254, %add3A_275 : i32
      %dma_start3A_277 = arith.constant 0 : i32
      %dma_start3A_278 = tpu.memref_slice %arg7[%add3A_276, %dma_start3A_277] : memref<125x80xi32, #tpu.memory_space<vmem>> -> memref<1x80xi32, #tpu.memory_space<vmem>>
      %dma_start3A_279 = tpu.memref_squeeze %dma_start3A_278 : memref<1x80xi32, #tpu.memory_space<vmem>> -> memref<80xi32, #tpu.memory_space<vmem>>
      %dma_start3A_280 = arith.constant 0 : i32
      %dma_start3A_281 = arith.constant 0 : i32
      %dma_start3A_282 = tpu.memref_slice %arg14[%dma_start3A_280, %dma_start3A_281] : memref<10240x64xf32, #tpu.memory_space<vmem_shared>> -> memref<10240x64xf32, #tpu.memory_space<vmem_shared>>
      tpu.enqueue_indirect_dma source(%dma_start3A_282 : memref<10240x64xf32, #tpu.memory_space<vmem_shared>>) target(%arg12 : memref<80x64xf32, #tpu.memory_space<vmem>>) offsets(%dma_start3A_279 : memref<80xi32, #tpu.memory_space<vmem>>) semaphore(%arg18 : memref<!tpu.dma_semaphore, #tpu.memory_space<semaphore_mem>>)
    }
    %scan3A_69 = arith.constant 30 : i32
    %dma_wait3A_70 = arith.constant 122 : i32
    %dma_wait3A_71 = arith.constant 0 : i32
    %dma_wait3A_72 = tpu.memref_slice %arg7[%dma_wait3A_70, %dma_wait3A_71] : memref<125x80xi32, #tpu.memory_space<vmem>> -> memref<1x80xi32, #tpu.memory_space<vmem>>
    %dma_wait3A_73 = tpu.memref_squeeze %dma_wait3A_72 : memref<1x80xi32, #tpu.memory_space<vmem>> -> memref<80xi32, #tpu.memory_space<vmem>>
    %dma_wait3A_74 = arith.constant 0 : i32
    %dma_wait3A_75 = arith.constant 0 : i32
    %dma_wait3A_76 = tpu.memref_slice %arg14[%dma_wait3A_74, %dma_wait3A_75] : memref<10240x64xf32, #tpu.memory_space<vmem_shared>> -> memref<10240x64xf32, #tpu.memory_space<vmem_shared>>
    tpu.wait_indirect_dma semaphore(%arg17 : memref<!tpu.dma_semaphore, #tpu.memory_space<semaphore_mem>>) src(%dma_wait3A_76 : memref<10240x64xf32, #tpu.memory_space<vmem_shared>>) dst(%arg11 : memref<80x64xf32, #tpu.memory_space<vmem>>)
    %dma_start3A_77 = arith.constant 122 : i32
    %dma_start3A_78 = arith.constant 0 : i32
    %dma_start3A_79 = tpu.memref_slice %arg8[%dma_start3A_77, %dma_start3A_78] : memref<125x80xi32, #tpu.memory_space<vmem>> -> memref<1x80xi32, #tpu.memory_space<vmem>>
    %dma_start3A_80 = tpu.memref_squeeze %dma_start3A_79 : memref<1x80xi32, #tpu.memory_space<vmem>> -> memref<80xi32, #tpu.memory_space<vmem>>
    %dma_start3A_81 = arith.constant 0 : i32
    %dma_start3A_82 = arith.constant 0 : i32
    %dma_start3A_83 = tpu.memref_slice %arg13[%dma_start3A_81, %dma_start3A_82] : memref<10240x64xf32, #tpu.memory_space<vmem_shared>> -> memref<10240x64xf32, #tpu.memory_space<vmem_shared>>
    tpu.enqueue_indirect_dma source(%arg11 : memref<80x64xf32, #tpu.memory_space<vmem>>) target(%dma_start3A_83 : memref<10240x64xf32, #tpu.memory_space<vmem_shared>>) offsets(%dma_start3A_80 : memref<80xi32, #tpu.memory_space<vmem>>) semaphore(%arg21 : memref<!tpu.dma_semaphore, #tpu.memory_space<semaphore_mem>>) {add = true}
    %dma_wait3A_84 = arith.constant 120 : i32
    %dma_wait3A_85 = arith.constant 0 : i32
    %dma_wait3A_86 = tpu.memref_slice %arg8[%dma_wait3A_84, %dma_wait3A_85] : memref<125x80xi32, #tpu.memory_space<vmem>> -> memref<1x80xi32, #tpu.memory_space<vmem>>
    %dma_wait3A_87 = tpu.memref_squeeze %dma_wait3A_86 : memref<1x80xi32, #tpu.memory_space<vmem>> -> memref<80xi32, #tpu.memory_space<vmem>>
    %dma_wait3A_88 = arith.constant 0 : i32
    %dma_wait3A_89 = arith.constant 0 : i32
    %dma_wait3A_90 = tpu.memref_slice %arg13[%dma_wait3A_88, %dma_wait3A_89] : memref<10240x64xf32, #tpu.memory_space<vmem_shared>> -> memref<10240x64xf32, #tpu.memory_space<vmem_shared>>
    tpu.wait_indirect_dma semaphore(%arg19 : memref<!tpu.dma_semaphore, #tpu.memory_space<semaphore_mem>>) src(%arg9 : memref<80x64xf32, #tpu.memory_space<vmem>>) dst(%dma_wait3A_90 : memref<10240x64xf32, #tpu.memory_space<vmem_shared>>)
    %dma_start3A_91 = arith.constant 124 : i32
    %dma_start3A_92 = arith.constant 0 : i32
    %dma_start3A_93 = tpu.memref_slice %arg7[%dma_start3A_91, %dma_start3A_92] : memref<125x80xi32, #tpu.memory_space<vmem>> -> memref<1x80xi32, #tpu.memory_space<vmem>>
    %dma_start3A_94 = tpu.memref_squeeze %dma_start3A_93 : memref<1x80xi32, #tpu.memory_space<vmem>> -> memref<80xi32, #tpu.memory_space<vmem>>
    %dma_start3A_95 = arith.constant 0 : i32
    %dma_start3A_96 = arith.constant 0 : i32
    %dma_start3A_97 = tpu.memref_slice %arg14[%dma_start3A_95, %dma_start3A_96] : memref<10240x64xf32, #tpu.memory_space<vmem_shared>> -> memref<10240x64xf32, #tpu.memory_space<vmem_shared>>
    tpu.enqueue_indirect_dma source(%dma_start3A_97 : memref<10240x64xf32, #tpu.memory_space<vmem_shared>>) target(%arg9 : memref<80x64xf32, #tpu.memory_space<vmem>>) offsets(%dma_start3A_94 : memref<80xi32, #tpu.memory_space<vmem>>) semaphore(%arg15 : memref<!tpu.dma_semaphore, #tpu.memory_space<semaphore_mem>>)
    %dma_wait3A_98 = arith.constant 123 : i32
    %dma_wait3A_99 = arith.constant 0 : i32
    %dma_wait3A_100 = tpu.memref_slice %arg7[%dma_wait3A_98, %dma_wait3A_99] : memref<125x80xi32, #tpu.memory_space<vmem>> -> memref<1x80xi32, #tpu.memory_space<vmem>>
    %dma_wait3A_101 = tpu.memref_squeeze %dma_wait3A_100 : memref<1x80xi32, #tpu.memory_space<vmem>> -> memref<80xi32, #tpu.memory_space<vmem>>
    %dma_wait3A_102 = arith.constant 0 : i32
    %dma_wait3A_103 = arith.constant 0 : i32
    %dma_wait3A_104 = tpu.memref_slice %arg14[%dma_wait3A_102, %dma_wait3A_103] : memref<10240x64xf32, #tpu.memory_space<vmem_shared>> -> memref<10240x64xf32, #tpu.memory_space<vmem_shared>>
    tpu.wait_indirect_dma semaphore(%arg18 : memref<!tpu.dma_semaphore, #tpu.memory_space<semaphore_mem>>) src(%dma_wait3A_104 : memref<10240x64xf32, #tpu.memory_space<vmem_shared>>) dst(%arg12 : memref<80x64xf32, #tpu.memory_space<vmem>>)
    %dma_start3A_105 = arith.constant 123 : i32
    %dma_start3A_106 = arith.constant 0 : i32
    %dma_start3A_107 = tpu.memref_slice %arg8[%dma_start3A_105, %dma_start3A_106] : memref<125x80xi32, #tpu.memory_space<vmem>> -> memref<1x80xi32, #tpu.memory_space<vmem>>
    %dma_start3A_108 = tpu.memref_squeeze %dma_start3A_107 : memref<1x80xi32, #tpu.memory_space<vmem>> -> memref<80xi32, #tpu.memory_space<vmem>>
    %dma_start3A_109 = arith.constant 0 : i32
    %dma_start3A_110 = arith.constant 0 : i32
    %dma_start3A_111 = tpu.memref_slice %arg13[%dma_start3A_109, %dma_start3A_110] : memref<10240x64xf32, #tpu.memory_space<vmem_shared>> -> memref<10240x64xf32, #tpu.memory_space<vmem_shared>>
    tpu.enqueue_indirect_dma source(%arg12 : memref<80x64xf32, #tpu.memory_space<vmem>>) target(%dma_start3A_111 : memref<10240x64xf32, #tpu.memory_space<vmem_shared>>) offsets(%dma_start3A_108 : memref<80xi32, #tpu.memory_space<vmem>>) semaphore(%arg22 : memref<!tpu.dma_semaphore, #tpu.memory_space<semaphore_mem>>) {add = true}
    %dma_wait3A_112 = arith.constant 121 : i32
    %dma_wait3A_113 = arith.constant 0 : i32
    %dma_wait3A_114 = tpu.memref_slice %arg8[%dma_wait3A_112, %dma_wait3A_113] : memref<125x80xi32, #tpu.memory_space<vmem>> -> memref<1x80xi32, #tpu.memory_space<vmem>>
    %dma_wait3A_115 = tpu.memref_squeeze %dma_wait3A_114 : memref<1x80xi32, #tpu.memory_space<vmem>> -> memref<80xi32, #tpu.memory_space<vmem>>
    %dma_wait3A_116 = arith.constant 0 : i32
    %dma_wait3A_117 = arith.constant 0 : i32
    %dma_wait3A_118 = tpu.memref_slice %arg13[%dma_wait3A_116, %dma_wait3A_117] : memref<10240x64xf32, #tpu.memory_space<vmem_shared>> -> memref<10240x64xf32, #tpu.memory_space<vmem_shared>>
    tpu.wait_indirect_dma semaphore(%arg20 : memref<!tpu.dma_semaphore, #tpu.memory_space<semaphore_mem>>) src(%arg10 : memref<80x64xf32, #tpu.memory_space<vmem>>) dst(%dma_wait3A_118 : memref<10240x64xf32, #tpu.memory_space<vmem_shared>>)
    %dma_wait3A_119 = arith.constant 124 : i32
    %dma_wait3A_120 = arith.constant 0 : i32
    %dma_wait3A_121 = tpu.memref_slice %arg7[%dma_wait3A_119, %dma_wait3A_120] : memref<125x80xi32, #tpu.memory_space<vmem>> -> memref<1x80xi32, #tpu.memory_space<vmem>>
    %dma_wait3A_122 = tpu.memref_squeeze %dma_wait3A_121 : memref<1x80xi32, #tpu.memory_space<vmem>> -> memref<80xi32, #tpu.memory_space<vmem>>
    %dma_wait3A_123 = arith.constant 0 : i32
    %dma_wait3A_124 = arith.constant 0 : i32
    %dma_wait3A_125 = tpu.memref_slice %arg14[%dma_wait3A_123, %dma_wait3A_124] : memref<10240x64xf32, #tpu.memory_space<vmem_shared>> -> memref<10240x64xf32, #tpu.memory_space<vmem_shared>>
    tpu.wait_indirect_dma semaphore(%arg15 : memref<!tpu.dma_semaphore, #tpu.memory_space<semaphore_mem>>) src(%dma_wait3A_125 : memref<10240x64xf32, #tpu.memory_space<vmem_shared>>) dst(%arg9 : memref<80x64xf32, #tpu.memory_space<vmem>>)
    %dma_start3A_126 = arith.constant 124 : i32
    %dma_start3A_127 = arith.constant 0 : i32
    %dma_start3A_128 = tpu.memref_slice %arg8[%dma_start3A_126, %dma_start3A_127] : memref<125x80xi32, #tpu.memory_space<vmem>> -> memref<1x80xi32, #tpu.memory_space<vmem>>
    %dma_start3A_129 = tpu.memref_squeeze %dma_start3A_128 : memref<1x80xi32, #tpu.memory_space<vmem>> -> memref<80xi32, #tpu.memory_space<vmem>>
    %dma_start3A_130 = arith.constant 0 : i32
    %dma_start3A_131 = arith.constant 0 : i32
    %dma_start3A_132 = tpu.memref_slice %arg13[%dma_start3A_130, %dma_start3A_131] : memref<10240x64xf32, #tpu.memory_space<vmem_shared>> -> memref<10240x64xf32, #tpu.memory_space<vmem_shared>>
    tpu.enqueue_indirect_dma source(%arg9 : memref<80x64xf32, #tpu.memory_space<vmem>>) target(%dma_start3A_132 : memref<10240x64xf32, #tpu.memory_space<vmem_shared>>) offsets(%dma_start3A_129 : memref<80xi32, #tpu.memory_space<vmem>>) semaphore(%arg19 : memref<!tpu.dma_semaphore, #tpu.memory_space<semaphore_mem>>) {add = true}
    %dma_wait3A_133 = arith.constant 122 : i32
    %dma_wait3A_134 = arith.constant 0 : i32
    %dma_wait3A_135 = tpu.memref_slice %arg8[%dma_wait3A_133, %dma_wait3A_134] : memref<125x80xi32, #tpu.memory_space<vmem>> -> memref<1x80xi32, #tpu.memory_space<vmem>>
    %dma_wait3A_136 = tpu.memref_squeeze %dma_wait3A_135 : memref<1x80xi32, #tpu.memory_space<vmem>> -> memref<80xi32, #tpu.memory_space<vmem>>
    %dma_wait3A_137 = arith.constant 0 : i32
    %dma_wait3A_138 = arith.constant 0 : i32
    %dma_wait3A_139 = tpu.memref_slice %arg13[%dma_wait3A_137, %dma_wait3A_138] : memref<10240x64xf32, #tpu.memory_space<vmem_shared>> -> memref<10240x64xf32, #tpu.memory_space<vmem_shared>>
    tpu.wait_indirect_dma semaphore(%arg21 : memref<!tpu.dma_semaphore, #tpu.memory_space<semaphore_mem>>) src(%arg11 : memref<80x64xf32, #tpu.memory_space<vmem>>) dst(%dma_wait3A_139 : memref<10240x64xf32, #tpu.memory_space<vmem_shared>>)
    %dma_wait3A_140 = arith.constant 123 : i32
    %dma_wait3A_141 = arith.constant 0 : i32
    %dma_wait3A_142 = tpu.memref_slice %arg8[%dma_wait3A_140, %dma_wait3A_141] : memref<125x80xi32, #tpu.memory_space<vmem>> -> memref<1x80xi32, #tpu.memory_space<vmem>>
    %dma_wait3A_143 = tpu.memref_squeeze %dma_wait3A_142 : memref<1x80xi32, #tpu.memory_space<vmem>> -> memref<80xi32, #tpu.memory_space<vmem>>
    %dma_wait3A_144 = arith.constant 0 : i32
    %dma_wait3A_145 = arith.constant 0 : i32
    %dma_wait3A_146 = tpu.memref_slice %arg13[%dma_wait3A_144, %dma_wait3A_145] : memref<10240x64xf32, #tpu.memory_space<vmem_shared>> -> memref<10240x64xf32, #tpu.memory_space<vmem_shared>>
    tpu.wait_indirect_dma semaphore(%arg22 : memref<!tpu.dma_semaphore, #tpu.memory_space<semaphore_mem>>) src(%arg12 : memref<80x64xf32, #tpu.memory_space<vmem>>) dst(%dma_wait3A_146 : memref<10240x64xf32, #tpu.memory_space<vmem_shared>>)
    %dma_wait3A_147 = arith.constant 124 : i32
    %dma_wait3A_148 = arith.constant 0 : i32
    %dma_wait3A_149 = tpu.memref_slice %arg8[%dma_wait3A_147, %dma_wait3A_148] : memref<125x80xi32, #tpu.memory_space<vmem>> -> memref<1x80xi32, #tpu.memory_space<vmem>>
    %dma_wait3A_150 = tpu.memref_squeeze %dma_wait3A_149 : memref<1x80xi32, #tpu.memory_space<vmem>> -> memref<80xi32, #tpu.memory_space<vmem>>
    %dma_wait3A_151 = arith.constant 0 : i32
    %dma_wait3A_152 = arith.constant 0 : i32
    %dma_wait3A_153 = tpu.memref_slice %arg13[%dma_wait3A_151, %dma_wait3A_152] : memref<10240x64xf32, #tpu.memory_space<vmem_shared>> -> memref<10240x64xf32, #tpu.memory_space<vmem_shared>>
    tpu.wait_indirect_dma semaphore(%arg19 : memref<!tpu.dma_semaphore, #tpu.memory_space<semaphore_mem>>) src(%arg9 : memref<80x64xf32, #tpu.memory_space<vmem>>) dst(%dma_wait3A_153 : memref<10240x64xf32, #tpu.memory_space<vmem_shared>>)
    %barrier3A_154 = arith.constant 0 : index
    tpu.barrier barrier_id(%barrier3A_154)
    %mul3A_155 = arith.constant 640 : i32
    %mul3A_156 = arith.muli %arg1, %mul3A_155 : i32
    %mul3A_157 = arith.constant 640 : i32
    %mul3A_158 = arith.muli %arg1, %mul3A_157 : i32
    "tpu.region"() ({
      %run_scoped3A = tpu.sem_alloc : memref<!tpu.dma_semaphore, #tpu.memory_space<semaphore_mem>>
      %dma_start3A_159 = arith.constant 0 : i32
      %dma_start3A_160 = tpu.memref_slice %arg6[%arg0, %mul3A_158, %dma_start3A_159] : memref<2x10240x64xf32, #tpu.memory_space<hbm>> -> memref<1x640x64xf32, #tpu.memory_space<hbm>>
      %dma_start3A_161 = tpu.memref_squeeze %dma_start3A_160 : memref<1x640x64xf32, #tpu.memory_space<hbm>> -> memref<640x64xf32, #tpu.memory_space<hbm>>
      %dma_start3A_162 = arith.constant 0 : i32
      %dma_start3A_163 = tpu.memref_slice %arg13[%mul3A_156, %dma_start3A_162] : memref<10240x64xf32, #tpu.memory_space<vmem_shared>> -> memref<640x64xf32, #tpu.memory_space<vmem_shared>>
      tpu.enqueue_dma source(%dma_start3A_163 : memref<640x64xf32, #tpu.memory_space<vmem_shared>>) target(%dma_start3A_161 : memref<640x64xf32, #tpu.memory_space<hbm>>) target_semaphore(%run_scoped3A : memref<!tpu.dma_semaphore, #tpu.memory_space<semaphore_mem>>)
      %dma_wait3A_164 = arith.constant 0 : i32
      %dma_wait3A_165 = tpu.memref_slice %arg6[%arg0, %mul3A_158, %dma_wait3A_164] : memref<2x10240x64xf32, #tpu.memory_space<hbm>> -> memref<1x640x64xf32, #tpu.memory_space<hbm>>
      %dma_wait3A_166 = tpu.memref_squeeze %dma_wait3A_165 : memref<1x640x64xf32, #tpu.memory_space<hbm>> -> memref<640x64xf32, #tpu.memory_space<hbm>>
      %dma_wait3A_167 = arith.constant 0 : i32
      %dma_wait3A_168 = tpu.memref_slice %arg13[%mul3A_156, %dma_wait3A_167] : memref<10240x64xf32, #tpu.memory_space<vmem_shared>> -> memref<640x64xf32, #tpu.memory_space<vmem_shared>>
      tpu.wait_dma2 semaphore(%run_scoped3A : memref<!tpu.dma_semaphore, #tpu.memory_space<semaphore_mem>>) src(%dma_wait3A_168 : memref<640x64xf32, #tpu.memory_space<vmem_shared>>) dst(%dma_wait3A_166 : memref<640x64xf32, #tpu.memory_space<hbm>>)
      tpu.yield
    }) : () -> ()
    return
  }
}

#map = affine_map<(d0, d1) -> (0, 0)>
#map1 = affine_map<(d0, d1) -> (0, 0, 0)>
module attributes {stable_mosaic.version = 14 : i64} {
  func.func @_sc_edge_pass(%arg0: i32, %arg1: i32, %arg2: memref<10000x64xf32, #tpu.memory_space<hbm>>, %arg3: memref<32x125x80xi32, #tpu.memory_space<hbm>>, %arg4: memref<32x125x80xi32, #tpu.memory_space<hbm>>, %arg5: memref<10240x64xf32, #tpu.memory_space<hbm>>, %arg6: memref<2x10240x64xf32, #tpu.memory_space<hbm>>, %arg7: memref<125x80xi32, #tpu.memory_space<vmem>>, %arg8: memref<125x80xi32, #tpu.memory_space<vmem>>, %arg9: memref<80x64xf32, #tpu.memory_space<vmem>>, %arg10: memref<80x64xf32, #tpu.memory_space<vmem>>, %arg11: memref<80x64xf32, #tpu.memory_space<vmem>>, %arg12: memref<80x64xf32, #tpu.memory_space<vmem>>, %arg13: memref<10240x64xf32, #tpu.memory_space<vmem_shared>>, %arg14: memref<10240x64xf32, #tpu.memory_space<vmem_shared>>, %arg15: memref<!tpu.dma_semaphore, #tpu.memory_space<semaphore_mem>>, %arg16: memref<!tpu.dma_semaphore, #tpu.memory_space<semaphore_mem>>, %arg17: memref<!tpu.dma_semaphore, #tpu.memory_space<semaphore_mem>>, %arg18: memref<!tpu.dma_semaphore, #tpu.memory_space<semaphore_mem>>, %arg19: memref<!tpu.dma_semaphore, #tpu.memory_space<semaphore_mem>>, %arg20: memref<!tpu.dma_semaphore, #tpu.memory_space<semaphore_mem>>, %arg21: memref<!tpu.dma_semaphore, #tpu.memory_space<semaphore_mem>>, %arg22: memref<!tpu.dma_semaphore, #tpu.memory_space<semaphore_mem>>) attributes {dimension_semantics = [#tpu.dimension_semantics<core_parallel>, #tpu.dimension_semantics<subcore_parallel>], iteration_bounds = array<i64: 2, 16>, scalar_prefetch = 0 : i64, scratch_operands = 16 : i64, tpu.core_type = #tpu.core_type<sc_vector_subcore>, window_params = [{transform_indices = #map}, {transform_indices = #map1}, {transform_indices = #map1}, {transform_indices = #map}, {transform_indices = #map1}]} {
    %mul3A = arith.constant 2 : i32
    %mul3A_0 = arith.muli %arg1, %mul3A : i32
    %add3A = arith.addi %mul3A_0, %arg0 : i32
    "tpu.region"() ({
      %run_scoped3A = tpu.sem_alloc : memref<!tpu.dma_semaphore, #tpu.memory_space<semaphore_mem>>
      %dma_start3A_159 = arith.constant 0 : i32
      %dma_start3A_160 = arith.constant 0 : i32
      %dma_start3A_161 = tpu.memref_slice %arg3[%add3A, %dma_start3A_159, %dma_start3A_160] : memref<32x125x80xi32, #tpu.memory_space<hbm>> -> memref<1x125x80xi32, #tpu.memory_space<hbm>>
      %dma_start3A_162 = tpu.memref_squeeze %dma_start3A_161 : memref<1x125x80xi32, #tpu.memory_space<hbm>> -> memref<125x80xi32, #tpu.memory_space<hbm>>
      %dma_start3A_163 = arith.constant 0 : i32
      %dma_start3A_164 = arith.constant 0 : i32
      %dma_start3A_165 = tpu.memref_slice %arg3[%add3A, %dma_start3A_163, %dma_start3A_164] : memref<32x125x80xi32, #tpu.memory_space<hbm>> -> memref<1x125x80xi32, #tpu.memory_space<hbm>>
      %dma_start3A_166 = tpu.memref_squeeze %dma_start3A_165 : memref<1x125x80xi32, #tpu.memory_space<hbm>> -> memref<125x80xi32, #tpu.memory_space<hbm>>
      tpu.enqueue_dma source(%dma_start3A_166 : memref<125x80xi32, #tpu.memory_space<hbm>>) target(%arg7 : memref<125x80xi32, #tpu.memory_space<vmem>>) target_semaphore(%run_scoped3A : memref<!tpu.dma_semaphore, #tpu.memory_space<semaphore_mem>>)
      %dma_wait3A_167 = arith.constant 0 : i32
      %dma_wait3A_168 = arith.constant 0 : i32
      %dma_wait3A_169 = tpu.memref_slice %arg3[%add3A, %dma_wait3A_167, %dma_wait3A_168] : memref<32x125x80xi32, #tpu.memory_space<hbm>> -> memref<1x125x80xi32, #tpu.memory_space<hbm>>
      %dma_wait3A_170 = tpu.memref_squeeze %dma_wait3A_169 : memref<1x125x80xi32, #tpu.memory_space<hbm>> -> memref<125x80xi32, #tpu.memory_space<hbm>>
      %dma_wait3A_171 = arith.constant 0 : i32
      %dma_wait3A_172 = arith.constant 0 : i32
      %dma_wait3A_173 = tpu.memref_slice %arg3[%add3A, %dma_wait3A_171, %dma_wait3A_172] : memref<32x125x80xi32, #tpu.memory_space<hbm>> -> memref<1x125x80xi32, #tpu.memory_space<hbm>>
      %dma_wait3A_174 = tpu.memref_squeeze %dma_wait3A_173 : memref<1x125x80xi32, #tpu.memory_space<hbm>> -> memref<125x80xi32, #tpu.memory_space<hbm>>
      tpu.wait_dma2 semaphore(%run_scoped3A : memref<!tpu.dma_semaphore, #tpu.memory_space<semaphore_mem>>) src(%dma_wait3A_174 : memref<125x80xi32, #tpu.memory_space<hbm>>) dst(%arg7 : memref<125x80xi32, #tpu.memory_space<vmem>>)
      tpu.yield
    }) : () -> ()
    "tpu.region"() ({
      %run_scoped3A = tpu.sem_alloc : memref<!tpu.dma_semaphore, #tpu.memory_space<semaphore_mem>>
      %dma_start3A_159 = arith.constant 0 : i32
      %dma_start3A_160 = arith.constant 0 : i32
      %dma_start3A_161 = tpu.memref_slice %arg4[%add3A, %dma_start3A_159, %dma_start3A_160] : memref<32x125x80xi32, #tpu.memory_space<hbm>> -> memref<1x125x80xi32, #tpu.memory_space<hbm>>
      %dma_start3A_162 = tpu.memref_squeeze %dma_start3A_161 : memref<1x125x80xi32, #tpu.memory_space<hbm>> -> memref<125x80xi32, #tpu.memory_space<hbm>>
      %dma_start3A_163 = arith.constant 0 : i32
      %dma_start3A_164 = arith.constant 0 : i32
      %dma_start3A_165 = tpu.memref_slice %arg4[%add3A, %dma_start3A_163, %dma_start3A_164] : memref<32x125x80xi32, #tpu.memory_space<hbm>> -> memref<1x125x80xi32, #tpu.memory_space<hbm>>
      %dma_start3A_166 = tpu.memref_squeeze %dma_start3A_165 : memref<1x125x80xi32, #tpu.memory_space<hbm>> -> memref<125x80xi32, #tpu.memory_space<hbm>>
      tpu.enqueue_dma source(%dma_start3A_166 : memref<125x80xi32, #tpu.memory_space<hbm>>) target(%arg8 : memref<125x80xi32, #tpu.memory_space<vmem>>) target_semaphore(%run_scoped3A : memref<!tpu.dma_semaphore, #tpu.memory_space<semaphore_mem>>)
      %dma_wait3A_167 = arith.constant 0 : i32
      %dma_wait3A_168 = arith.constant 0 : i32
      %dma_wait3A_169 = tpu.memref_slice %arg4[%add3A, %dma_wait3A_167, %dma_wait3A_168] : memref<32x125x80xi32, #tpu.memory_space<hbm>> -> memref<1x125x80xi32, #tpu.memory_space<hbm>>
      %dma_wait3A_170 = tpu.memref_squeeze %dma_wait3A_169 : memref<1x125x80xi32, #tpu.memory_space<hbm>> -> memref<125x80xi32, #tpu.memory_space<hbm>>
      %dma_wait3A_171 = arith.constant 0 : i32
      %dma_wait3A_172 = arith.constant 0 : i32
      %dma_wait3A_173 = tpu.memref_slice %arg4[%add3A, %dma_wait3A_171, %dma_wait3A_172] : memref<32x125x80xi32, #tpu.memory_space<hbm>> -> memref<1x125x80xi32, #tpu.memory_space<hbm>>
      %dma_wait3A_174 = tpu.memref_squeeze %dma_wait3A_173 : memref<1x125x80xi32, #tpu.memory_space<hbm>> -> memref<125x80xi32, #tpu.memory_space<hbm>>
      tpu.wait_dma2 semaphore(%run_scoped3A : memref<!tpu.dma_semaphore, #tpu.memory_space<semaphore_mem>>) src(%dma_wait3A_174 : memref<125x80xi32, #tpu.memory_space<hbm>>) dst(%arg8 : memref<125x80xi32, #tpu.memory_space<vmem>>)
      tpu.yield
    }) : () -> ()
    %mul3A_1 = arith.constant 640 : i32
    %mul3A_2 = arith.muli %arg1, %mul3A_1 : i32
    %mul3A_3 = arith.constant 640 : i32
    %mul3A_4 = arith.muli %arg1, %mul3A_3 : i32
    "tpu.region"() ({
      %run_scoped3A = tpu.sem_alloc : memref<!tpu.dma_semaphore, #tpu.memory_space<semaphore_mem>>
      %dma_start3A_159 = arith.constant 0 : i32
      %dma_start3A_160 = tpu.memref_slice %arg13[%mul3A_4, %dma_start3A_159] : memref<10240x64xf32, #tpu.memory_space<vmem_shared>> -> memref<640x64xf32, #tpu.memory_space<vmem_shared>>
      %dma_start3A_161 = arith.constant 0 : i32
      %dma_start3A_162 = tpu.memref_slice %arg5[%mul3A_2, %dma_start3A_161] : memref<10240x64xf32, #tpu.memory_space<hbm>> -> memref<640x64xf32, #tpu.memory_space<hbm>>
      tpu.enqueue_dma source(%dma_start3A_162 : memref<640x64xf32, #tpu.memory_space<hbm>>) target(%dma_start3A_160 : memref<640x64xf32, #tpu.memory_space<vmem_shared>>) target_semaphore(%run_scoped3A : memref<!tpu.dma_semaphore, #tpu.memory_space<semaphore_mem>>)
      %dma_wait3A_163 = arith.constant 0 : i32
      %dma_wait3A_164 = tpu.memref_slice %arg13[%mul3A_4, %dma_wait3A_163] : memref<10240x64xf32, #tpu.memory_space<vmem_shared>> -> memref<640x64xf32, #tpu.memory_space<vmem_shared>>
      %dma_wait3A_165 = arith.constant 0 : i32
      %dma_wait3A_166 = tpu.memref_slice %arg5[%mul3A_2, %dma_wait3A_165] : memref<10240x64xf32, #tpu.memory_space<hbm>> -> memref<640x64xf32, #tpu.memory_space<hbm>>
      tpu.wait_dma2 semaphore(%run_scoped3A : memref<!tpu.dma_semaphore, #tpu.memory_space<semaphore_mem>>) src(%dma_wait3A_166 : memref<640x64xf32, #tpu.memory_space<hbm>>) dst(%dma_wait3A_164 : memref<640x64xf32, #tpu.memory_space<vmem_shared>>)
      tpu.yield
    }) : () -> ()
    %lt3A = arith.constant 15 : i32
    %lt3A_5 = arith.cmpi slt, %arg1, %lt3A : i32
    %convert_element_type3A = arith.extui %lt3A_5 : i1 to i32
    %cond3A = arith.constant 0 : i32
    %cond3A_6 = arith.cmpi ne, %convert_element_type3A, %cond3A : i32
    scf.if %cond3A_6 {
      %mul3A_159 = arith.constant 640 : i32
      %mul3A_160 = arith.muli %arg1, %mul3A_159 : i32
      %mul3A_161 = arith.constant 640 : i32
      %mul3A_162 = arith.muli %arg1, %mul3A_161 : i32
      "tpu.region"() ({
        %run_scoped3A = tpu.sem_alloc : memref<!tpu.dma_semaphore, #tpu.memory_space<semaphore_mem>>
        %dma_start3A_163 = arith.constant 0 : i32
        %dma_start3A_164 = tpu.memref_slice %arg14[%mul3A_162, %dma_start3A_163] : memref<10240x64xf32, #tpu.memory_space<vmem_shared>> -> memref<640x64xf32, #tpu.memory_space<vmem_shared>>
        %dma_start3A_165 = arith.constant 0 : i32
        %dma_start3A_166 = tpu.memref_slice %arg2[%mul3A_160, %dma_start3A_165] : memref<10000x64xf32, #tpu.memory_space<hbm>> -> memref<640x64xf32, #tpu.memory_space<hbm>>
        tpu.enqueue_dma source(%dma_start3A_166 : memref<640x64xf32, #tpu.memory_space<hbm>>) target(%dma_start3A_164 : memref<640x64xf32, #tpu.memory_space<vmem_shared>>) target_semaphore(%run_scoped3A : memref<!tpu.dma_semaphore, #tpu.memory_space<semaphore_mem>>)
        %dma_wait3A_167 = arith.constant 0 : i32
        %dma_wait3A_168 = tpu.memref_slice %arg14[%mul3A_162, %dma_wait3A_167] : memref<10240x64xf32, #tpu.memory_space<vmem_shared>> -> memref<640x64xf32, #tpu.memory_space<vmem_shared>>
        %dma_wait3A_169 = arith.constant 0 : i32
        %dma_wait3A_170 = tpu.memref_slice %arg2[%mul3A_160, %dma_wait3A_169] : memref<10000x64xf32, #tpu.memory_space<hbm>> -> memref<640x64xf32, #tpu.memory_space<hbm>>
        tpu.wait_dma2 semaphore(%run_scoped3A : memref<!tpu.dma_semaphore, #tpu.memory_space<semaphore_mem>>) src(%dma_wait3A_170 : memref<640x64xf32, #tpu.memory_space<hbm>>) dst(%dma_wait3A_168 : memref<640x64xf32, #tpu.memory_space<vmem_shared>>)
        tpu.yield
      }) : () -> ()
    } else {
    }
    %eq3A = arith.constant 15 : i32
    %eq3A_7 = arith.cmpi eq, %arg1, %eq3A : i32
    %convert_element_type3A_8 = arith.extui %eq3A_7 : i1 to i32
    %cond3A_9 = arith.constant 0 : i32
    %cond3A_10 = arith.cmpi ne, %convert_element_type3A_8, %cond3A_9 : i32
    scf.if %cond3A_10 {
      "tpu.region"() ({
        %run_scoped3A = tpu.sem_alloc : memref<!tpu.dma_semaphore, #tpu.memory_space<semaphore_mem>>
        %dma_start3A_159 = arith.constant 9600 : i32
        %dma_start3A_160 = arith.constant 0 : i32
        %dma_start3A_161 = tpu.memref_slice %arg14[%dma_start3A_159, %dma_start3A_160] : memref<10240x64xf32, #tpu.memory_space<vmem_shared>> -> memref<400x64xf32, #tpu.memory_space<vmem_shared>>
        %dma_start3A_162 = arith.constant 9600 : i32
        %dma_start3A_163 = arith.constant 0 : i32
        %dma_start3A_164 = tpu.memref_slice %arg2[%dma_start3A_162, %dma_start3A_163] : memref<10000x64xf32, #tpu.memory_space<hbm>> -> memref<400x64xf32, #tpu.memory_space<hbm>>
        tpu.enqueue_dma source(%dma_start3A_164 : memref<400x64xf32, #tpu.memory_space<hbm>>) target(%dma_start3A_161 : memref<400x64xf32, #tpu.memory_space<vmem_shared>>) target_semaphore(%run_scoped3A : memref<!tpu.dma_semaphore, #tpu.memory_space<semaphore_mem>>)
        %dma_wait3A_165 = arith.constant 9600 : i32
        %dma_wait3A_166 = arith.constant 0 : i32
        %dma_wait3A_167 = tpu.memref_slice %arg14[%dma_wait3A_165, %dma_wait3A_166] : memref<10240x64xf32, #tpu.memory_space<vmem_shared>> -> memref<400x64xf32, #tpu.memory_space<vmem_shared>>
        %dma_wait3A_168 = arith.constant 9600 : i32
        %dma_wait3A_169 = arith.constant 0 : i32
        %dma_wait3A_170 = tpu.memref_slice %arg2[%dma_wait3A_168, %dma_wait3A_169] : memref<10000x64xf32, #tpu.memory_space<hbm>> -> memref<400x64xf32, #tpu.memory_space<hbm>>
        tpu.wait_dma2 semaphore(%run_scoped3A : memref<!tpu.dma_semaphore, #tpu.memory_space<semaphore_mem>>) src(%dma_wait3A_170 : memref<400x64xf32, #tpu.memory_space<hbm>>) dst(%dma_wait3A_167 : memref<400x64xf32, #tpu.memory_space<vmem_shared>>)
        tpu.yield
      }) : () -> ()
    } else {
    }
    %barrier3A = arith.constant 0 : index
    tpu.barrier barrier_id(%barrier3A)
    %dma_start3A = arith.constant 0 : i32
    %dma_start3A_11 = arith.constant 0 : i32
    %dma_start3A_12 = tpu.memref_slice %arg7[%dma_start3A, %dma_start3A_11] : memref<125x80xi32, #tpu.memory_space<vmem>> -> memref<1x80xi32, #tpu.memory_space<vmem>>
    %dma_start3A_13 = tpu.memref_squeeze %dma_start3A_12 : memref<1x80xi32, #tpu.memory_space<vmem>> -> memref<80xi32, #tpu.memory_space<vmem>>
    %dma_start3A_14 = arith.constant 0 : i32
    %dma_start3A_15 = arith.constant 0 : i32
    %dma_start3A_16 = tpu.memref_slice %arg14[%dma_start3A_14, %dma_start3A_15] : memref<10240x64xf32, #tpu.memory_space<vmem_shared>> -> memref<10240x64xf32, #tpu.memory_space<vmem_shared>>
    tpu.enqueue_indirect_dma source(%dma_start3A_16 : memref<10240x64xf32, #tpu.memory_space<vmem_shared>>) target(%arg9 : memref<80x64xf32, #tpu.memory_space<vmem>>) offsets(%dma_start3A_13 : memref<80xi32, #tpu.memory_space<vmem>>) semaphore(%arg15 : memref<!tpu.dma_semaphore, #tpu.memory_space<semaphore_mem>>)
    %dma_start3A_17 = arith.constant 1 : i32
    %dma_start3A_18 = arith.constant 0 : i32
    %dma_start3A_19 = tpu.memref_slice %arg7[%dma_start3A_17, %dma_start3A_18] : memref<125x80xi32, #tpu.memory_space<vmem>> -> memref<1x80xi32, #tpu.memory_space<vmem>>
    %dma_start3A_20 = tpu.memref_squeeze %dma_start3A_19 : memref<1x80xi32, #tpu.memory_space<vmem>> -> memref<80xi32, #tpu.memory_space<vmem>>
    %dma_start3A_21 = arith.constant 0 : i32
    %dma_start3A_22 = arith.constant 0 : i32
    %dma_start3A_23 = tpu.memref_slice %arg14[%dma_start3A_21, %dma_start3A_22] : memref<10240x64xf32, #tpu.memory_space<vmem_shared>> -> memref<10240x64xf32, #tpu.memory_space<vmem_shared>>
    tpu.enqueue_indirect_dma source(%dma_start3A_23 : memref<10240x64xf32, #tpu.memory_space<vmem_shared>>) target(%arg10 : memref<80x64xf32, #tpu.memory_space<vmem>>) offsets(%dma_start3A_20 : memref<80xi32, #tpu.memory_space<vmem>>) semaphore(%arg16 : memref<!tpu.dma_semaphore, #tpu.memory_space<semaphore_mem>>)
    %dma_wait3A = arith.constant 0 : i32
    %dma_wait3A_24 = arith.constant 0 : i32
    %dma_wait3A_25 = tpu.memref_slice %arg7[%dma_wait3A, %dma_wait3A_24] : memref<125x80xi32, #tpu.memory_space<vmem>> -> memref<1x80xi32, #tpu.memory_space<vmem>>
    %dma_wait3A_26 = tpu.memref_squeeze %dma_wait3A_25 : memref<1x80xi32, #tpu.memory_space<vmem>> -> memref<80xi32, #tpu.memory_space<vmem>>
    %dma_wait3A_27 = arith.constant 0 : i32
    %dma_wait3A_28 = arith.constant 0 : i32
    %dma_wait3A_29 = tpu.memref_slice %arg14[%dma_wait3A_27, %dma_wait3A_28] : memref<10240x64xf32, #tpu.memory_space<vmem_shared>> -> memref<10240x64xf32, #tpu.memory_space<vmem_shared>>
    tpu.wait_indirect_dma semaphore(%arg15 : memref<!tpu.dma_semaphore, #tpu.memory_space<semaphore_mem>>) src(%dma_wait3A_29 : memref<10240x64xf32, #tpu.memory_space<vmem_shared>>) dst(%arg9 : memref<80x64xf32, #tpu.memory_space<vmem>>)
    %dma_start3A_30 = arith.constant 0 : i32
    %dma_start3A_31 = arith.constant 0 : i32
    %dma_start3A_32 = tpu.memref_slice %arg8[%dma_start3A_30, %dma_start3A_31] : memref<125x80xi32, #tpu.memory_space<vmem>> -> memref<1x80xi32, #tpu.memory_space<vmem>>
    %dma_start3A_33 = tpu.memref_squeeze %dma_start3A_32 : memref<1x80xi32, #tpu.memory_space<vmem>> -> memref<80xi32, #tpu.memory_space<vmem>>
    %dma_start3A_34 = arith.constant 0 : i32
    %dma_start3A_35 = arith.constant 0 : i32
    %dma_start3A_36 = tpu.memref_slice %arg13[%dma_start3A_34, %dma_start3A_35] : memref<10240x64xf32, #tpu.memory_space<vmem_shared>> -> memref<10240x64xf32, #tpu.memory_space<vmem_shared>>
    tpu.enqueue_indirect_dma source(%arg9 : memref<80x64xf32, #tpu.memory_space<vmem>>) target(%dma_start3A_36 : memref<10240x64xf32, #tpu.memory_space<vmem_shared>>) offsets(%dma_start3A_33 : memref<80xi32, #tpu.memory_space<vmem>>) semaphore(%arg19 : memref<!tpu.dma_semaphore, #tpu.memory_space<semaphore_mem>>) {add = true}
    %dma_start3A_37 = arith.constant 2 : i32
    %dma_start3A_38 = arith.constant 0 : i32
    %dma_start3A_39 = tpu.memref_slice %arg7[%dma_start3A_37, %dma_start3A_38] : memref<125x80xi32, #tpu.memory_space<vmem>> -> memref<1x80xi32, #tpu.memory_space<vmem>>
    %dma_start3A_40 = tpu.memref_squeeze %dma_start3A_39 : memref<1x80xi32, #tpu.memory_space<vmem>> -> memref<80xi32, #tpu.memory_space<vmem>>
    %dma_start3A_41 = arith.constant 0 : i32
    %dma_start3A_42 = arith.constant 0 : i32
    %dma_start3A_43 = tpu.memref_slice %arg14[%dma_start3A_41, %dma_start3A_42] : memref<10240x64xf32, #tpu.memory_space<vmem_shared>> -> memref<10240x64xf32, #tpu.memory_space<vmem_shared>>
    tpu.enqueue_indirect_dma source(%dma_start3A_43 : memref<10240x64xf32, #tpu.memory_space<vmem_shared>>) target(%arg11 : memref<80x64xf32, #tpu.memory_space<vmem>>) offsets(%dma_start3A_40 : memref<80xi32, #tpu.memory_space<vmem>>) semaphore(%arg17 : memref<!tpu.dma_semaphore, #tpu.memory_space<semaphore_mem>>)
    %dma_wait3A_44 = arith.constant 1 : i32
    %dma_wait3A_45 = arith.constant 0 : i32
    %dma_wait3A_46 = tpu.memref_slice %arg7[%dma_wait3A_44, %dma_wait3A_45] : memref<125x80xi32, #tpu.memory_space<vmem>> -> memref<1x80xi32, #tpu.memory_space<vmem>>
    %dma_wait3A_47 = tpu.memref_squeeze %dma_wait3A_46 : memref<1x80xi32, #tpu.memory_space<vmem>> -> memref<80xi32, #tpu.memory_space<vmem>>
    %dma_wait3A_48 = arith.constant 0 : i32
    %dma_wait3A_49 = arith.constant 0 : i32
    %dma_wait3A_50 = tpu.memref_slice %arg14[%dma_wait3A_48, %dma_wait3A_49] : memref<10240x64xf32, #tpu.memory_space<vmem_shared>> -> memref<10240x64xf32, #tpu.memory_space<vmem_shared>>
    tpu.wait_indirect_dma semaphore(%arg16 : memref<!tpu.dma_semaphore, #tpu.memory_space<semaphore_mem>>) src(%dma_wait3A_50 : memref<10240x64xf32, #tpu.memory_space<vmem_shared>>) dst(%arg10 : memref<80x64xf32, #tpu.memory_space<vmem>>)
    %dma_start3A_51 = arith.constant 1 : i32
    %dma_start3A_52 = arith.constant 0 : i32
    %dma_start3A_53 = tpu.memref_slice %arg8[%dma_start3A_51, %dma_start3A_52] : memref<125x80xi32, #tpu.memory_space<vmem>> -> memref<1x80xi32, #tpu.memory_space<vmem>>
    %dma_start3A_54 = tpu.memref_squeeze %dma_start3A_53 : memref<1x80xi32, #tpu.memory_space<vmem>> -> memref<80xi32, #tpu.memory_space<vmem>>
    %dma_start3A_55 = arith.constant 0 : i32
    %dma_start3A_56 = arith.constant 0 : i32
    %dma_start3A_57 = tpu.memref_slice %arg13[%dma_start3A_55, %dma_start3A_56] : memref<10240x64xf32, #tpu.memory_space<vmem_shared>> -> memref<10240x64xf32, #tpu.memory_space<vmem_shared>>
    tpu.enqueue_indirect_dma source(%arg10 : memref<80x64xf32, #tpu.memory_space<vmem>>) target(%dma_start3A_57 : memref<10240x64xf32, #tpu.memory_space<vmem_shared>>) offsets(%dma_start3A_54 : memref<80xi32, #tpu.memory_space<vmem>>) semaphore(%arg20 : memref<!tpu.dma_semaphore, #tpu.memory_space<semaphore_mem>>) {add = true}
    %dma_start3A_58 = arith.constant 3 : i32
    %dma_start3A_59 = arith.constant 0 : i32
    %dma_start3A_60 = tpu.memref_slice %arg7[%dma_start3A_58, %dma_start3A_59] : memref<125x80xi32, #tpu.memory_space<vmem>> -> memref<1x80xi32, #tpu.memory_space<vmem>>
    %dma_start3A_61 = tpu.memref_squeeze %dma_start3A_60 : memref<1x80xi32, #tpu.memory_space<vmem>> -> memref<80xi32, #tpu.memory_space<vmem>>
    %dma_start3A_62 = arith.constant 0 : i32
    %dma_start3A_63 = arith.constant 0 : i32
    %dma_start3A_64 = tpu.memref_slice %arg14[%dma_start3A_62, %dma_start3A_63] : memref<10240x64xf32, #tpu.memory_space<vmem_shared>> -> memref<10240x64xf32, #tpu.memory_space<vmem_shared>>
    tpu.enqueue_indirect_dma source(%dma_start3A_64 : memref<10240x64xf32, #tpu.memory_space<vmem_shared>>) target(%arg12 : memref<80x64xf32, #tpu.memory_space<vmem>>) offsets(%dma_start3A_61 : memref<80xi32, #tpu.memory_space<vmem>>) semaphore(%arg18 : memref<!tpu.dma_semaphore, #tpu.memory_space<semaphore_mem>>)
    %scan3A = arith.constant 0 : i32
    %scan3A_65 = arith.constant 0 : i32
    %scan3A_66 = arith.constant 30 : i32
    %scan3A_67 = arith.addi %scan3A_65, %scan3A_66 : i32
    %scan3A_68 = arith.constant 1 : i32
    scf.for %scan3A_159 = %scan3A_65 to %scan3A_67 step %scan3A_68  : i32 {
      %mul3A_160 = arith.constant 4 : i32
      %mul3A_161 = arith.muli %mul3A_160, %scan3A_159 : i32
      %add3A_162 = arith.constant 2 : i32
      %add3A_163 = arith.addi %add3A_162, %mul3A_161 : i32
      %add3A_164 = arith.constant 0 : i32
      %add3A_165 = arith.addi %add3A_163, %add3A_164 : i32
      %dma_wait3A_166 = arith.constant 0 : i32
      %dma_wait3A_167 = tpu.memref_slice %arg7[%add3A_165, %dma_wait3A_166] : memref<125x80xi32, #tpu.memory_space<vmem>> -> memref<1x80xi32, #tpu.memory_space<vmem>>
      %dma_wait3A_168 = tpu.memref_squeeze %dma_wait3A_167 : memref<1x80xi32, #tpu.memory_space<vmem>> -> memref<80xi32, #tpu.memory_space<vmem>>
      %dma_wait3A_169 = arith.constant 0 : i32
      %dma_wait3A_170 = arith.constant 0 : i32
      %dma_wait3A_171 = tpu.memref_slice %arg14[%dma_wait3A_169, %dma_wait3A_170] : memref<10240x64xf32, #tpu.memory_space<vmem_shared>> -> memref<10240x64xf32, #tpu.memory_space<vmem_shared>>
      tpu.wait_indirect_dma semaphore(%arg17 : memref<!tpu.dma_semaphore, #tpu.memory_space<semaphore_mem>>) src(%dma_wait3A_171 : memref<10240x64xf32, #tpu.memory_space<vmem_shared>>) dst(%arg11 : memref<80x64xf32, #tpu.memory_space<vmem>>)
      %dma_start3A_172 = arith.constant 0 : i32
      %dma_start3A_173 = tpu.memref_slice %arg8[%add3A_165, %dma_start3A_172] : memref<125x80xi32, #tpu.memory_space<vmem>> -> memref<1x80xi32, #tpu.memory_space<vmem>>
      %dma_start3A_174 = tpu.memref_squeeze %dma_start3A_173 : memref<1x80xi32, #tpu.memory_space<vmem>> -> memref<80xi32, #tpu.memory_space<vmem>>
      %dma_start3A_175 = arith.constant 0 : i32
      %dma_start3A_176 = arith.constant 0 : i32
      %dma_start3A_177 = tpu.memref_slice %arg13[%dma_start3A_175, %dma_start3A_176] : memref<10240x64xf32, #tpu.memory_space<vmem_shared>> -> memref<10240x64xf32, #tpu.memory_space<vmem_shared>>
      tpu.enqueue_indirect_dma source(%arg11 : memref<80x64xf32, #tpu.memory_space<vmem>>) target(%dma_start3A_177 : memref<10240x64xf32, #tpu.memory_space<vmem_shared>>) offsets(%dma_start3A_174 : memref<80xi32, #tpu.memory_space<vmem>>) semaphore(%arg21 : memref<!tpu.dma_semaphore, #tpu.memory_space<semaphore_mem>>) {add = true}
      %sub3A = arith.constant 2 : i32
      %sub3A_178 = arith.subi %add3A_165, %sub3A : i32
      %dma_wait3A_179 = arith.constant 0 : i32
      %dma_wait3A_180 = tpu.memref_slice %arg8[%sub3A_178, %dma_wait3A_179] : memref<125x80xi32, #tpu.memory_space<vmem>> -> memref<1x80xi32, #tpu.memory_space<vmem>>
      %dma_wait3A_181 = tpu.memref_squeeze %dma_wait3A_180 : memref<1x80xi32, #tpu.memory_space<vmem>> -> memref<80xi32, #tpu.memory_space<vmem>>
      %dma_wait3A_182 = arith.constant 0 : i32
      %dma_wait3A_183 = arith.constant 0 : i32
      %dma_wait3A_184 = tpu.memref_slice %arg13[%dma_wait3A_182, %dma_wait3A_183] : memref<10240x64xf32, #tpu.memory_space<vmem_shared>> -> memref<10240x64xf32, #tpu.memory_space<vmem_shared>>
      tpu.wait_indirect_dma semaphore(%arg19 : memref<!tpu.dma_semaphore, #tpu.memory_space<semaphore_mem>>) src(%arg9 : memref<80x64xf32, #tpu.memory_space<vmem>>) dst(%dma_wait3A_184 : memref<10240x64xf32, #tpu.memory_space<vmem_shared>>)
      %add3A_185 = arith.constant 2 : i32
      %add3A_186 = arith.addi %add3A_165, %add3A_185 : i32
      %dma_start3A_187 = arith.constant 0 : i32
      %dma_start3A_188 = tpu.memref_slice %arg7[%add3A_186, %dma_start3A_187] : memref<125x80xi32, #tpu.memory_space<vmem>> -> memref<1x80xi32, #tpu.memory_space<vmem>>
      %dma_start3A_189 = tpu.memref_squeeze %dma_start3A_188 : memref<1x80xi32, #tpu.memory_space<vmem>> -> memref<80xi32, #tpu.memory_space<vmem>>
      %dma_start3A_190 = arith.constant 0 : i32
      %dma_start3A_191 = arith.constant 0 : i32
      %dma_start3A_192 = tpu.memref_slice %arg14[%dma_start3A_190, %dma_start3A_191] : memref<10240x64xf32, #tpu.memory_space<vmem_shared>> -> memref<10240x64xf32, #tpu.memory_space<vmem_shared>>
      tpu.enqueue_indirect_dma source(%dma_start3A_192 : memref<10240x64xf32, #tpu.memory_space<vmem_shared>>) target(%arg9 : memref<80x64xf32, #tpu.memory_space<vmem>>) offsets(%dma_start3A_189 : memref<80xi32, #tpu.memory_space<vmem>>) semaphore(%arg15 : memref<!tpu.dma_semaphore, #tpu.memory_space<semaphore_mem>>)
      %add3A_193 = arith.constant 1 : i32
      %add3A_194 = arith.addi %add3A_163, %add3A_193 : i32
      %dma_wait3A_195 = arith.constant 0 : i32
      %dma_wait3A_196 = tpu.memref_slice %arg7[%add3A_194, %dma_wait3A_195] : memref<125x80xi32, #tpu.memory_space<vmem>> -> memref<1x80xi32, #tpu.memory_space<vmem>>
      %dma_wait3A_197 = tpu.memref_squeeze %dma_wait3A_196 : memref<1x80xi32, #tpu.memory_space<vmem>> -> memref<80xi32, #tpu.memory_space<vmem>>
      %dma_wait3A_198 = arith.constant 0 : i32
      %dma_wait3A_199 = arith.constant 0 : i32
      %dma_wait3A_200 = tpu.memref_slice %arg14[%dma_wait3A_198, %dma_wait3A_199] : memref<10240x64xf32, #tpu.memory_space<vmem_shared>> -> memref<10240x64xf32, #tpu.memory_space<vmem_shared>>
      tpu.wait_indirect_dma semaphore(%arg18 : memref<!tpu.dma_semaphore, #tpu.memory_space<semaphore_mem>>) src(%dma_wait3A_200 : memref<10240x64xf32, #tpu.memory_space<vmem_shared>>) dst(%arg12 : memref<80x64xf32, #tpu.memory_space<vmem>>)
      %dma_start3A_201 = arith.constant 0 : i32
      %dma_start3A_202 = tpu.memref_slice %arg8[%add3A_194, %dma_start3A_201] : memref<125x80xi32, #tpu.memory_space<vmem>> -> memref<1x80xi32, #tpu.memory_space<vmem>>
      %dma_start3A_203 = tpu.memref_squeeze %dma_start3A_202 : memref<1x80xi32, #tpu.memory_space<vmem>> -> memref<80xi32, #tpu.memory_space<vmem>>
      %dma_start3A_204 = arith.constant 0 : i32
      %dma_start3A_205 = arith.constant 0 : i32
      %dma_start3A_206 = tpu.memref_slice %arg13[%dma_start3A_204, %dma_start3A_205] : memref<10240x64xf32, #tpu.memory_space<vmem_shared>> -> memref<10240x64xf32, #tpu.memory_space<vmem_shared>>
      tpu.enqueue_indirect_dma source(%arg12 : memref<80x64xf32, #tpu.memory_space<vmem>>) target(%dma_start3A_206 : memref<10240x64xf32, #tpu.memory_space<vmem_shared>>) offsets(%dma_start3A_203 : memref<80xi32, #tpu.memory_space<vmem>>) semaphore(%arg22 : memref<!tpu.dma_semaphore, #tpu.memory_space<semaphore_mem>>) {add = true}
      %sub3A_207 = arith.constant 2 : i32
      %sub3A_208 = arith.subi %add3A_194, %sub3A_207 : i32
      %dma_wait3A_209 = arith.constant 0 : i32
      %dma_wait3A_210 = tpu.memref_slice %arg8[%sub3A_208, %dma_wait3A_209] : memref<125x80xi32, #tpu.memory_space<vmem>> -> memref<1x80xi32, #tpu.memory_space<vmem>>
      %dma_wait3A_211 = tpu.memref_squeeze %dma_wait3A_210 : memref<1x80xi32, #tpu.memory_space<vmem>> -> memref<80xi32, #tpu.memory_space<vmem>>
      %dma_wait3A_212 = arith.constant 0 : i32
      %dma_wait3A_213 = arith.constant 0 : i32
      %dma_wait3A_214 = tpu.memref_slice %arg13[%dma_wait3A_212, %dma_wait3A_213] : memref<10240x64xf32, #tpu.memory_space<vmem_shared>> -> memref<10240x64xf32, #tpu.memory_space<vmem_shared>>
      tpu.wait_indirect_dma semaphore(%arg20 : memref<!tpu.dma_semaphore, #tpu.memory_space<semaphore_mem>>) src(%arg10 : memref<80x64xf32, #tpu.memory_space<vmem>>) dst(%dma_wait3A_214 : memref<10240x64xf32, #tpu.memory_space<vmem_shared>>)
      %add3A_215 = arith.constant 2 : i32
      %add3A_216 = arith.addi %add3A_194, %add3A_215 : i32
      %dma_start3A_217 = arith.constant 0 : i32
      %dma_start3A_218 = tpu.memref_slice %arg7[%add3A_216, %dma_start3A_217] : memref<125x80xi32, #tpu.memory_space<vmem>> -> memref<1x80xi32, #tpu.memory_space<vmem>>
      %dma_start3A_219 = tpu.memref_squeeze %dma_start3A_218 : memref<1x80xi32, #tpu.memory_space<vmem>> -> memref<80xi32, #tpu.memory_space<vmem>>
      %dma_start3A_220 = arith.constant 0 : i32
      %dma_start3A_221 = arith.constant 0 : i32
      %dma_start3A_222 = tpu.memref_slice %arg14[%dma_start3A_220, %dma_start3A_221] : memref<10240x64xf32, #tpu.memory_space<vmem_shared>> -> memref<10240x64xf32, #tpu.memory_space<vmem_shared>>
      tpu.enqueue_indirect_dma source(%dma_start3A_222 : memref<10240x64xf32, #tpu.memory_space<vmem_shared>>) target(%arg10 : memref<80x64xf32, #tpu.memory_space<vmem>>) offsets(%dma_start3A_219 : memref<80xi32, #tpu.memory_space<vmem>>) semaphore(%arg16 : memref<!tpu.dma_semaphore, #tpu.memory_space<semaphore_mem>>)
      %add3A_223 = arith.constant 2 : i32
      %add3A_224 = arith.addi %add3A_163, %add3A_223 : i32
      %dma_wait3A_225 = arith.constant 0 : i32
      %dma_wait3A_226 = tpu.memref_slice %arg7[%add3A_224, %dma_wait3A_225] : memref<125x80xi32, #tpu.memory_space<vmem>> -> memref<1x80xi32, #tpu.memory_space<vmem>>
      %dma_wait3A_227 = tpu.memref_squeeze %dma_wait3A_226 : memref<1x80xi32, #tpu.memory_space<vmem>> -> memref<80xi32, #tpu.memory_space<vmem>>
      %dma_wait3A_228 = arith.constant 0 : i32
      %dma_wait3A_229 = arith.constant 0 : i32
      %dma_wait3A_230 = tpu.memref_slice %arg14[%dma_wait3A_228, %dma_wait3A_229] : memref<10240x64xf32, #tpu.memory_space<vmem_shared>> -> memref<10240x64xf32, #tpu.memory_space<vmem_shared>>
      tpu.wait_indirect_dma semaphore(%arg15 : memref<!tpu.dma_semaphore, #tpu.memory_space<semaphore_mem>>) src(%dma_wait3A_230 : memref<10240x64xf32, #tpu.memory_space<vmem_shared>>) dst(%arg9 : memref<80x64xf32, #tpu.memory_space<vmem>>)
      %dma_start3A_231 = arith.constant 0 : i32
      %dma_start3A_232 = tpu.memref_slice %arg8[%add3A_224, %dma_start3A_231] : memref<125x80xi32, #tpu.memory_space<vmem>> -> memref<1x80xi32, #tpu.memory_space<vmem>>
      %dma_start3A_233 = tpu.memref_squeeze %dma_start3A_232 : memref<1x80xi32, #tpu.memory_space<vmem>> -> memref<80xi32, #tpu.memory_space<vmem>>
      %dma_start3A_234 = arith.constant 0 : i32
      %dma_start3A_235 = arith.constant 0 : i32
      %dma_start3A_236 = tpu.memref_slice %arg13[%dma_start3A_234, %dma_start3A_235] : memref<10240x64xf32, #tpu.memory_space<vmem_shared>> -> memref<10240x64xf32, #tpu.memory_space<vmem_shared>>
      tpu.enqueue_indirect_dma source(%arg9 : memref<80x64xf32, #tpu.memory_space<vmem>>) target(%dma_start3A_236 : memref<10240x64xf32, #tpu.memory_space<vmem_shared>>) offsets(%dma_start3A_233 : memref<80xi32, #tpu.memory_space<vmem>>) semaphore(%arg19 : memref<!tpu.dma_semaphore, #tpu.memory_space<semaphore_mem>>) {add = true}
      %sub3A_237 = arith.constant 2 : i32
      %sub3A_238 = arith.subi %add3A_224, %sub3A_237 : i32
      %dma_wait3A_239 = arith.constant 0 : i32
      %dma_wait3A_240 = tpu.memref_slice %arg8[%sub3A_238, %dma_wait3A_239] : memref<125x80xi32, #tpu.memory_space<vmem>> -> memref<1x80xi32, #tpu.memory_space<vmem>>
      %dma_wait3A_241 = tpu.memref_squeeze %dma_wait3A_240 : memref<1x80xi32, #tpu.memory_space<vmem>> -> memref<80xi32, #tpu.memory_space<vmem>>
      %dma_wait3A_242 = arith.constant 0 : i32
      %dma_wait3A_243 = arith.constant 0 : i32
      %dma_wait3A_244 = tpu.memref_slice %arg13[%dma_wait3A_242, %dma_wait3A_243] : memref<10240x64xf32, #tpu.memory_space<vmem_shared>> -> memref<10240x64xf32, #tpu.memory_space<vmem_shared>>
      tpu.wait_indirect_dma semaphore(%arg21 : memref<!tpu.dma_semaphore, #tpu.memory_space<semaphore_mem>>) src(%arg11 : memref<80x64xf32, #tpu.memory_space<vmem>>) dst(%dma_wait3A_244 : memref<10240x64xf32, #tpu.memory_space<vmem_shared>>)
      %add3A_245 = arith.constant 2 : i32
      %add3A_246 = arith.addi %add3A_224, %add3A_245 : i32
      %dma_start3A_247 = arith.constant 0 : i32
      %dma_start3A_248 = tpu.memref_slice %arg7[%add3A_246, %dma_start3A_247] : memref<125x80xi32, #tpu.memory_space<vmem>> -> memref<1x80xi32, #tpu.memory_space<vmem>>
      %dma_start3A_249 = tpu.memref_squeeze %dma_start3A_248 : memref<1x80xi32, #tpu.memory_space<vmem>> -> memref<80xi32, #tpu.memory_space<vmem>>
      %dma_start3A_250 = arith.constant 0 : i32
      %dma_start3A_251 = arith.constant 0 : i32
      %dma_start3A_252 = tpu.memref_slice %arg14[%dma_start3A_250, %dma_start3A_251] : memref<10240x64xf32, #tpu.memory_space<vmem_shared>> -> memref<10240x64xf32, #tpu.memory_space<vmem_shared>>
      tpu.enqueue_indirect_dma source(%dma_start3A_252 : memref<10240x64xf32, #tpu.memory_space<vmem_shared>>) target(%arg11 : memref<80x64xf32, #tpu.memory_space<vmem>>) offsets(%dma_start3A_249 : memref<80xi32, #tpu.memory_space<vmem>>) semaphore(%arg17 : memref<!tpu.dma_semaphore, #tpu.memory_space<semaphore_mem>>)
      %add3A_253 = arith.constant 3 : i32
      %add3A_254 = arith.addi %add3A_163, %add3A_253 : i32
      %dma_wait3A_255 = arith.constant 0 : i32
      %dma_wait3A_256 = tpu.memref_slice %arg7[%add3A_254, %dma_wait3A_255] : memref<125x80xi32, #tpu.memory_space<vmem>> -> memref<1x80xi32, #tpu.memory_space<vmem>>
      %dma_wait3A_257 = tpu.memref_squeeze %dma_wait3A_256 : memref<1x80xi32, #tpu.memory_space<vmem>> -> memref<80xi32, #tpu.memory_space<vmem>>
      %dma_wait3A_258 = arith.constant 0 : i32
      %dma_wait3A_259 = arith.constant 0 : i32
      %dma_wait3A_260 = tpu.memref_slice %arg14[%dma_wait3A_258, %dma_wait3A_259] : memref<10240x64xf32, #tpu.memory_space<vmem_shared>> -> memref<10240x64xf32, #tpu.memory_space<vmem_shared>>
      tpu.wait_indirect_dma semaphore(%arg16 : memref<!tpu.dma_semaphore, #tpu.memory_space<semaphore_mem>>) src(%dma_wait3A_260 : memref<10240x64xf32, #tpu.memory_space<vmem_shared>>) dst(%arg10 : memref<80x64xf32, #tpu.memory_space<vmem>>)
      %dma_start3A_261 = arith.constant 0 : i32
      %dma_start3A_262 = tpu.memref_slice %arg8[%add3A_254, %dma_start3A_261] : memref<125x80xi32, #tpu.memory_space<vmem>> -> memref<1x80xi32, #tpu.memory_space<vmem>>
      %dma_start3A_263 = tpu.memref_squeeze %dma_start3A_262 : memref<1x80xi32, #tpu.memory_space<vmem>> -> memref<80xi32, #tpu.memory_space<vmem>>
      %dma_start3A_264 = arith.constant 0 : i32
      %dma_start3A_265 = arith.constant 0 : i32
      %dma_start3A_266 = tpu.memref_slice %arg13[%dma_start3A_264, %dma_start3A_265] : memref<10240x64xf32, #tpu.memory_space<vmem_shared>> -> memref<10240x64xf32, #tpu.memory_space<vmem_shared>>
      tpu.enqueue_indirect_dma source(%arg10 : memref<80x64xf32, #tpu.memory_space<vmem>>) target(%dma_start3A_266 : memref<10240x64xf32, #tpu.memory_space<vmem_shared>>) offsets(%dma_start3A_263 : memref<80xi32, #tpu.memory_space<vmem>>) semaphore(%arg20 : memref<!tpu.dma_semaphore, #tpu.memory_space<semaphore_mem>>) {add = true}
      %sub3A_267 = arith.constant 2 : i32
      %sub3A_268 = arith.subi %add3A_254, %sub3A_267 : i32
      %dma_wait3A_269 = arith.constant 0 : i32
      %dma_wait3A_270 = tpu.memref_slice %arg8[%sub3A_268, %dma_wait3A_269] : memref<125x80xi32, #tpu.memory_space<vmem>> -> memref<1x80xi32, #tpu.memory_space<vmem>>
      %dma_wait3A_271 = tpu.memref_squeeze %dma_wait3A_270 : memref<1x80xi32, #tpu.memory_space<vmem>> -> memref<80xi32, #tpu.memory_space<vmem>>
      %dma_wait3A_272 = arith.constant 0 : i32
      %dma_wait3A_273 = arith.constant 0 : i32
      %dma_wait3A_274 = tpu.memref_slice %arg13[%dma_wait3A_272, %dma_wait3A_273] : memref<10240x64xf32, #tpu.memory_space<vmem_shared>> -> memref<10240x64xf32, #tpu.memory_space<vmem_shared>>
      tpu.wait_indirect_dma semaphore(%arg22 : memref<!tpu.dma_semaphore, #tpu.memory_space<semaphore_mem>>) src(%arg12 : memref<80x64xf32, #tpu.memory_space<vmem>>) dst(%dma_wait3A_274 : memref<10240x64xf32, #tpu.memory_space<vmem_shared>>)
      %add3A_275 = arith.constant 2 : i32
      %add3A_276 = arith.addi %add3A_254, %add3A_275 : i32
      %dma_start3A_277 = arith.constant 0 : i32
      %dma_start3A_278 = tpu.memref_slice %arg7[%add3A_276, %dma_start3A_277] : memref<125x80xi32, #tpu.memory_space<vmem>> -> memref<1x80xi32, #tpu.memory_space<vmem>>
      %dma_start3A_279 = tpu.memref_squeeze %dma_start3A_278 : memref<1x80xi32, #tpu.memory_space<vmem>> -> memref<80xi32, #tpu.memory_space<vmem>>
      %dma_start3A_280 = arith.constant 0 : i32
      %dma_start3A_281 = arith.constant 0 : i32
      %dma_start3A_282 = tpu.memref_slice %arg14[%dma_start3A_280, %dma_start3A_281] : memref<10240x64xf32, #tpu.memory_space<vmem_shared>> -> memref<10240x64xf32, #tpu.memory_space<vmem_shared>>
      tpu.enqueue_indirect_dma source(%dma_start3A_282 : memref<10240x64xf32, #tpu.memory_space<vmem_shared>>) target(%arg12 : memref<80x64xf32, #tpu.memory_space<vmem>>) offsets(%dma_start3A_279 : memref<80xi32, #tpu.memory_space<vmem>>) semaphore(%arg18 : memref<!tpu.dma_semaphore, #tpu.memory_space<semaphore_mem>>)
    }
    %scan3A_69 = arith.constant 30 : i32
    %dma_wait3A_70 = arith.constant 122 : i32
    %dma_wait3A_71 = arith.constant 0 : i32
    %dma_wait3A_72 = tpu.memref_slice %arg7[%dma_wait3A_70, %dma_wait3A_71] : memref<125x80xi32, #tpu.memory_space<vmem>> -> memref<1x80xi32, #tpu.memory_space<vmem>>
    %dma_wait3A_73 = tpu.memref_squeeze %dma_wait3A_72 : memref<1x80xi32, #tpu.memory_space<vmem>> -> memref<80xi32, #tpu.memory_space<vmem>>
    %dma_wait3A_74 = arith.constant 0 : i32
    %dma_wait3A_75 = arith.constant 0 : i32
    %dma_wait3A_76 = tpu.memref_slice %arg14[%dma_wait3A_74, %dma_wait3A_75] : memref<10240x64xf32, #tpu.memory_space<vmem_shared>> -> memref<10240x64xf32, #tpu.memory_space<vmem_shared>>
    tpu.wait_indirect_dma semaphore(%arg17 : memref<!tpu.dma_semaphore, #tpu.memory_space<semaphore_mem>>) src(%dma_wait3A_76 : memref<10240x64xf32, #tpu.memory_space<vmem_shared>>) dst(%arg11 : memref<80x64xf32, #tpu.memory_space<vmem>>)
    %dma_start3A_77 = arith.constant 122 : i32
    %dma_start3A_78 = arith.constant 0 : i32
    %dma_start3A_79 = tpu.memref_slice %arg8[%dma_start3A_77, %dma_start3A_78] : memref<125x80xi32, #tpu.memory_space<vmem>> -> memref<1x80xi32, #tpu.memory_space<vmem>>
    %dma_start3A_80 = tpu.memref_squeeze %dma_start3A_79 : memref<1x80xi32, #tpu.memory_space<vmem>> -> memref<80xi32, #tpu.memory_space<vmem>>
    %dma_start3A_81 = arith.constant 0 : i32
    %dma_start3A_82 = arith.constant 0 : i32
    %dma_start3A_83 = tpu.memref_slice %arg13[%dma_start3A_81, %dma_start3A_82] : memref<10240x64xf32, #tpu.memory_space<vmem_shared>> -> memref<10240x64xf32, #tpu.memory_space<vmem_shared>>
    tpu.enqueue_indirect_dma source(%arg11 : memref<80x64xf32, #tpu.memory_space<vmem>>) target(%dma_start3A_83 : memref<10240x64xf32, #tpu.memory_space<vmem_shared>>) offsets(%dma_start3A_80 : memref<80xi32, #tpu.memory_space<vmem>>) semaphore(%arg21 : memref<!tpu.dma_semaphore, #tpu.memory_space<semaphore_mem>>) {add = true}
    %dma_wait3A_84 = arith.constant 120 : i32
    %dma_wait3A_85 = arith.constant 0 : i32
    %dma_wait3A_86 = tpu.memref_slice %arg8[%dma_wait3A_84, %dma_wait3A_85] : memref<125x80xi32, #tpu.memory_space<vmem>> -> memref<1x80xi32, #tpu.memory_space<vmem>>
    %dma_wait3A_87 = tpu.memref_squeeze %dma_wait3A_86 : memref<1x80xi32, #tpu.memory_space<vmem>> -> memref<80xi32, #tpu.memory_space<vmem>>
    %dma_wait3A_88 = arith.constant 0 : i32
    %dma_wait3A_89 = arith.constant 0 : i32
    %dma_wait3A_90 = tpu.memref_slice %arg13[%dma_wait3A_88, %dma_wait3A_89] : memref<10240x64xf32, #tpu.memory_space<vmem_shared>> -> memref<10240x64xf32, #tpu.memory_space<vmem_shared>>
    tpu.wait_indirect_dma semaphore(%arg19 : memref<!tpu.dma_semaphore, #tpu.memory_space<semaphore_mem>>) src(%arg9 : memref<80x64xf32, #tpu.memory_space<vmem>>) dst(%dma_wait3A_90 : memref<10240x64xf32, #tpu.memory_space<vmem_shared>>)
    %dma_start3A_91 = arith.constant 124 : i32
    %dma_start3A_92 = arith.constant 0 : i32
    %dma_start3A_93 = tpu.memref_slice %arg7[%dma_start3A_91, %dma_start3A_92] : memref<125x80xi32, #tpu.memory_space<vmem>> -> memref<1x80xi32, #tpu.memory_space<vmem>>
    %dma_start3A_94 = tpu.memref_squeeze %dma_start3A_93 : memref<1x80xi32, #tpu.memory_space<vmem>> -> memref<80xi32, #tpu.memory_space<vmem>>
    %dma_start3A_95 = arith.constant 0 : i32
    %dma_start3A_96 = arith.constant 0 : i32
    %dma_start3A_97 = tpu.memref_slice %arg14[%dma_start3A_95, %dma_start3A_96] : memref<10240x64xf32, #tpu.memory_space<vmem_shared>> -> memref<10240x64xf32, #tpu.memory_space<vmem_shared>>
    tpu.enqueue_indirect_dma source(%dma_start3A_97 : memref<10240x64xf32, #tpu.memory_space<vmem_shared>>) target(%arg9 : memref<80x64xf32, #tpu.memory_space<vmem>>) offsets(%dma_start3A_94 : memref<80xi32, #tpu.memory_space<vmem>>) semaphore(%arg15 : memref<!tpu.dma_semaphore, #tpu.memory_space<semaphore_mem>>)
    %dma_wait3A_98 = arith.constant 123 : i32
    %dma_wait3A_99 = arith.constant 0 : i32
    %dma_wait3A_100 = tpu.memref_slice %arg7[%dma_wait3A_98, %dma_wait3A_99] : memref<125x80xi32, #tpu.memory_space<vmem>> -> memref<1x80xi32, #tpu.memory_space<vmem>>
    %dma_wait3A_101 = tpu.memref_squeeze %dma_wait3A_100 : memref<1x80xi32, #tpu.memory_space<vmem>> -> memref<80xi32, #tpu.memory_space<vmem>>
    %dma_wait3A_102 = arith.constant 0 : i32
    %dma_wait3A_103 = arith.constant 0 : i32
    %dma_wait3A_104 = tpu.memref_slice %arg14[%dma_wait3A_102, %dma_wait3A_103] : memref<10240x64xf32, #tpu.memory_space<vmem_shared>> -> memref<10240x64xf32, #tpu.memory_space<vmem_shared>>
    tpu.wait_indirect_dma semaphore(%arg18 : memref<!tpu.dma_semaphore, #tpu.memory_space<semaphore_mem>>) src(%dma_wait3A_104 : memref<10240x64xf32, #tpu.memory_space<vmem_shared>>) dst(%arg12 : memref<80x64xf32, #tpu.memory_space<vmem>>)
    %dma_start3A_105 = arith.constant 123 : i32
    %dma_start3A_106 = arith.constant 0 : i32
    %dma_start3A_107 = tpu.memref_slice %arg8[%dma_start3A_105, %dma_start3A_106] : memref<125x80xi32, #tpu.memory_space<vmem>> -> memref<1x80xi32, #tpu.memory_space<vmem>>
    %dma_start3A_108 = tpu.memref_squeeze %dma_start3A_107 : memref<1x80xi32, #tpu.memory_space<vmem>> -> memref<80xi32, #tpu.memory_space<vmem>>
    %dma_start3A_109 = arith.constant 0 : i32
    %dma_start3A_110 = arith.constant 0 : i32
    %dma_start3A_111 = tpu.memref_slice %arg13[%dma_start3A_109, %dma_start3A_110] : memref<10240x64xf32, #tpu.memory_space<vmem_shared>> -> memref<10240x64xf32, #tpu.memory_space<vmem_shared>>
    tpu.enqueue_indirect_dma source(%arg12 : memref<80x64xf32, #tpu.memory_space<vmem>>) target(%dma_start3A_111 : memref<10240x64xf32, #tpu.memory_space<vmem_shared>>) offsets(%dma_start3A_108 : memref<80xi32, #tpu.memory_space<vmem>>) semaphore(%arg22 : memref<!tpu.dma_semaphore, #tpu.memory_space<semaphore_mem>>) {add = true}
    %dma_wait3A_112 = arith.constant 121 : i32
    %dma_wait3A_113 = arith.constant 0 : i32
    %dma_wait3A_114 = tpu.memref_slice %arg8[%dma_wait3A_112, %dma_wait3A_113] : memref<125x80xi32, #tpu.memory_space<vmem>> -> memref<1x80xi32, #tpu.memory_space<vmem>>
    %dma_wait3A_115 = tpu.memref_squeeze %dma_wait3A_114 : memref<1x80xi32, #tpu.memory_space<vmem>> -> memref<80xi32, #tpu.memory_space<vmem>>
    %dma_wait3A_116 = arith.constant 0 : i32
    %dma_wait3A_117 = arith.constant 0 : i32
    %dma_wait3A_118 = tpu.memref_slice %arg13[%dma_wait3A_116, %dma_wait3A_117] : memref<10240x64xf32, #tpu.memory_space<vmem_shared>> -> memref<10240x64xf32, #tpu.memory_space<vmem_shared>>
    tpu.wait_indirect_dma semaphore(%arg20 : memref<!tpu.dma_semaphore, #tpu.memory_space<semaphore_mem>>) src(%arg10 : memref<80x64xf32, #tpu.memory_space<vmem>>) dst(%dma_wait3A_118 : memref<10240x64xf32, #tpu.memory_space<vmem_shared>>)
    %dma_wait3A_119 = arith.constant 124 : i32
    %dma_wait3A_120 = arith.constant 0 : i32
    %dma_wait3A_121 = tpu.memref_slice %arg7[%dma_wait3A_119, %dma_wait3A_120] : memref<125x80xi32, #tpu.memory_space<vmem>> -> memref<1x80xi32, #tpu.memory_space<vmem>>
    %dma_wait3A_122 = tpu.memref_squeeze %dma_wait3A_121 : memref<1x80xi32, #tpu.memory_space<vmem>> -> memref<80xi32, #tpu.memory_space<vmem>>
    %dma_wait3A_123 = arith.constant 0 : i32
    %dma_wait3A_124 = arith.constant 0 : i32
    %dma_wait3A_125 = tpu.memref_slice %arg14[%dma_wait3A_123, %dma_wait3A_124] : memref<10240x64xf32, #tpu.memory_space<vmem_shared>> -> memref<10240x64xf32, #tpu.memory_space<vmem_shared>>
    tpu.wait_indirect_dma semaphore(%arg15 : memref<!tpu.dma_semaphore, #tpu.memory_space<semaphore_mem>>) src(%dma_wait3A_125 : memref<10240x64xf32, #tpu.memory_space<vmem_shared>>) dst(%arg9 : memref<80x64xf32, #tpu.memory_space<vmem>>)
    %dma_start3A_126 = arith.constant 124 : i32
    %dma_start3A_127 = arith.constant 0 : i32
    %dma_start3A_128 = tpu.memref_slice %arg8[%dma_start3A_126, %dma_start3A_127] : memref<125x80xi32, #tpu.memory_space<vmem>> -> memref<1x80xi32, #tpu.memory_space<vmem>>
    %dma_start3A_129 = tpu.memref_squeeze %dma_start3A_128 : memref<1x80xi32, #tpu.memory_space<vmem>> -> memref<80xi32, #tpu.memory_space<vmem>>
    %dma_start3A_130 = arith.constant 0 : i32
    %dma_start3A_131 = arith.constant 0 : i32
    %dma_start3A_132 = tpu.memref_slice %arg13[%dma_start3A_130, %dma_start3A_131] : memref<10240x64xf32, #tpu.memory_space<vmem_shared>> -> memref<10240x64xf32, #tpu.memory_space<vmem_shared>>
    tpu.enqueue_indirect_dma source(%arg9 : memref<80x64xf32, #tpu.memory_space<vmem>>) target(%dma_start3A_132 : memref<10240x64xf32, #tpu.memory_space<vmem_shared>>) offsets(%dma_start3A_129 : memref<80xi32, #tpu.memory_space<vmem>>) semaphore(%arg19 : memref<!tpu.dma_semaphore, #tpu.memory_space<semaphore_mem>>) {add = true}
    %dma_wait3A_133 = arith.constant 122 : i32
    %dma_wait3A_134 = arith.constant 0 : i32
    %dma_wait3A_135 = tpu.memref_slice %arg8[%dma_wait3A_133, %dma_wait3A_134] : memref<125x80xi32, #tpu.memory_space<vmem>> -> memref<1x80xi32, #tpu.memory_space<vmem>>
    %dma_wait3A_136 = tpu.memref_squeeze %dma_wait3A_135 : memref<1x80xi32, #tpu.memory_space<vmem>> -> memref<80xi32, #tpu.memory_space<vmem>>
    %dma_wait3A_137 = arith.constant 0 : i32
    %dma_wait3A_138 = arith.constant 0 : i32
    %dma_wait3A_139 = tpu.memref_slice %arg13[%dma_wait3A_137, %dma_wait3A_138] : memref<10240x64xf32, #tpu.memory_space<vmem_shared>> -> memref<10240x64xf32, #tpu.memory_space<vmem_shared>>
    tpu.wait_indirect_dma semaphore(%arg21 : memref<!tpu.dma_semaphore, #tpu.memory_space<semaphore_mem>>) src(%arg11 : memref<80x64xf32, #tpu.memory_space<vmem>>) dst(%dma_wait3A_139 : memref<10240x64xf32, #tpu.memory_space<vmem_shared>>)
    %dma_wait3A_140 = arith.constant 123 : i32
    %dma_wait3A_141 = arith.constant 0 : i32
    %dma_wait3A_142 = tpu.memref_slice %arg8[%dma_wait3A_140, %dma_wait3A_141] : memref<125x80xi32, #tpu.memory_space<vmem>> -> memref<1x80xi32, #tpu.memory_space<vmem>>
    %dma_wait3A_143 = tpu.memref_squeeze %dma_wait3A_142 : memref<1x80xi32, #tpu.memory_space<vmem>> -> memref<80xi32, #tpu.memory_space<vmem>>
    %dma_wait3A_144 = arith.constant 0 : i32
    %dma_wait3A_145 = arith.constant 0 : i32
    %dma_wait3A_146 = tpu.memref_slice %arg13[%dma_wait3A_144, %dma_wait3A_145] : memref<10240x64xf32, #tpu.memory_space<vmem_shared>> -> memref<10240x64xf32, #tpu.memory_space<vmem_shared>>
    tpu.wait_indirect_dma semaphore(%arg22 : memref<!tpu.dma_semaphore, #tpu.memory_space<semaphore_mem>>) src(%arg12 : memref<80x64xf32, #tpu.memory_space<vmem>>) dst(%dma_wait3A_146 : memref<10240x64xf32, #tpu.memory_space<vmem_shared>>)
    %dma_wait3A_147 = arith.constant 124 : i32
    %dma_wait3A_148 = arith.constant 0 : i32
    %dma_wait3A_149 = tpu.memref_slice %arg8[%dma_wait3A_147, %dma_wait3A_148] : memref<125x80xi32, #tpu.memory_space<vmem>> -> memref<1x80xi32, #tpu.memory_space<vmem>>
    %dma_wait3A_150 = tpu.memref_squeeze %dma_wait3A_149 : memref<1x80xi32, #tpu.memory_space<vmem>> -> memref<80xi32, #tpu.memory_space<vmem>>
    %dma_wait3A_151 = arith.constant 0 : i32
    %dma_wait3A_152 = arith.constant 0 : i32
    %dma_wait3A_153 = tpu.memref_slice %arg13[%dma_wait3A_151, %dma_wait3A_152] : memref<10240x64xf32, #tpu.memory_space<vmem_shared>> -> memref<10240x64xf32, #tpu.memory_space<vmem_shared>>
    tpu.wait_indirect_dma semaphore(%arg19 : memref<!tpu.dma_semaphore, #tpu.memory_space<semaphore_mem>>) src(%arg9 : memref<80x64xf32, #tpu.memory_space<vmem>>) dst(%dma_wait3A_153 : memref<10240x64xf32, #tpu.memory_space<vmem_shared>>)
    %barrier3A_154 = arith.constant 0 : index
    tpu.barrier barrier_id(%barrier3A_154)
    %mul3A_155 = arith.constant 640 : i32
    %mul3A_156 = arith.muli %arg1, %mul3A_155 : i32
    %mul3A_157 = arith.constant 640 : i32
    %mul3A_158 = arith.muli %arg1, %mul3A_157 : i32
    "tpu.region"() ({
      %run_scoped3A = tpu.sem_alloc : memref<!tpu.dma_semaphore, #tpu.memory_space<semaphore_mem>>
      %dma_start3A_159 = arith.constant 0 : i32
      %dma_start3A_160 = tpu.memref_slice %arg6[%arg0, %mul3A_158, %dma_start3A_159] : memref<2x10240x64xf32, #tpu.memory_space<hbm>> -> memref<1x640x64xf32, #tpu.memory_space<hbm>>
      %dma_start3A_161 = tpu.memref_squeeze %dma_start3A_160 : memref<1x640x64xf32, #tpu.memory_space<hbm>> -> memref<640x64xf32, #tpu.memory_space<hbm>>
      %dma_start3A_162 = arith.constant 0 : i32
      %dma_start3A_163 = tpu.memref_slice %arg13[%mul3A_156, %dma_start3A_162] : memref<10240x64xf32, #tpu.memory_space<vmem_shared>> -> memref<640x64xf32, #tpu.memory_space<vmem_shared>>
      tpu.enqueue_dma source(%dma_start3A_163 : memref<640x64xf32, #tpu.memory_space<vmem_shared>>) target(%dma_start3A_161 : memref<640x64xf32, #tpu.memory_space<hbm>>) target_semaphore(%run_scoped3A : memref<!tpu.dma_semaphore, #tpu.memory_space<semaphore_mem>>)
      %dma_wait3A_164 = arith.constant 0 : i32
      %dma_wait3A_165 = tpu.memref_slice %arg6[%arg0, %mul3A_158, %dma_wait3A_164] : memref<2x10240x64xf32, #tpu.memory_space<hbm>> -> memref<1x640x64xf32, #tpu.memory_space<hbm>>
      %dma_wait3A_166 = tpu.memref_squeeze %dma_wait3A_165 : memref<1x640x64xf32, #tpu.memory_space<hbm>> -> memref<640x64xf32, #tpu.memory_space<hbm>>
      %dma_wait3A_167 = arith.constant 0 : i32
      %dma_wait3A_168 = tpu.memref_slice %arg13[%mul3A_156, %dma_wait3A_167] : memref<10240x64xf32, #tpu.memory_space<vmem_shared>> -> memref<640x64xf32, #tpu.memory_space<vmem_shared>>
      tpu.wait_dma2 semaphore(%run_scoped3A : memref<!tpu.dma_semaphore, #tpu.memory_space<semaphore_mem>>) src(%dma_wait3A_168 : memref<640x64xf32, #tpu.memory_space<vmem_shared>>) dst(%dma_wait3A_166 : memref<640x64xf32, #tpu.memory_space<hbm>>)
      tpu.yield
    }) : () -> ()
    return
  }
}

module attributes {stable_mosaic.version = 14 : i64} {
  func.func @_scale_body(%arg0: i32, %arg1: memref<2x10240xf32, #tpu.memory_space<vmem>>, %arg2: memref<10000x64xf32, #tpu.memory_space<vmem>>, %arg3: memref<10000x1xf32, #tpu.memory_space<vmem>>, %arg4: memref<10000x64xf32, #tpu.memory_space<vmem>>) attributes {dimension_semantics = [#tpu.dimension_semantics<arbitrary>], iteration_bounds = array<i64: 1>, scalar_prefetch = 0 : i64, scratch_operands = 0 : i64, tpu.core_type = #tpu.core_type<tc>, window_params = [{pipeline_mode = #tpu.pipeline_mode<synchronous>, transform_indices = @transform_0, window_bounds = array<i64: 2, 10240>}, {pipeline_mode = #tpu.pipeline_mode<synchronous>, transform_indices = @transform_1, window_bounds = array<i64: 10000, 64>}, {pipeline_mode = #tpu.pipeline_mode<synchronous>, transform_indices = @transform_2, window_bounds = array<i64: 10000, 1>}, {pipeline_mode = #tpu.pipeline_mode<synchronous>, transform_indices = @transform_3, window_bounds = array<i64: 10000, 64>}]} {
    %get3A = arith.constant 0 : index
    %get3A_0 = arith.constant 0 : index
    %get3A_1 = vector.load %arg1[%get3A, %get3A_0] : memref<2x10240xf32, #tpu.memory_space<vmem>>, vector<2x10240xf32>
    %slice3A = vector.extract_strided_slice %get3A_1 {offsets = [0, 0], sizes = [1, 10240], strides = [1, 1]} : vector<2x10240xf32> to vector<1x10240xf32>
    %slice3A_2 = vector.extract_strided_slice %get3A_1 {offsets = [1, 0], sizes = [1, 10240], strides = [1, 1]} : vector<2x10240xf32> to vector<1x10240xf32>
    %add3A = arith.addf %slice3A, %slice3A_2 : vector<1x10240xf32>
    %gt3A = arith.constant 0.000000e+00 : f32
    %gt3A_3 = vector.broadcast %gt3A : f32 to vector<1x10240xf32>
    %gt3A_4 = arith.cmpf ogt, %add3A, %gt3A_3 : vector<1x10240xf32>
    %max3A = arith.constant 9.99999996E-13 : f32
    %max3A_5 = vector.broadcast %max3A : f32 to vector<1x10240xf32>
    %max3A_6 = arith.maximumf %add3A, %max3A_5 : vector<1x10240xf32>
    %rsqrt3A = math.rsqrt %max3A_6 : vector<1x10240xf32>
    %jit3A = arith.constant 0.000000e+00 : f32
    %broadcast_in_dim3A = vector.broadcast %jit3A : f32 to vector<1x10240xf32>
    %select_n3A = arith.select %gt3A_4, %rsqrt3A, %broadcast_in_dim3A : vector<1x10240xi1>, vector<1x10240xf32>
    %transpose3A = tpu.transpose %select_n3A, [1, 0] : vector<1x10240xf32> -> vector<10240x1xf32>
    %slice3A_7 = vector.extract_strided_slice %transpose3A {offsets = [0, 0], sizes = [10000, 1], strides = [1, 1]} : vector<10240x1xf32> to vector<10000x1xf32>
    %swap3A = arith.constant 0 : index
    %swap3A_8 = arith.constant 0 : index
    %swap3A_9 = vector.load %arg3[%swap3A, %swap3A_8] : memref<10000x1xf32, #tpu.memory_space<vmem>>, vector<10000x1xf32>
    tpu.vector_store %arg3[%swap3A, %swap3A_8], %slice3A_7 {strides = array<i32>} : memref<10000x1xf32, #tpu.memory_space<vmem>>, vector<10000x1xf32>,
    %get3A_10 = arith.constant 0 : index
    %get3A_11 = arith.constant 0 : index
    %get3A_12 = vector.load %arg2[%get3A_10, %get3A_11] : memref<10000x64xf32, #tpu.memory_space<vmem>>, vector<10000x64xf32>
    %mul3A = vector.broadcast %slice3A_7 : vector<10000x1xf32> to vector<10000x64xf32>
    %mul3A_13 = arith.mulf %get3A_12, %mul3A : vector<10000x64xf32>
    %swap3A_14 = arith.constant 0 : index
    %swap3A_15 = arith.constant 0 : index
    %swap3A_16 = vector.load %arg4[%swap3A_14, %swap3A_15] : memref<10000x64xf32, #tpu.memory_space<vmem>>, vector<10000x64xf32>
    tpu.vector_store %arg4[%swap3A_14, %swap3A_15], %mul3A_13 {strides = array<i32>} : memref<10000x64xf32, #tpu.memory_space<vmem>>, vector<10000x64xf32>,
    return
  }
  func.func @transform_0(%arg0: i32) -> (i32, i32) {
    %c0_i32 = arith.constant 0 : i32
    %c0_i32_0 = arith.constant 0 : i32
    %c0_i32_1 = arith.constant 0 : i32
    return %c0_i32, %c0_i32_0 : i32, i32
  }
  func.func @transform_1(%arg0: i32) -> (i32, i32) {
    %c0_i32 = arith.constant 0 : i32
    %c0_i32_0 = arith.constant 0 : i32
    %c0_i32_1 = arith.constant 0 : i32
    return %c0_i32, %c0_i32_0 : i32, i32
  }
  func.func @transform_2(%arg0: i32) -> (i32, i32) {
    %c0_i32 = arith.constant 0 : i32
    %c0_i32_0 = arith.constant 0 : i32
    %c0_i32_1 = arith.constant 0 : i32
    return %c0_i32, %c0_i32_0 : i32, i32
  }
  func.func @transform_3(%arg0: i32) -> (i32, i32) {
    %c0_i32 = arith.constant 0 : i32
    %c0_i32_0 = arith.constant 0 : i32
    %c0_i32_1 = arith.constant 0 : i32
    return %c0_i32, %c0_i32_0 : i32, i32
  }
}

module attributes {stable_mosaic.version = 14 : i64} {
  func.func @_mm2_body(%arg0: i32, %arg1: memref<10000x128xf32, #tpu.memory_space<vmem>>, %arg2: memref<128x64xf32, #tpu.memory_space<vmem>>, %arg3: memref<128x64xf32, #tpu.memory_space<vmem>>, %arg4: memref<10000x64xf32, #tpu.memory_space<vmem>>, %arg5: memref<10000x64xf32, #tpu.memory_space<vmem>>) attributes {dimension_semantics = [#tpu.dimension_semantics<arbitrary>], iteration_bounds = array<i64: 1>, scalar_prefetch = 0 : i64, scratch_operands = 0 : i64, tpu.core_type = #tpu.core_type<tc>, window_params = [{pipeline_mode = #tpu.pipeline_mode<synchronous>, transform_indices = @transform_0, window_bounds = array<i64: 10000, 128>}, {pipeline_mode = #tpu.pipeline_mode<synchronous>, transform_indices = @transform_1, window_bounds = array<i64: 128, 64>}, {pipeline_mode = #tpu.pipeline_mode<synchronous>, transform_indices = @transform_2, window_bounds = array<i64: 128, 64>}, {pipeline_mode = #tpu.pipeline_mode<synchronous>, transform_indices = @transform_3, window_bounds = array<i64: 10000, 64>}, {pipeline_mode = #tpu.pipeline_mode<synchronous>, transform_indices = @transform_4, window_bounds = array<i64: 10000, 64>}]} {
    %get3A = arith.constant 0 : index
    %get3A_0 = arith.constant 0 : index
    %get3A_1 = vector.load %arg1[%get3A, %get3A_0] : memref<10000x128xf32, #tpu.memory_space<vmem>>, vector<10000x128xf32>
    %get3A_2 = arith.constant 0 : index
    %get3A_3 = arith.constant 0 : index
    %get3A_4 = vector.load %arg2[%get3A_2, %get3A_3] : memref<128x64xf32, #tpu.memory_space<vmem>>, vector<128x64xf32>
    %dot_general3A = arith.constant dense<0.000000e+00> : vector<10000x64xf32>
    %dot_general3A_5 = tpu.matmul %get3A_1, %get3A_4, %dot_general3A {dimension_numbers = #tpu.dot_dimension_numbers<[1], [0], [0], [1], [0, 0, 1, 1], [], []>, transpose_lhs_hint = false} : vector<10000x128xf32>, vector<128x64xf32>, vector<10000x64xf32> -> vector<10000x64xf32>
    %swap3A = arith.constant 0 : index
    %swap3A_6 = arith.constant 0 : index
    %swap3A_7 = vector.load %arg4[%swap3A, %swap3A_6] : memref<10000x64xf32, #tpu.memory_space<vmem>>, vector<10000x64xf32>
    tpu.vector_store %arg4[%swap3A, %swap3A_6], %dot_general3A_5 {strides = array<i32>} : memref<10000x64xf32, #tpu.memory_space<vmem>>, vector<10000x64xf32>,
    %get3A_8 = arith.constant 0 : index
    %get3A_9 = arith.constant 0 : index
    %get3A_10 = vector.load %arg3[%get3A_8, %get3A_9] : memref<128x64xf32, #tpu.memory_space<vmem>>, vector<128x64xf32>
    %dot_general3A_11 = arith.constant dense<0.000000e+00> : vector<10000x64xf32>
    %dot_general3A_12 = tpu.matmul %get3A_1, %get3A_10, %dot_general3A_11 {dimension_numbers = #tpu.dot_dimension_numbers<[1], [0], [0], [1], [0, 0, 1, 1], [], []>, transpose_lhs_hint = false} : vector<10000x128xf32>, vector<128x64xf32>, vector<10000x64xf32> -> vector<10000x64xf32>
    %swap3A_13 = arith.constant 0 : index
    %swap3A_14 = arith.constant 0 : index
    %swap3A_15 = vector.load %arg5[%swap3A_13, %swap3A_14] : memref<10000x64xf32, #tpu.memory_space<vmem>>, vector<10000x64xf32>
    tpu.vector_store %arg5[%swap3A_13, %swap3A_14], %dot_general3A_12 {strides = array<i32>} : memref<10000x64xf32, #tpu.memory_space<vmem>>, vector<10000x64xf32>,
    return
  }
  func.func @transform_0(%arg0: i32) -> (i32, i32) {
    %c0_i32 = arith.constant 0 : i32
    %c0_i32_0 = arith.constant 0 : i32
    %c0_i32_1 = arith.constant 0 : i32
    return %c0_i32, %c0_i32_0 : i32, i32
  }
  func.func @transform_1(%arg0: i32) -> (i32, i32) {
    %c0_i32 = arith.constant 0 : i32
    %c0_i32_0 = arith.constant 0 : i32
    %c0_i32_1 = arith.constant 0 : i32
    return %c0_i32, %c0_i32_0 : i32, i32
  }
  func.func @transform_2(%arg0: i32) -> (i32, i32) {
    %c0_i32 = arith.constant 0 : i32
    %c0_i32_0 = arith.constant 0 : i32
    %c0_i32_1 = arith.constant 0 : i32
    return %c0_i32, %c0_i32_0 : i32, i32
  }
  func.func @transform_3(%arg0: i32) -> (i32, i32) {
    %c0_i32 = arith.constant 0 : i32
    %c0_i32_0 = arith.constant 0 : i32
    %c0_i32_1 = arith.constant 0 : i32
    return %c0_i32, %c0_i32_0 : i32, i32
  }
  func.func @transform_4(%arg0: i32) -> (i32, i32) {
    %c0_i32 = arith.constant 0 : i32
    %c0_i32_0 = arith.constant 0 : i32
    %c0_i32_1 = arith.constant 0 : i32
    return %c0_i32, %c0_i32_0 : i32, i32
  }
}

module attributes {stable_mosaic.version = 14 : i64} {
  func.func @_mid_body(%arg0: i32, %arg1: memref<10000x64xf32, #tpu.memory_space<vmem>>, %arg2: memref<1x64xf32, #tpu.memory_space<vmem>>, %arg3: memref<10000x1xf32, #tpu.memory_space<vmem>>, %arg4: memref<1x10000x64xf32, #tpu.memory_space<vmem>>, %arg5: memref<1x10000x64xf32, #tpu.memory_space<vmem>>, %arg6: memref<10000x64xf32, #tpu.memory_space<vmem>>, %arg7: memref<10000x64xf32, #tpu.memory_space<vmem>>) attributes {dimension_semantics = [#tpu.dimension_semantics<arbitrary>], iteration_bounds = array<i64: 1>, scalar_prefetch = 0 : i64, scratch_operands = 0 : i64, tpu.core_type = #tpu.core_type<tc>, window_params = [{pipeline_mode = #tpu.pipeline_mode<synchronous>, transform_indices = @transform_0, window_bounds = array<i64: 10000, 64>}, {pipeline_mode = #tpu.pipeline_mode<synchronous>, transform_indices = @transform_1, window_bounds = array<i64: 1, 64>}, {pipeline_mode = #tpu.pipeline_mode<synchronous>, transform_indices = @transform_2, window_bounds = array<i64: 10000, 1>}, {transform_indices = @transform_3, window_bounds = array<i64: 1, 10000, 64>}, {transform_indices = @transform_4, window_bounds = array<i64: 1, 10000, 64>}, {pipeline_mode = #tpu.pipeline_mode<synchronous>, transform_indices = @transform_5, window_bounds = array<i64: 10000, 64>}, {pipeline_mode = #tpu.pipeline_mode<synchronous>, transform_indices = @transform_6, window_bounds = array<i64: 10000, 64>}]} {
    %get3A = arith.constant 0 : index
    %get3A_0 = arith.constant 0 : index
    %get3A_1 = vector.load %arg3[%get3A, %get3A_0] : memref<10000x1xf32, #tpu.memory_space<vmem>>, vector<10000x1xf32>
    %neg3A = arith.constant 0.000000e+00 : f32
    %neg3A_2 = vector.broadcast %neg3A : f32 to vector<10000x1xf32>
    %neg3A_3 = arith.subf %neg3A_2, %get3A_1 : vector<10000x1xf32>
    %get3A_4 = arith.constant 0 : index
    %get3A_5 = arith.constant 0 : index
    %get3A_6 = arith.constant 0 : index
    %get3A_7 = vector.load %arg4[%get3A_4, %get3A_5, %get3A_6] : memref<1x10000x64xf32, #tpu.memory_space<vmem>>, vector<1x10000x64xf32>
    %reshape3A = vector.shape_cast %get3A_7 : vector<1x10000x64xf32> to vector<10000x64xf32>
    %get3A_8 = arith.constant 0 : index
    %get3A_9 = arith.constant 0 : index
    %get3A_10 = arith.constant 0 : index
    %get3A_11 = vector.load %arg5[%get3A_8, %get3A_9, %get3A_10] : memref<1x10000x64xf32, #tpu.memory_space<vmem>>, vector<1x10000x64xf32>
    %reshape3A_12 = vector.shape_cast %get3A_11 : vector<1x10000x64xf32> to vector<10000x64xf32>
    %add3A = arith.addf %reshape3A, %reshape3A_12 : vector<10000x64xf32>
    %mul3A = vector.broadcast %neg3A_3 : vector<10000x1xf32> to vector<10000x64xf32>
    %mul3A_13 = arith.mulf %mul3A, %add3A : vector<10000x64xf32>
    %get3A_14 = arith.constant 0 : index
    %get3A_15 = arith.constant 0 : index
    %get3A_16 = vector.load %arg1[%get3A_14, %get3A_15] : memref<10000x64xf32, #tpu.memory_space<vmem>>, vector<10000x64xf32>
    %add3A_17 = arith.addf %get3A_16, %mul3A_13 : vector<10000x64xf32>
    %get3A_18 = arith.constant 0 : index
    %get3A_19 = arith.constant 0 : index
    %get3A_20 = vector.load %arg2[%get3A_18, %get3A_19] : memref<1x64xf32, #tpu.memory_space<vmem>>, vector<1x64xf32>
    %add3A_21 = vector.broadcast %get3A_20 : vector<1x64xf32> to vector<10000x64xf32>
    %add3A_22 = arith.addf %add3A_17, %add3A_21 : vector<10000x64xf32>
    %max3A = arith.constant 0.000000e+00 : f32
    %max3A_23 = vector.broadcast %max3A : f32 to vector<10000x64xf32>
    %max3A_24 = arith.maximumf %add3A_22, %max3A_23 : vector<10000x64xf32>
    %swap3A = arith.constant 0 : index
    %swap3A_25 = arith.constant 0 : index
    %swap3A_26 = vector.load %arg6[%swap3A, %swap3A_25] : memref<10000x64xf32, #tpu.memory_space<vmem>>, vector<10000x64xf32>
    tpu.vector_store %arg6[%swap3A, %swap3A_25], %max3A_24 {strides = array<i32>} : memref<10000x64xf32, #tpu.memory_space<vmem>>, vector<10000x64xf32>,
    %mul3A_27 = vector.broadcast %get3A_1 : vector<10000x1xf32> to vector<10000x64xf32>
    %mul3A_28 = arith.mulf %mul3A_27, %max3A_24 : vector<10000x64xf32>
    %swap3A_29 = arith.constant 0 : index
    %swap3A_30 = arith.constant 0 : index
    %swap3A_31 = vector.load %arg7[%swap3A_29, %swap3A_30] : memref<10000x64xf32, #tpu.memory_space<vmem>>, vector<10000x64xf32>
    tpu.vector_store %arg7[%swap3A_29, %swap3A_30], %mul3A_28 {strides = array<i32>} : memref<10000x64xf32, #tpu.memory_space<vmem>>, vector<10000x64xf32>,
    return
  }
  func.func @transform_0(%arg0: i32) -> (i32, i32) {
    %c0_i32 = arith.constant 0 : i32
    %c0_i32_0 = arith.constant 0 : i32
    %c0_i32_1 = arith.constant 0 : i32
    return %c0_i32, %c0_i32_0 : i32, i32
  }
  func.func @transform_1(%arg0: i32) -> (i32, i32) {
    %c0_i32 = arith.constant 0 : i32
    %c0_i32_0 = arith.constant 0 : i32
    %c0_i32_1 = arith.constant 0 : i32
    return %c0_i32, %c0_i32_0 : i32, i32
  }
  func.func @transform_2(%arg0: i32) -> (i32, i32) {
    %c0_i32 = arith.constant 0 : i32
    %c0_i32_0 = arith.constant 0 : i32
    %c0_i32_1 = arith.constant 0 : i32
    return %c0_i32, %c0_i32_0 : i32, i32
  }
  func.func @transform_3(%arg0: i32) -> (i32, i32, i32) {
    %c0_i32 = arith.constant 0 : i32
    %c0_i32_0 = arith.constant 0 : i32
    %c0_i32_1 = arith.constant 0 : i32
    %c0_i32_2 = arith.constant 0 : i32
    return %c0_i32, %c0_i32_0, %c0_i32_1 : i32, i32, i32
  }
  func.func @transform_4(%arg0: i32) -> (i32, i32, i32) {
    %c1_i32 = arith.constant 1 : i32
    %c0_i32 = arith.constant 0 : i32
    %c0_i32_0 = arith.constant 0 : i32
    %c0_i32_1 = arith.constant 0 : i32
    return %c1_i32, %c0_i32, %c0_i32_0 : i32, i32, i32
  }
  func.func @transform_5(%arg0: i32) -> (i32, i32) {
    %c0_i32 = arith.constant 0 : i32
    %c0_i32_0 = arith.constant 0 : i32
    %c0_i32_1 = arith.constant 0 : i32
    return %c0_i32, %c0_i32_0 : i32, i32
  }
  func.func @transform_6(%arg0: i32) -> (i32, i32) {
    %c0_i32 = arith.constant 0 : i32
    %c0_i32_0 = arith.constant 0 : i32
    %c0_i32_1 = arith.constant 0 : i32
    return %c0_i32, %c0_i32_0 : i32, i32
  }
}

module attributes {stable_mosaic.version = 14 : i64} {
  func.func @_hw_body(%arg0: i32, %arg1: memref<10000x64xf32, #tpu.memory_space<vmem>>, %arg2: memref<64x128xf32, #tpu.memory_space<vmem>>, %arg3: memref<10000x128xf32, #tpu.memory_space<vmem>>) attributes {dimension_semantics = [#tpu.dimension_semantics<arbitrary>], iteration_bounds = array<i64: 1>, scalar_prefetch = 0 : i64, scratch_operands = 0 : i64, tpu.core_type = #tpu.core_type<tc>, window_params = [{pipeline_mode = #tpu.pipeline_mode<synchronous>, transform_indices = @transform_0, window_bounds = array<i64: 10000, 64>}, {pipeline_mode = #tpu.pipeline_mode<synchronous>, transform_indices = @transform_1, window_bounds = array<i64: 64, 128>}, {pipeline_mode = #tpu.pipeline_mode<synchronous>, transform_indices = @transform_2, window_bounds = array<i64: 10000, 128>}]} {
    %get3A = arith.constant 0 : index
    %get3A_0 = arith.constant 0 : index
    %get3A_1 = vector.load %arg1[%get3A, %get3A_0] : memref<10000x64xf32, #tpu.memory_space<vmem>>, vector<10000x64xf32>
    %get3A_2 = arith.constant 0 : index
    %get3A_3 = arith.constant 0 : index
    %get3A_4 = vector.load %arg2[%get3A_2, %get3A_3] : memref<64x128xf32, #tpu.memory_space<vmem>>, vector<64x128xf32>
    %dot_general3A = arith.constant dense<0.000000e+00> : vector<10000x128xf32>
    %dot_general3A_5 = tpu.matmul %get3A_1, %get3A_4, %dot_general3A {dimension_numbers = #tpu.dot_dimension_numbers<[1], [0], [0], [1], [0, 0, 1, 1], [], []>, transpose_lhs_hint = false} : vector<10000x64xf32>, vector<64x128xf32>, vector<10000x128xf32> -> vector<10000x128xf32>
    %swap3A = arith.constant 0 : index
    %swap3A_6 = arith.constant 0 : index
    %swap3A_7 = vector.load %arg3[%swap3A, %swap3A_6] : memref<10000x128xf32, #tpu.memory_space<vmem>>, vector<10000x128xf32>
    tpu.vector_store %arg3[%swap3A, %swap3A_6], %dot_general3A_5 {strides = array<i32>} : memref<10000x128xf32, #tpu.memory_space<vmem>>, vector<10000x128xf32>,
    return
  }
  func.func @transform_0(%arg0: i32) -> (i32, i32) {
    %c0_i32 = arith.constant 0 : i32
    %c0_i32_0 = arith.constant 0 : i32
    %c0_i32_1 = arith.constant 0 : i32
    return %c0_i32, %c0_i32_0 : i32, i32
  }
  func.func @transform_1(%arg0: i32) -> (i32, i32) {
    %c0_i32 = arith.constant 0 : i32
    %c0_i32_0 = arith.constant 0 : i32
    %c0_i32_1 = arith.constant 0 : i32
    return %c0_i32, %c0_i32_0 : i32, i32
  }
  func.func @transform_2(%arg0: i32) -> (i32, i32) {
    %c0_i32 = arith.constant 0 : i32
    %c0_i32_0 = arith.constant 0 : i32
    %c0_i32_1 = arith.constant 0 : i32
    return %c0_i32, %c0_i32_0 : i32, i32
  }
}

module attributes {stable_mosaic.version = 14 : i64} {
  func.func @_final_body(%arg0: i32, %arg1: memref<10000x128xf32, #tpu.memory_space<vmem>>, %arg2: memref<64x128xf32, #tpu.memory_space<vmem>>, %arg3: memref<1x128xf32, #tpu.memory_space<vmem>>, %arg4: memref<10000x1xf32, #tpu.memory_space<vmem>>, %arg5: memref<1x10000x64xf32, #tpu.memory_space<vmem>>, %arg6: memref<1x10000x64xf32, #tpu.memory_space<vmem>>, %arg7: memref<10000x128xf32, #tpu.memory_space<vmem>>) attributes {dimension_semantics = [#tpu.dimension_semantics<arbitrary>], iteration_bounds = array<i64: 1>, scalar_prefetch = 0 : i64, scratch_operands = 0 : i64, tpu.core_type = #tpu.core_type<tc>, window_params = [{pipeline_mode = #tpu.pipeline_mode<synchronous>, transform_indices = @transform_0, window_bounds = array<i64: 10000, 128>}, {pipeline_mode = #tpu.pipeline_mode<synchronous>, transform_indices = @transform_1, window_bounds = array<i64: 64, 128>}, {pipeline_mode = #tpu.pipeline_mode<synchronous>, transform_indices = @transform_2, window_bounds = array<i64: 1, 128>}, {pipeline_mode = #tpu.pipeline_mode<synchronous>, transform_indices = @transform_3, window_bounds = array<i64: 10000, 1>}, {transform_indices = @transform_4, window_bounds = array<i64: 1, 10000, 64>}, {transform_indices = @transform_5, window_bounds = array<i64: 1, 10000, 64>}, {pipeline_mode = #tpu.pipeline_mode<synchronous>, transform_indices = @transform_6, window_bounds = array<i64: 10000, 128>}]} {
    %get3A = arith.constant 0 : index
    %get3A_0 = arith.constant 0 : index
    %get3A_1 = vector.load %arg4[%get3A, %get3A_0] : memref<10000x1xf32, #tpu.memory_space<vmem>>, vector<10000x1xf32>
    %neg3A = arith.constant 0.000000e+00 : f32
    %neg3A_2 = vector.broadcast %neg3A : f32 to vector<10000x1xf32>
    %neg3A_3 = arith.subf %neg3A_2, %get3A_1 : vector<10000x1xf32>
    %get3A_4 = arith.constant 0 : index
    %get3A_5 = arith.constant 0 : index
    %get3A_6 = arith.constant 0 : index
    %get3A_7 = vector.load %arg5[%get3A_4, %get3A_5, %get3A_6] : memref<1x10000x64xf32, #tpu.memory_space<vmem>>, vector<1x10000x64xf32>
    %reshape3A = vector.shape_cast %get3A_7 : vector<1x10000x64xf32> to vector<10000x64xf32>
    %get3A_8 = arith.constant 0 : index
    %get3A_9 = arith.constant 0 : index
    %get3A_10 = arith.constant 0 : index
    %get3A_11 = vector.load %arg6[%get3A_8, %get3A_9, %get3A_10] : memref<1x10000x64xf32, #tpu.memory_space<vmem>>, vector<1x10000x64xf32>
    %reshape3A_12 = vector.shape_cast %get3A_11 : vector<1x10000x64xf32> to vector<10000x64xf32>
    %add3A = arith.addf %reshape3A, %reshape3A_12 : vector<10000x64xf32>
    %mul3A = vector.broadcast %neg3A_3 : vector<10000x1xf32> to vector<10000x64xf32>
    %mul3A_13 = arith.mulf %mul3A, %add3A : vector<10000x64xf32>
    %get3A_14 = arith.constant 0 : index
    %get3A_15 = arith.constant 0 : index
    %get3A_16 = vector.load %arg1[%get3A_14, %get3A_15] : memref<10000x128xf32, #tpu.memory_space<vmem>>, vector<10000x128xf32>
    %get3A_17 = arith.constant 0 : index
    %get3A_18 = arith.constant 0 : index
    %get3A_19 = vector.load %arg2[%get3A_17, %get3A_18] : memref<64x128xf32, #tpu.memory_space<vmem>>, vector<64x128xf32>
    %dot_general3A = arith.constant dense<0.000000e+00> : vector<10000x128xf32>
    %dot_general3A_20 = tpu.matmul %mul3A_13, %get3A_19, %dot_general3A {dimension_numbers = #tpu.dot_dimension_numbers<[1], [0], [0], [1], [0, 0, 1, 1], [], []>, transpose_lhs_hint = false} : vector<10000x64xf32>, vector<64x128xf32>, vector<10000x128xf32> -> vector<10000x128xf32>
    %add3A_21 = arith.addf %get3A_16, %dot_general3A_20 : vector<10000x128xf32>
    %get3A_22 = arith.constant 0 : index
    %get3A_23 = arith.constant 0 : index
    %get3A_24 = vector.load %arg3[%get3A_22, %get3A_23] : memref<1x128xf32, #tpu.memory_space<vmem>>, vector<1x128xf32>
    %add3A_25 = vector.broadcast %get3A_24 : vector<1x128xf32> to vector<10000x128xf32>
    %add3A_26 = arith.addf %add3A_21, %add3A_25 : vector<10000x128xf32>
    %swap3A = arith.constant 0 : index
    %swap3A_27 = arith.constant 0 : index
    %swap3A_28 = vector.load %arg7[%swap3A, %swap3A_27] : memref<10000x128xf32, #tpu.memory_space<vmem>>, vector<10000x128xf32>
    tpu.vector_store %arg7[%swap3A, %swap3A_27], %add3A_26 {strides = array<i32>} : memref<10000x128xf32, #tpu.memory_space<vmem>>, vector<10000x128xf32>,
    return
  }
  func.func @transform_0(%arg0: i32) -> (i32, i32) {
    %c0_i32 = arith.constant 0 : i32
    %c0_i32_0 = arith.constant 0 : i32
    %c0_i32_1 = arith.constant 0 : i32
    return %c0_i32, %c0_i32_0 : i32, i32
  }
  func.func @transform_1(%arg0: i32) -> (i32, i32) {
    %c0_i32 = arith.constant 0 : i32
    %c0_i32_0 = arith.constant 0 : i32
    %c0_i32_1 = arith.constant 0 : i32
    return %c0_i32, %c0_i32_0 : i32, i32
  }
  func.func @transform_2(%arg0: i32) -> (i32, i32) {
    %c0_i32 = arith.constant 0 : i32
    %c0_i32_0 = arith.constant 0 : i32
    %c0_i32_1 = arith.constant 0 : i32
    return %c0_i32, %c0_i32_0 : i32, i32
  }
  func.func @transform_3(%arg0: i32) -> (i32, i32) {
    %c0_i32 = arith.constant 0 : i32
    %c0_i32_0 = arith.constant 0 : i32
    %c0_i32_1 = arith.constant 0 : i32
    return %c0_i32, %c0_i32_0 : i32, i32
  }
  func.func @transform_4(%arg0: i32) -> (i32, i32, i32) {
    %c0_i32 = arith.constant 0 : i32
    %c0_i32_0 = arith.constant 0 : i32
    %c0_i32_1 = arith.constant 0 : i32
    %c0_i32_2 = arith.constant 0 : i32
    return %c0_i32, %c0_i32_0, %c0_i32_1 : i32, i32, i32
  }
  func.func @transform_5(%arg0: i32) -> (i32, i32, i32) {
    %c1_i32 = arith.constant 1 : i32
    %c0_i32 = arith.constant 0 : i32
    %c0_i32_0 = arith.constant 0 : i32
    %c0_i32_1 = arith.constant 0 : i32
    return %c1_i32, %c0_i32, %c0_i32_0 : i32, i32, i32
  }
  func.func @transform_6(%arg0: i32) -> (i32, i32) {
    %c0_i32 = arith.constant 0 : i32
    %c0_i32_0 = arith.constant 0 : i32
    %c0_i32_1 = arith.constant 0 : i32
    return %c0_i32, %c0_i32_0 : i32, i32
  }
}

</mosaic_0001>

<sc_bundles>
// kernel: kernel.10.cloned.1.call-start
scs
__scs_entry_jumppad:
0x0: {  	(pc) =	sbr.rel $0x88, $3  }
0x1: {  	(tag) =	ssettag $0x0;
	lr =	simm.s32 $0x1  }
0x2: {  	[smem:$0x3F99] =	sst lr;
	_ =	strace $0xD0000000  }
0x3: {  	_ = 	snop  }
0x4: {  	_ = 	snop  }
0x5: {  	_ = 	snop  }
0x6: {  	_ = 	snop  }
0x7: {  	_ = 	snop  }
__scs_overlays_trampoline_lowered:
0x8: {  	[smem:$0x3FA8] =	sst s0  }
0x9: {  	[smem:$0x3FA9] =	sst s1  }
0xa: {  	[smem:$0x3FAA] =	sst s2  }
0xb: {  	[smem:$0x3FAB] =	sst s3  }
0xc: {  	[smem:$0x3FAC] =	sst s4  }
0xd: {  	[smem:$0x3FAD] =	sst s5  }
0xe: {  	[smem:$0x3FAE] =	sst s6  }
0xf: {  	[smem:$0x3FAF] =	sst s7  }
0x10: {  	[smem:$0x3FB0] =	sst s8  }
0x11: {  	[smem:$0x3FB1] =	sst s9;
	s0 =	simm.s32 @!p0 $0x0  }
0x12: {  	s1 =	sld [smem:$0x3F97];
	s0 =	simm.s32 @p0 $0x1  }
0x13: {  	[smem:$0x3FB2] =	sst s0;
	s0 =	simm.s32 @!p1 $0x0  }
0x14: {  	s2 =	sld [smem:$0x3F96];
	s0 =	simm.s32 @p1 $0x1  }
0x15: {  	[smem:$0x3FB3] =	sst s0;
	s0 =	simm.s32 @!p2 $0x0  }
0x16: {  	s3 =	sld [smem:$0x3FDB];
	s0 =	simm.s32 @p2 $0x1  }
0x17: {  	s4 =	simm.s32 $0x1BF5;
	[smem:$0x3FB5] =	sst s0  }
0x18: {  	s0 =	sld [smem:$0x3F98];
	_ =	swait.ge [sflag:s4], $0x0  }
0x19: {  	s7 =	sld [smem:$0x3F99]  }
0x1a: {  	s8 =	sadd.s32 $0xFFFFE003, lr  }
0x1b: {  	s9 =	sadd.s32 $0xFFFFFEF7, lr;
	s5 =	simm.s32 $0xFFFFFFFF;
	p2 =	slt.u32 s8, $0xFFFFF086  }
0x1c: {  	p1 =	slt.u32 s9, $0xF7A;
	s5 =	simm.s32 @!p2 $0x0  }
0x1d: {  	s5 =	simm.s32 @p1 $0x1;
	p0 =	seq.s32 s7, s2  }
0x1e: {  	s7 =	smul.u32 @!p0 $0xF7A, s2;
	p2 =	seq.s32 @!p0 s5, $0x0  }
0x1f: {  	s9 =	smul.u32 $0xF7A, s1;
	s8 =	simm.s32 @!p0 $0x1BF5;
	p2 =	por !p2, p0  }
0x20: {  	[sflag:s8] =	ssyncset.s32 @!p0 $0xFFFFF086;
	s6 =	sadd.s32 @!p0 s3, s7;
	s7 =	simm.s32 @!p0 $0x108  }
0x21: {  	s3 =	sadd.s32 s3, s9;
	s6 =	sadd.s32 @!p0 $0x88, s6;
	s7 =	simm.s32 @p2 $0x1082  }
0x22: {  	[simem:s7], [sflag:s8] =	dma.local @!p0 [hbm:s6], $0xF7A  }
0x23: {  	s9 =	sor.u32 $0xD0000000, s2;
	s6 =	simm.s32 $0x108;
	_ =	swait.ge @!p0 [sflag:s8], $0x0  }
0x24: {  	s3 =	sadd.s32 $0x88, s3;
	s6 =	simm.s32 @!p1 $0x1082;
	[sflag:s4] =	ssyncset.s32 $0xFFFFF086  }
0x25: {  	[simem:s6], [sflag:s4] =	dma.local [hbm:s3], $0xF7A  }
0x26: {  	[smem:$0x3F99] =	sst s1;
	(tag) =	ssettag s2;
	_ =	strace s9  }
0x27: {  	s1 =	sld [smem:$0x3FA9]  }
0x28: {  	s2 =	sld [smem:$0x3FAA]  }
0x29: {  	s4 =	sld [smem:$0x3FAC]  }
0x2a: {  	p0 =	seq.s32 s5, $0x0;
	s5 =	sld [smem:$0x3FAD]  }
0x2b: {  	s6 =	sld [smem:$0x3FAE]  }
0x2c: {  	s7 =	sld [smem:$0x3FAF]  }
0x2d: {  	s3 =	simm.s32 $0x108;
	s8 =	sld [smem:$0x3FB0]  }
0x2e: {  	s3 =	simm.s32 @!p0 $0x1082;
	s9 =	sld [smem:$0x3FB1]  }
0x2f: {  	lr =	sadd.s32 s0, s3;
	s0 =	sld [smem:$0x3FA8]  }
0x30: {  	s3 =	sld [smem:$0x3FAB]  }
0x31: {  	[smem:$0x3FB4] =	sst s10  }
0x32: {  	s10 =	sld [smem:$0x3FB2];
	_ =	sdelay $0x3  }
0x33: {  	p0 =	seq.s32 s10, $0x1;
	s10 =	sld [smem:$0x3FB4];
	_ =	sdelay $0x3  }
0x34: {  	[smem:$0x3FB4] =	sst s10  }
0x35: {  	s10 =	sld [smem:$0x3FB3];
	_ =	sdelay $0x3  }
0x36: {  	p1 =	seq.s32 s10, $0x1;
	s10 =	sld [smem:$0x3FB4];
	_ =	sdelay $0x3  }
0x37: {  	[smem:$0x3FB4] =	sst s10  }
0x38: {  	s10 =	sld [smem:$0x3FB5]  }
0x39: {  	_ = 	snop;
	(pc) =	sbr.ind lr, $3  }
0x3a: {  	_ = 	snop  }
0x3b: {  	_ = 	snop  }
0x3c: {  	p2 =	seq.s32 s10, $0x1;
	s10 =	sld [smem:$0x3FB4]  }
0x3d: {  	_ =	shalt  }
0x3e: {  	_ =	shalt  }
0x3f: {  	_ =	shalt  }
0x40: {  	_ =	shalt  }
0x41: {  	_ =	shalt  }
0x42: {  	_ =	shalt  }
0x43: {  	_ =	shalt  }
0x44: {  	_ =	shalt  }
0x45: {  	_ =	shalt  }
0x46: {  	_ =	shalt  }
0x47: {  	_ =	shalt  }
0x48: {  	_ =	shalt  }
0x49: {  	_ =	shalt  }
0x4a: {  	_ =	shalt  }
0x4b: {  	_ =	shalt  }
0x4c: {  	_ =	shalt  }
0x4d: {  	_ =	shalt  }
0x4e: {  	_ =	shalt  }
0x4f: {  	_ =	shalt  }
0x50: {  	_ =	shalt  }
0x51: {  	_ =	shalt  }
0x52: {  	_ =	shalt  }
0x53: {  	_ =	shalt  }
0x54: {  	_ =	shalt  }
0x55: {  	_ =	shalt  }
0x56: {  	_ =	shalt  }
0x57: {  	_ =	shalt  }
0x58: {  	_ =	shalt  }
0x59: {  	_ =	shalt  }
0x5a: {  	_ =	shalt  }
0x5b: {  	_ =	shalt  }
0x5c: {  	_ =	shalt  }
0x5d: {  	_ =	shalt  }
0x5e: {  	_ =	shalt  }
0x5f: {  	_ =	shalt  }
0x60: {  	_ =	shalt  }
0x61: {  	_ =	shalt  }
0x62: {  	_ =	shalt  }
0x63: {  	_ =	shalt  }
0x64: {  	_ =	shalt  }
0x65: {  	_ =	shalt  }
0x66: {  	_ =	shalt  }
0x67: {  	_ =	shalt  }
0x68: {  	_ =	shalt  }
0x69: {  	_ =	shalt  }
0x6a: {  	_ =	shalt  }
0x6b: {  	_ =	shalt  }
0x6c: {  	_ =	shalt  }
0x6d: {  	_ =	shalt  }
0x6e: {  	_ =	shalt  }
0x6f: {  	_ =	shalt  }
0x70: {  	_ =	shalt  }
0x71: {  	_ =	shalt  }
0x72: {  	_ =	shalt  }
0x73: {  	_ =	shalt  }
0x74: {  	_ =	shalt  }
0x75: {  	_ =	shalt  }
0x76: {  	_ =	shalt  }
0x77: {  	_ =	shalt  }
0x78: {  	_ =	shalt  }
0x79: {  	_ =	shalt  }
0x7a: {  	_ =	shalt  }
0x7b: {  	_ =	shalt  }
0x7c: {  	_ =	shalt  }
0x7d: {  	_ =	shalt  }
0x7e: {  	_ =	shalt  }
0x7f: {  	_ =	shalt  }
0x80: {  	_ =	shalt  }
0x81: {  	_ =	shalt  }
0x82: {  	_ =	shalt  }
0x83: {  	_ =	shalt  }
0x84: {  	_ =	shalt  }
0x85: {  	_ =	shalt  }
0x86: {  	_ =	shalt  }
0x87: {  	_ =	shalt  }
.Lfunc_end0:
.L_simem_size_0:
called_computation_lowered:
.L_overlay_start_0:
0x88: {  	s2 =	sld [smem:$0x3FD9]  }
0x89: {  	s3 =	sld [smem:$0x3FFE];
	_ =	sdelay $0x1  }
0x8a: {  	s1 =	srdreg.scid  }
0x8b: {  	s0 =	sand.u32 $0x1, s1  }
0x8c: {  	s17 =	sshll.u32 s0, $0xA;
	s2 =	sadd.s32 s3, s2  }
0x8d: {  	s2 =	sadd.s32 s2, s17  }
0x8e: {  	[smem:$0x3FC0] =	sst s2  }
0x8f: {  	_ = 	snop  }
0x90: {  	s2 =	sld [smem:$0x3FD0];
	(tm) =	ssettm $0x1  }
0x91: {  	s18 =	sld [smem:$0x3FFB];
	_ =	sdelay $0x3  }
0x92: {  	_ =	strace s18  }
0x93: {  	s3 =	sld [smem:$0x3FFC];
	_ =	sdelay $0x3  }
0x94: {  	_ =	strace s3  }
0x95: {  	s3 =	sld [smem:$0x3FFD];
	_ =	sdelay $0x3  }
0x96: {  	_ =	strace s3  }
0x97: {  	_ =	strace $0x8FFFFFFF  }
0x98: {  	s19 =	sld [smem:$0x3FDB];
	_ =	sdelay $0x1  }
0x99: {  	s4 =	simm.s32 $_scs_section_size  }
0x9a: {  	s5 =	simm.s32 $_size__tile_overlayer_lowered;
	s6 =	simm.s32 $_tile_overlayer_lowered  }
0x9b: {  	s22 =	simm.s32 $0x1BFF;
	s21 =	sshll.u32 s6, $0x1;
	s3 =	sadd.s32 s4, s19  }
0x9c: {  	s7 =	simm.s32 $0x0;
	s20 =	sshll.u32 s5, $0x1;
	s5 =	sadd.s32 s21, s3  }
0x9d: {  	[timem:s7], [sflag:s22] =	dma.local [hbm:s5], s20  }
0x9e: {  	_ =	swait.ge [sflag:s22], s20  }
0x9f: {  	s4 =	ssub.s32 $0x0, s20;
	[sflag:s22] =	ssyncset.done $0x0  }
0xa0: {  	[sflag:s22] =	ssyncadd.s32 s4;
	_ =	sdelay $0x1  }
0xa1: {  	s23 =	simm.s32 $0x1B8B  }
0xa2: {  	_ =	swait.ge [sflag:s23], $0x1  }
0xa3: {  	[sflag:s23] =	ssyncset.done $0x0  }
0xa4: {  	s25 =	simm.s32 $0x1B8E;
	s24 =	sld [smem:$0x3FFE];
	[sflag:s23] =	ssyncadd.s32 $0xFFFFFFFF  }
0xa5: {  	s26 =	simm.s32 $execute0_lowered;
	[smem:$0x3FD2] =	sst s25  }
0xa6: {  	s5 =	sshll.u32 s26, $0x1;
	_ =	strace $0x80000046;
	[dreg:$0x1] =	wrdreg $0xFFFFFFFF  }
0xa7: {  	s28 =	simm.s32 $_size_execute0_lowered;
	s3 =	sadd.s32 s3, s5;
	[dreg:$0x0] =	wrdreg $0x0  }
0xa8: {  	s5 =	sshll.u32 s28, $0x1;
	[dreg:$0x2] =	wrdreg s3  }
0xa9: {  	[dreg:$0x3] =	wrdreg s5  }
0xaa: {  	[dreg:$0x4] =	wrdreg $0xC0  }
0xab: {  	_ =	task [dreg:s7], $0x5FFFF  }
0xac: {  	[dreg:$0x1] =	wrdreg $0xFFFFFFFF  }
0xad: {  	[dreg:$0x0] =	wrdreg $0x60  }
0xae: {  	[dreg:$0x2] =	wrdreg s24  }
0xaf: {  	[dreg:$0x3] =	wrdreg s2  }
0xb0: {  	[dreg:$0x4] =	wrdreg $0x27600  }
0xb1: {  	[dreg:$0x5] =	wrdreg $0x9  }
0xb2: {  	_ =	task.clear_ibuf [dreg:s7], $0x6FFFF;
	_ =	strace $0x90000046  }
0xb3: {  	s29 =	simm.s32 $0x9;
	_ =	strace $0x80000048  }
0xb4: {  	_ =	swait.ge [sflag:s29], $0x1  }
0xb5: {  	[sflag:s29] =	ssyncadd.s32 $0xFFFFFFFF  }
0xb6: {  	_ =	strace $0x90000048  }
0xb7: {  	_ =	sfence  }
0xb8: {  	s30 =	sld [smem:$0x0];
	_ =	sdelay $0x2  }
0xb9: {  	s31 =	sshll.u32 s1, $0xD;
	s1 =	sshrl.u32 s1, $0x2  }
0xba: {  	s3 =	sand.u32 $0x4000, s31;
	s1 =	sadd.s32 s1, s30  }
0xbb: {  	s0 =	sor.u32 s3, s0;
	s1 =	sshll.u32 s1, $0x11  }
0xbc: {  	s0 =	sor.u32 s1, s0  }
0xbd: {  	s0 =	sadd.s32 $0x8F2B, s0  }
0xbe: {  	[sflag:s0] =	ssyncadd.remote.s32 $0x1  }
0xbf: {  	_ =	sfence.sel $0xFFFF  }
0xc0: {  	[dreg:$0x0] =	wrdreg $0xFFFFFFFF;
	(pc) =	sbr.abs _section_cstart, $3  }
0xc1: {  	[dreg:$0x1] =	wrdreg $0xFFFFFFFF  }
0xc2: {  	_ =	task.clear_ibuf [dreg:s7], $0x2FFFF;
	_ =	strace $0x9FFFFFFF  }
0xc3: {  	(tm) =	ssettm $0x7FFFFFFF  }
tec
execute0_lowered:
.L_overlay_start_1:
0x0: {  	(tag) =	ssettag $0x1  }
0x1: {  	s5 =	rddreg [dreg:$0x0];
	s1 =	srdreg.scid  }
0x2: {  	s0 =	stileid.u32;
	s7 =	rddreg [dreg:$0x1]  }
0x3: {  	s2 =	rddreg [dreg:$0x2];
	s3 =	simm.s32 $0x0;
	s14 =	simm.s32 $0x1  }
0x4: {  	s15 =	simm.s32 $0x0;
	s6 =	sand.u32 $0x1, s1;
	s1 =	rddreg [dreg:$0x3]  }
0x5: {  	s28 =	sshll.u32 s0, $0x1;
	[smem:$0x7FF] =	sst s3;
	s8 =	smul.u32 $0x280, s0  }
0x6: {  	s31 =	sshll.u32 s0, $0x6;
	s4 =	sor.u32 s6, s28;
	s10 =	smul.u32 $0x2800, s6  }
0x7: {  	_ =	strace $0x80000047;
	s6 =	ssub.s32 $0x2, s6;
	s4 =	smul.u32 $0x4E2, s4  }
0x8: {  	s11 =	sshrl.u32 s8, $0x3;
	s29 =	sshrl.u32 s6, $0x1;
	s13 =	sadd.s32 s8, s2  }
0x9: {  	s11 =	sadd.s32 s11, s5;
	s10 =	sadd.s32 s8, s10;
	s12 =	ssub.s32 s6, s29  }
0xa: {  	s9 =	sadd.s32 s4, s5;
	s4 =	sadd.s32 $0x15A00, s5;
	s30 =	sshrl.u32 s10, $0x3  }
0xb: {  	s6 =	sadd.s32 $0x15C00, s11;
	s8 =	smax.u32 s12, $0x1;
	s10 =	simm.s32 $0x2710  }
0xc: {  	s11 =	sor.u32 $0x1C02, s31;
	s12 =	sshrl.u32 s13, $0x3;
	s13 =	simm.s32 $0x50  }
0xd: {  	s5 =	sadd.s32 $0xBC00, s9;
	s7 =	sadd.s32 s7, s30;
	s9 =	simm.s32 $0x2  }
.LBB2_1:
0xe: {  	[tilespmem:s3], [sflag:$0x2] =	stream.linear.gather [hbm4b:s5+s3], $0x2710, $0x38;
	[tilespmem:$0x29E0] =	vst v63  }
0xf: {  	_ =	swait.ge [sflag:s9], $0x2710  }
0x10: {  	[sflag:s9] =	ssyncset.done $0x0  }
0x11: {  	[sflag:s9] =	ssyncadd.s32 $0xFFFFD8F0  }
0x12: {  	[tilespmem:s10], [sflag:$0x2] =	stream.linear.gather [hbm4b:s4+s3], $0x50, $0x38;
	[tilespmem:$0x29E0] =	vst v63  }
0x13: {  	_ =	swait.ge [sflag:s9], $0x50  }
0x14: {  	[sflag:s9] =	ssyncset.done $0x0  }
0x15: {  	[sflag:s9] =	ssyncadd.s32 $0xFFFFFFB0  }
0x16: {  	[spmem:s12], [sflag:s11] =	dma.local [hbm:s6], $0x50  }
0x17: {  	_ =	swait.ge [sflag:s9], $0x50  }
0x18: {  	[sflag:s9] =	ssyncset.done $0x0  }
0x19: {  	[sflag:s9] =	ssyncadd.s32 $0xFFFFFFB0  }
0x1a: {  	s16 =	simm.s32 $0x0;
	[bflag:$0x0] =	sbarrier.arrive $0xFFFF  }
.LBB2_2:
0x1b: {  	p0 =	sne.s32 s16, $0x9B00  }
.Ltmp0:
0x1c: {  	_ = 	snop;
	(pc) =	sbr.rel @p0 .LBB2_2-.Ltmp0, $3  }
0x1d: {  	_ =	sdelay $0x1  }
0x1e: {  	s17 =	sshra.s32 s16, $0x2;
	s16 =	sadd.s32 $0x140, s16  }
0x1f: {  	[spmem:s2] =	stream.indirect.scatter.add.f32 [tilespmem:s10], [sflag:$0x1], $0x1, s17, s13, $0xb8;
	[tilespmem:$0x29E0] =	vst v63  }
0x20: {  	_ =	swait.ge [sflag:s14], $0x50  }
0x21: {  	s16 =	simm.s32 $0x7C;
	[sflag:s14] =	ssyncset.done $0x0  }
.LBB2_4:
0x22: {  	p0 =	sne.s32 s16, $0x1;
	s16 =	sadd.s32 $0xFFFFFFFF, s16;
	[sflag:s14] =	ssyncadd.s32 $0xFFFFFFB0  }
.Ltmp1:
0x23: {  	(pc) =	sbr.rel @p0 .LBB2_4-.Ltmp1, $3  }
0x24: {  	_ =	sdelay $0x1  }
0x25: {  	_ =	swait.ge [sflag:s14], $0x50  }
0x26: {  	[sflag:s14] =	ssyncset.done $0x0  }
0x27: {  	s15 =	sadd.s32 $0x1, s15  }
0x28: {  	[sflag:s14] =	ssyncadd.s32 $0xFFFFFFB0;
	p0 =	sne.s32 s15, s8  }
.Ltmp2:
0x29: {  	[bflag:$0x0] =	sbarrier.arrive $0xFFFF;
	(pc) =	sbr.rel @p0 .LBB2_1-.Ltmp2, $4  }
0x2a: {  	[hbm:s7], [sflag:s11] =	dma.local [spmem:s12], $0x50  }
0x2b: {  	_ =	swait.ge [sflag:s9], $0x50  }
0x2c: {  	[sflag:s9] =	ssyncset.done $0x0  }
0x2d: {  	[sflag:s9] =	ssyncadd.s32 $0xFFFFFFB0  }
0x2e: {  	_ =	sfence.sel $0x180000  }
0x2f: {  	[bflag:$0x0] =	sbarrier.arrive $0xFFFF  }
0x30: {  	p0 =	sne.s32 s0, $0x0;
	_ =	strace $0x90000047  }
0x31: {  	s0 =	sadd.s32 @!p0 $0x100000, s1;
	[bflag:$0x2] =	sbarrier.arrive $0xFFFF  }
0x32: {  	[sflag:s0] =	ssyncadd.tile.s32 @!p0 $0x1;
	_ =	shalt  }
.Lfunc_end2:
_tile_overlayer_lowered:
.L_overlay_start_2:
0x33: {  	(tag) =	ssettag $0x2  }
0x34: {  	s0 =	rddreg [dreg:$0x0];
	s2 =	stileid.u32  }
0x35: {  	s1 =	rddreg [dreg:$0x1];
	p0 =	sne.s32 s2, $0x0  }
0x36: {  	s3 =	rddreg [dreg:$0x2];
	[bflag:$0x3] =	sbarrier.arrive $0xFFFF;
	s2 =	simm.s32 @!p0 $0x1C02  }
0x37: {  	[timem:s3], [sflag:s2] =	dma.local @!p0 [hbm:s0], s1  }
0x38: {  	s0 =	simm.s32 @!p0 $0x2  }
0x39: {  	_ =	swait.ge @!p0 [sflag:s0], s1  }
0x3a: {  	s1 =	ssub.s32 @!p0 $0x0, s1;
	[sflag:s0] =	ssyncset.done @!p0 $0x0  }
0x3b: {  	[sflag:s0] =	ssyncadd.s32 @!p0 s1  }
0x3c: {  	[bflag:$0x3] =	sbarrier.arrive $0xFFFF  }
0x3d: {  	_ =	shalt  }

// kernel: kernel.13.cloned.1.call-start
scs
__scs_entry_jumppad:
0x0: {  	(pc) =	sbr.rel $0x88, $3  }
0x1: {  	(tag) =	ssettag $0x0;
	lr =	simm.s32 $0x1  }
0x2: {  	[smem:$0x3F99] =	sst lr;
	_ =	strace $0xD0000000  }
0x3: {  	_ = 	snop  }
0x4: {  	_ = 	snop  }
0x5: {  	_ = 	snop  }
0x6: {  	_ = 	snop  }
0x7: {  	_ = 	snop  }
__scs_overlays_trampoline_lowered:
0x8: {  	[smem:$0x3FA8] =	sst s0  }
0x9: {  	[smem:$0x3FA9] =	sst s1  }
0xa: {  	[smem:$0x3FAA] =	sst s2  }
0xb: {  	[smem:$0x3FAB] =	sst s3  }
0xc: {  	[smem:$0x3FAC] =	sst s4  }
0xd: {  	[smem:$0x3FAD] =	sst s5  }
0xe: {  	[smem:$0x3FAE] =	sst s6  }
0xf: {  	[smem:$0x3FAF] =	sst s7  }
0x10: {  	[smem:$0x3FB0] =	sst s8  }
0x11: {  	[smem:$0x3FB1] =	sst s9;
	s0 =	simm.s32 @!p0 $0x0  }
0x12: {  	s1 =	sld [smem:$0x3F97];
	s0 =	simm.s32 @p0 $0x1  }
0x13: {  	[smem:$0x3FB2] =	sst s0;
	s0 =	simm.s32 @!p1 $0x0  }
0x14: {  	s2 =	sld [smem:$0x3F96];
	s0 =	simm.s32 @p1 $0x1  }
0x15: {  	[smem:$0x3FB3] =	sst s0;
	s0 =	simm.s32 @!p2 $0x0  }
0x16: {  	s3 =	sld [smem:$0x3FDB];
	s0 =	simm.s32 @p2 $0x1  }
0x17: {  	s4 =	simm.s32 $0x1BF5;
	[smem:$0x3FB5] =	sst s0  }
0x18: {  	s0 =	sld [smem:$0x3F98];
	_ =	swait.ge [sflag:s4], $0x0  }
0x19: {  	s7 =	sld [smem:$0x3F99]  }
0x1a: {  	s8 =	sadd.s32 $0xFFFFE003, lr  }
0x1b: {  	s9 =	sadd.s32 $0xFFFFFEF7, lr;
	s5 =	simm.s32 $0xFFFFFFFF;
	p2 =	slt.u32 s8, $0xFFFFF086  }
0x1c: {  	p1 =	slt.u32 s9, $0xF7A;
	s5 =	simm.s32 @!p2 $0x0  }
0x1d: {  	s5 =	simm.s32 @p1 $0x1;
	p0 =	seq.s32 s7, s2  }
0x1e: {  	s7 =	smul.u32 @!p0 $0xF7A, s2;
	p2 =	seq.s32 @!p0 s5, $0x0  }
0x1f: {  	s9 =	smul.u32 $0xF7A, s1;
	s8 =	simm.s32 @!p0 $0x1BF5;
	p2 =	por !p2, p0  }
0x20: {  	[sflag:s8] =	ssyncset.s32 @!p0 $0xFFFFF086;
	s6 =	sadd.s32 @!p0 s3, s7;
	s7 =	simm.s32 @!p0 $0x108  }
0x21: {  	s3 =	sadd.s32 s3, s9;
	s6 =	sadd.s32 @!p0 $0x88, s6;
	s7 =	simm.s32 @p2 $0x1082  }
0x22: {  	[simem:s7], [sflag:s8] =	dma.local @!p0 [hbm:s6], $0xF7A  }
0x23: {  	s9 =	sor.u32 $0xD0000000, s2;
	s6 =	simm.s32 $0x108;
	_ =	swait.ge @!p0 [sflag:s8], $0x0  }
0x24: {  	s3 =	sadd.s32 $0x88, s3;
	s6 =	simm.s32 @!p1 $0x1082;
	[sflag:s4] =	ssyncset.s32 $0xFFFFF086  }
0x25: {  	[simem:s6], [sflag:s4] =	dma.local [hbm:s3], $0xF7A  }
0x26: {  	[smem:$0x3F99] =	sst s1;
	(tag) =	ssettag s2;
	_ =	strace s9  }
0x27: {  	s1 =	sld [smem:$0x3FA9]  }
0x28: {  	s2 =	sld [smem:$0x3FAA]  }
0x29: {  	s4 =	sld [smem:$0x3FAC]  }
0x2a: {  	p0 =	seq.s32 s5, $0x0;
	s5 =	sld [smem:$0x3FAD]  }
0x2b: {  	s6 =	sld [smem:$0x3FAE]  }
0x2c: {  	s7 =	sld [smem:$0x3FAF]  }
0x2d: {  	s3 =	simm.s32 $0x108;
	s8 =	sld [smem:$0x3FB0]  }
0x2e: {  	s3 =	simm.s32 @!p0 $0x1082;
	s9 =	sld [smem:$0x3FB1]  }
0x2f: {  	lr =	sadd.s32 s0, s3;
	s0 =	sld [smem:$0x3FA8]  }
0x30: {  	s3 =	sld [smem:$0x3FAB]  }
0x31: {  	[smem:$0x3FB4] =	sst s10  }
0x32: {  	s10 =	sld [smem:$0x3FB2];
	_ =	sdelay $0x3  }
0x33: {  	p0 =	seq.s32 s10, $0x1;
	s10 =	sld [smem:$0x3FB4];
	_ =	sdelay $0x3  }
0x34: {  	[smem:$0x3FB4] =	sst s10  }
0x35: {  	s10 =	sld [smem:$0x3FB3];
	_ =	sdelay $0x3  }
0x36: {  	p1 =	seq.s32 s10, $0x1;
	s10 =	sld [smem:$0x3FB4];
	_ =	sdelay $0x3  }
0x37: {  	[smem:$0x3FB4] =	sst s10  }
0x38: {  	s10 =	sld [smem:$0x3FB5]  }
0x39: {  	_ = 	snop;
	(pc) =	sbr.ind lr, $3  }
0x3a: {  	_ = 	snop  }
0x3b: {  	_ = 	snop  }
0x3c: {  	p2 =	seq.s32 s10, $0x1;
	s10 =	sld [smem:$0x3FB4]  }
0x3d: {  	_ =	shalt  }
0x3e: {  	_ =	shalt  }
0x3f: {  	_ =	shalt  }
0x40: {  	_ =	shalt  }
0x41: {  	_ =	shalt  }
0x42: {  	_ =	shalt  }
0x43: {  	_ =	shalt  }
0x44: {  	_ =	shalt  }
0x45: {  	_ =	shalt  }
0x46: {  	_ =	shalt  }
0x47: {  	_ =	shalt  }
0x48: {  	_ =	shalt  }
0x49: {  	_ =	shalt  }
0x4a: {  	_ =	shalt  }
0x4b: {  	_ =	shalt  }
0x4c: {  	_ =	shalt  }
0x4d: {  	_ =	shalt  }
0x4e: {  	_ =	shalt  }
0x4f: {  	_ =	shalt  }
0x50: {  	_ =	shalt  }
0x51: {  	_ =	shalt  }
0x52: {  	_ =	shalt  }
0x53: {  	_ =	shalt  }
0x54: {  	_ =	shalt  }
0x55: {  	_ =	shalt  }
0x56: {  	_ =	shalt  }
0x57: {  	_ =	shalt  }
0x58: {  	_ =	shalt  }
0x59: {  	_ =	shalt  }
0x5a: {  	_ =	shalt  }
0x5b: {  	_ =	shalt  }
0x5c: {  	_ =	shalt  }
0x5d: {  	_ =	shalt  }
0x5e: {  	_ =	shalt  }
0x5f: {  	_ =	shalt  }
0x60: {  	_ =	shalt  }
0x61: {  	_ =	shalt  }
0x62: {  	_ =	shalt  }
0x63: {  	_ =	shalt  }
0x64: {  	_ =	shalt  }
0x65: {  	_ =	shalt  }
0x66: {  	_ =	shalt  }
0x67: {  	_ =	shalt  }
0x68: {  	_ =	shalt  }
0x69: {  	_ =	shalt  }
0x6a: {  	_ =	shalt  }
0x6b: {  	_ =	shalt  }
0x6c: {  	_ =	shalt  }
0x6d: {  	_ =	shalt  }
0x6e: {  	_ =	shalt  }
0x6f: {  	_ =	shalt  }
0x70: {  	_ =	shalt  }
0x71: {  	_ =	shalt  }
0x72: {  	_ =	shalt  }
0x73: {  	_ =	shalt  }
0x74: {  	_ =	shalt  }
0x75: {  	_ =	shalt  }
0x76: {  	_ =	shalt  }
0x77: {  	_ =	shalt  }
0x78: {  	_ =	shalt  }
0x79: {  	_ =	shalt  }
0x7a: {  	_ =	shalt  }
0x7b: {  	_ =	shalt  }
0x7c: {  	_ =	shalt  }
0x7d: {  	_ =	shalt  }
0x7e: {  	_ =	shalt  }
0x7f: {  	_ =	shalt  }
0x80: {  	_ =	shalt  }
0x81: {  	_ =	shalt  }
0x82: {  	_ =	shalt  }
0x83: {  	_ =	shalt  }
0x84: {  	_ =	shalt  }
0x85: {  	_ =	shalt  }
0x86: {  	_ =	shalt  }
0x87: {  	_ =	shalt  }
.Lfunc_end0:
.L_simem_size_0:
called_computation.1_lowered:
.L_overlay_start_0:
0x88: {  	s2 =	sld [smem:$0x3FD9]  }
0x89: {  	s3 =	sld [smem:$0x3FFE];
	_ =	sdelay $0x1  }
0x8a: {  	s1 =	srdreg.scid  }
0x8b: {  	s0 =	sand.u32 $0x1, s1  }
0x8c: {  	s17 =	sshll.u32 s0, $0xA;
	s2 =	sadd.s32 s3, s2  }
0x8d: {  	s2 =	sadd.s32 s2, s17  }
0x8e: {  	[smem:$0x3FC0] =	sst s2  }
0x8f: {  	_ = 	snop  }
0x90: {  	s2 =	sld [smem:$0x3FD0];
	(tm) =	ssettm $0x1  }
0x91: {  	s18 =	sld [smem:$0x3FFB];
	_ =	sdelay $0x3  }
0x92: {  	_ =	strace s18  }
0x93: {  	s3 =	sld [smem:$0x3FFC];
	_ =	sdelay $0x3  }
0x94: {  	_ =	strace s3  }
0x95: {  	s3 =	sld [smem:$0x3FFD];
	_ =	sdelay $0x3  }
0x96: {  	_ =	strace s3  }
0x97: {  	_ =	strace $0x8FFFFFFF  }
0x98: {  	s19 =	sld [smem:$0x3FDB];
	_ =	sdelay $0x1  }
0x99: {  	s4 =	simm.s32 $_scs_section_size  }
0x9a: {  	s5 =	simm.s32 $_size__tile_overlayer_lowered;
	s6 =	simm.s32 $_tile_overlayer_lowered  }
0x9b: {  	s22 =	simm.s32 $0x1BFF;
	s21 =	sshll.u32 s6, $0x1;
	s3 =	sadd.s32 s4, s19  }
0x9c: {  	s7 =	simm.s32 $0x0;
	s20 =	sshll.u32 s5, $0x1;
	s5 =	sadd.s32 s21, s3  }
0x9d: {  	[timem:s7], [sflag:s22] =	dma.local [hbm:s5], s20  }
0x9e: {  	_ =	swait.ge [sflag:s22], s20  }
0x9f: {  	s4 =	ssub.s32 $0x0, s20;
	[sflag:s22] =	ssyncset.done $0x0  }
0xa0: {  	[sflag:s22] =	ssyncadd.s32 s4;
	_ =	sdelay $0x1  }
0xa1: {  	s23 =	simm.s32 $0x1B8B  }
0xa2: {  	_ =	swait.ge [sflag:s23], $0x1  }
0xa3: {  	[sflag:s23] =	ssyncset.done $0x0  }
0xa4: {  	s25 =	simm.s32 $0x1B8E;
	s24 =	sld [smem:$0x3FFE];
	[sflag:s23] =	ssyncadd.s32 $0xFFFFFFFF  }
0xa5: {  	s26 =	simm.s32 $execute0_lowered;
	[smem:$0x3FD2] =	sst s25  }
0xa6: {  	s5 =	sshll.u32 s26, $0x1;
	_ =	strace $0x80000049;
	[dreg:$0x1] =	wrdreg $0xFFFFFFFF  }
0xa7: {  	s28 =	simm.s32 $_size_execute0_lowered;
	s3 =	sadd.s32 s3, s5;
	[dreg:$0x0] =	wrdreg $0x0  }
0xa8: {  	s5 =	sshll.u32 s28, $0x1;
	[dreg:$0x2] =	wrdreg s3  }
0xa9: {  	[dreg:$0x3] =	wrdreg s5  }
0xaa: {  	[dreg:$0x4] =	wrdreg $0xC0  }
0xab: {  	_ =	task [dreg:s7], $0x5FFFF  }
0xac: {  	[dreg:$0x1] =	wrdreg $0xFFFFFFFF  }
0xad: {  	[dreg:$0x0] =	wrdreg $0x60  }
0xae: {  	[dreg:$0x2] =	wrdreg s24  }
0xaf: {  	[dreg:$0x3] =	wrdreg s2  }
0xb0: {  	[dreg:$0x4] =	wrdreg $0x9E200  }
0xb1: {  	[dreg:$0x5] =	wrdreg $0x13E200  }
0xb2: {  	[dreg:$0x6] =	wrdreg $0x9  }
0xb3: {  	_ =	task.clear_ibuf [dreg:s7], $0x7FFFF;
	_ =	strace $0x90000049  }
0xb4: {  	s29 =	simm.s32 $0x9;
	_ =	strace $0x8000004B  }
0xb5: {  	_ =	swait.ge [sflag:s29], $0x1  }
0xb6: {  	[sflag:s29] =	ssyncadd.s32 $0xFFFFFFFF  }
0xb7: {  	_ =	strace $0x9000004B  }
0xb8: {  	_ =	sfence  }
0xb9: {  	s30 =	sld [smem:$0x0];
	_ =	sdelay $0x2  }
0xba: {  	s31 =	sshll.u32 s1, $0xD;
	s1 =	sshrl.u32 s1, $0x2  }
0xbb: {  	s3 =	sand.u32 $0x4000, s31;
	s1 =	sadd.s32 s1, s30  }
0xbc: {  	s0 =	sor.u32 s3, s0;
	s1 =	sshll.u32 s1, $0x11  }
0xbd: {  	s0 =	sor.u32 s1, s0  }
0xbe: {  	s0 =	sadd.s32 $0x8F2B, s0  }
0xbf: {  	[sflag:s0] =	ssyncadd.remote.s32 $0x1  }
0xc0: {  	_ =	sfence.sel $0xFFFF  }
0xc1: {  	[dreg:$0x0] =	wrdreg $0xFFFFFFFF;
	(pc) =	sbr.abs _section_cstart, $3  }
0xc2: {  	[dreg:$0x1] =	wrdreg $0xFFFFFFFF  }
0xc3: {  	_ =	task.clear_ibuf [dreg:s7], $0x2FFFF;
	_ =	strace $0x9FFFFFFF  }
0xc4: {  	(tm) =	ssettm $0x7FFFFFFF  }
0xc5: {  	_ =	shalt  }
tec
execute0_lowered:
.L_overlay_start_1:
0x0: {  	(tag) =	ssettag $0x1  }
0x1: {  	s0 =	rddreg [dreg:$0x0]  }
0x2: {  	s1 =	rddreg [dreg:$0x1]  }
0x3: {  	s2 =	rddreg [dreg:$0x2]  }
0x4: {  	s3 =	rddreg [dreg:$0x3]  }
0x5: {  	s13 =	stileid.u32;
	s5 =	srdreg.scid;
	s4 =	simm.s32 $0x0  }
0x6: {  	s18 =	simm.s32 $0x50;
	s19 =	simm.s32 $0x4E20;
	s20 =	simm.s32 $0x6220  }
0x7: {  	s21 =	simm.s32 $0x1;
	s23 =	simm.s32 $0x7620;
	s24 =	simm.s32 $0x2  }
0x8: {  	s28 =	simm.s32 $0x8A20;
	s29 =	simm.s32 $0x3;
	s30 =	simm.s32 $0x5  }
0x9: {  	s31 =	simm.s32 $0x4;
	s22 =	simm.s32 $0x8;
	s8 =	smul.u32 $0xA000, s13  }
0xa: {  	s5 =	sand.u32 $0x1, s5;
	[smem:$0x7FF] =	sst s4;
	s6 =	sshll.u32 s13, $0x1  }
0xb: {  	s16 =	sadd.s32 $0x96000, s3;
	p0 =	seq.s32 s13, $0xF;
	s26 =	sshll.u32 s13, $0x6  }
0xc: {  	s13 =	simm.s32 $0x2710;
	s7 =	smul.u32 $0xA0000, s5;
	_ =	strace $0x8000004A  }
0xd: {  	s6 =	sor.u32 s5, s6;
	s5 =	ssub.s32 $0x2, s5;
	s14 =	sor.u32 $0x1C09, s26  }
0xe: {  	s16 =	sshrl.u32 @p0 s16, $0x3;
	s9 =	sshrl.u32 s8, $0x3;
	s6 =	smul.u32 $0x4E2, s6  }
0xf: {  	s11 =	sshrl.u32 s5, $0x1;
	s15 =	sadd.s32 s8, s2;
	s7 =	sadd.s32 s8, s7  }
0x10: {  	s10 =	sadd.s32 s9, s0;
	s5 =	ssub.s32 s5, s11;
	s15 =	sshrl.u32 s15, $0x3  }
0x11: {  	s7 =	sshrl.u32 s7, $0x3;
	s6 =	sadd.s32 s6, s0;
	s11 =	smax.u32 s5, $0x1  }
0x12: {  	s12 =	sadd.s32 s7, s0;
	s25 =	sadd.s32 $0xBC00, s6;
	s6 =	sadd.s32 $0x1E00, s6  }
0x13: {  	s7 =	sadd.s32 s1, s9;
	s1 =	sadd.s32 s8, s3;
	s8 =	sadd.s32 $0x15A00, s10  }
0x14: {  	s9 =	sadd.s32 $0x28600, s0;
	s0 =	simm.s32 $0x6;
	[dreg:$0x5] =	wrdreg s25  }
0x15: {  	[dreg:$0x6] =	wrdreg s6;
	s10 =	sadd.s32 $0x29400, s12;
	s12 =	simm.s32 $0x9  }
0x16: {  	s17 =	sshrl.u32 @!p0 s1, $0x3;
	s1 =	simm.s32 $0x7;
	s25 =	simm.s32 $0x0  }
.LBB2_1:
0x17: {  	s5 =	rddreg [dreg:$0x5]  }
0x18: {  	[tilespmem:s4], [sflag:$0x9] =	stream.linear.gather [hbm4b:s5+s4], $0x2710, $0x38;
	[tilespmem:$0x1DE20] =	vst v63  }
0x19: {  	_ =	swait.ge [sflag:s12], $0x2710  }
0x1a: {  	[sflag:s12] =	ssyncset.done $0x0  }
0x1b: {  	s26 =	rddreg [dreg:$0x6];
	[sflag:s12] =	ssyncadd.s32 $0xFFFFD8F0  }
0x1c: {  	[tilespmem:s13], [sflag:$0x9] =	stream.linear.gather [hbm4b:s26+s4], $0x2710, $0x38;
	[tilespmem:$0x1DE20] =	vst v63  }
0x1d: {  	_ =	swait.ge [sflag:s12], $0x2710  }
0x1e: {  	[sflag:s12] =	ssyncset.done $0x0  }
0x1f: {  	[sflag:s12] =	ssyncadd.s32 $0xFFFFD8F0  }
0x20: {  	[spmem:s15], [sflag:s14] =	dma.local [hbm:s7], $0x1400  }
0x21: {  	_ =	swait.ge [sflag:s12], $0x1400  }
0x22: {  	[sflag:s12] =	ssyncset.done $0x0  }
0x23: {  	s5 =	simm.s32 @p0 $0x9;
	[sflag:s12] =	ssyncadd.s32 $0xFFFFEC00  }
0x24: {  	[spmem:s16], [sflag:s14] =	dma.local @p0 [hbm:s9], $0xC80  }
0x25: {  	_ =	swait.ge @p0 [sflag:s5], $0xC80  }
0x26: {  	[sflag:s5] =	ssyncset.done @p0 $0x0  }
0x27: {  	[sflag:s5] =	ssyncadd.s32 @p0 $0xFFFFF380;
	s5 =	simm.s32 @!p0 $0x9  }
0x28: {  	[spmem:s17], [sflag:s14] =	dma.local @!p0 [hbm:s8], $0x1400  }
0x29: {  	_ =	swait.ge @!p0 [sflag:s5], $0x1400  }
0x2a: {  	[sflag:s5] =	ssyncset.done @!p0 $0x0  }
0x2b: {  	[sflag:s5] =	ssyncadd.s32 @!p0 $0xFFFFEC00  }
0x2c: {  	[bflag:$0x0] =	sbarrier.arrive $0xFFFF  }
0x2d: {  	[tilespmem:s19], [sflag:$0x1] =	stream.indirect.gather [spmem:s3], $0x40, s4, s18, $0xb8;
	[tilespmem:$0x1DE20] =	vst v63  }
0x2e: {  	_ = 	snop  }
0x2f: {  	[tilespmem:s20], [sflag:$0x2] =	stream.indirect.gather [spmem:s3], $0x40, s18, s18, $0xb8;
	[tilespmem:$0x1DE20] =	vst v63  }
0x30: {  	_ =	swait.ge [sflag:s21], $0x1400  }
0x31: {  	[sflag:s21] =	ssyncset.done $0x0  }
0x32: {  	[sflag:s21] =	ssyncadd.s32 $0xFFFFEC00  }
0x33: {  	[spmem:s2] =	stream.indirect.scatter.add.f32 [tilespmem:s19], [sflag:$0x5], $0x40, s13, s18, $0xb8;
	[tilespmem:$0x1DE20] =	vst v63  }
0x34: {  	s6 =	simm.s32 $0xA0  }
0x35: {  	[tilespmem:s23], [sflag:$0x3] =	stream.indirect.gather [spmem:s3], $0x40, s6, s18, $0xb8;
	[tilespmem:$0x1DE20] =	vst v63  }
0x36: {  	_ =	swait.ge [sflag:s24], $0x1400  }
0x37: {  	[sflag:s24] =	ssyncset.done $0x0  }
0x38: {  	s26 =	simm.s32 $0x2760;
	[sflag:s24] =	ssyncadd.s32 $0xFFFFEC00  }
0x39: {  	[spmem:s2] =	stream.indirect.scatter.add.f32 [tilespmem:s20], [sflag:$0x6], $0x40, s26, s18, $0xb8;
	[tilespmem:$0x1DE20] =	vst v63  }
0x3a: {  	s6 =	simm.s32 $0xF0  }
0x3b: {  	[tilespmem:s28], [sflag:$0x4] =	stream.indirect.gather [spmem:s3], $0x40, s6, s18, $0xb8;
	[tilespmem:$0x1DE20] =	vst v63  }
0x3c: {  	_ =	swait.ge [sflag:s29], $0x1400  }
0x3d: {  	[sflag:s29] =	ssyncset.done $0x0  }
0x3e: {  	s26 =	simm.s32 $0x27B0;
	[sflag:s29] =	ssyncadd.s32 $0xFFFFEC00  }
0x3f: {  	[spmem:s2] =	stream.indirect.scatter.add.f32 [tilespmem:s23], [sflag:$0x7], $0x40, s26, s18, $0xb8;
	[tilespmem:$0x1DE20] =	vst v63  }
0x40: {  	_ =	swait.ge [sflag:s30], $0x1400  }
0x41: {  	[sflag:s30] =	ssyncset.done $0x0  }
0x42: {  	s6 =	simm.s32 $0x140;
	[sflag:s30] =	ssyncadd.s32 $0xFFFFEC00  }
0x43: {  	[tilespmem:s19], [sflag:$0x1] =	stream.indirect.gather [spmem:s3], $0x40, s6, s18, $0xb8;
	[tilespmem:$0x1DE20] =	vst v63  }
0x44: {  	_ =	swait.ge [sflag:s31], $0x1400  }
0x45: {  	[sflag:s31] =	ssyncset.done $0x0  }
0x46: {  	s26 =	simm.s32 $0x2800;
	[sflag:s31] =	ssyncadd.s32 $0xFFFFEC00  }
0x47: {  	[spmem:s2] =	stream.indirect.scatter.add.f32 [tilespmem:s28], [sflag:$0x8], $0x40, s26, s18, $0xb8;
	[tilespmem:$0x1DE20] =	vst v63  }
0x48: {  	_ =	swait.ge [sflag:s0], $0x1400  }
0x49: {  	[sflag:s0] =	ssyncset.done $0x0  }
0x4a: {  	s6 =	simm.s32 $0x190;
	[sflag:s0] =	ssyncadd.s32 $0xFFFFEC00  }
0x4b: {  	[tilespmem:s20], [sflag:$0x2] =	stream.indirect.gather [spmem:s3], $0x40, s6, s18, $0xb8;
	[tilespmem:$0x1DE20] =	vst v63  }
0x4c: {  	_ =	swait.ge [sflag:s21], $0x1400  }
0x4d: {  	[sflag:s21] =	ssyncset.done $0x0  }
0x4e: {  	s26 =	simm.s32 $0x2850;
	[sflag:s21] =	ssyncadd.s32 $0xFFFFEC00  }
0x4f: {  	[spmem:s2] =	stream.indirect.scatter.add.f32 [tilespmem:s19], [sflag:$0x5], $0x40, s26, s18, $0xb8;
	[tilespmem:$0x1DE20] =	vst v63  }
0x50: {  	_ =	swait.ge [sflag:s1], $0x1400  }
0x51: {  	[sflag:s1] =	ssyncset.done $0x0  }
0x52: {  	s6 =	simm.s32 $0x1E0;
	[sflag:s1] =	ssyncadd.s32 $0xFFFFEC00  }
0x53: {  	[tilespmem:s23], [sflag:$0x3] =	stream.indirect.gather [spmem:s3], $0x40, s6, s18, $0xb8;
	[tilespmem:$0x1DE20] =	vst v63  }
0x54: {  	_ =	swait.ge [sflag:s24], $0x1400  }
0x55: {  	[sflag:s24] =	ssyncset.done $0x0  }
0x56: {  	s26 =	simm.s32 $0x28A0;
	[sflag:s24] =	ssyncadd.s32 $0xFFFFEC00  }
0x57: {  	[spmem:s2] =	stream.indirect.scatter.add.f32 [tilespmem:s20], [sflag:$0x6], $0x40, s26, s18, $0xb8;
	[tilespmem:$0x1DE20] =	vst v63  }
0x58: {  	_ =	swait.ge [sflag:s22], $0x1400  }
0x59: {  	[sflag:s22] =	ssyncset.done $0x0  }
0x5a: {  	s5 =	simm.s32 $0x230;
	s26 =	simm.s32 $0x500;
	[sflag:s22] =	ssyncadd.s32 $0xFFFFEC00  }
.LBB2_2:
0x5b: {  	[tilespmem:s28], [sflag:$0x4] =	stream.indirect.gather [spmem:s3], $0x40, s5, s18, $0xb8;
	[tilespmem:$0x1DE20] =	vst v63  }
0x5c: {  	s5 =	smov.u32 s26  }
0x5d: {  	p1 =	sne.s32 s26, $0x9100;
	s26 =	sadd.s32 $0x500, s26;
	_ =	swait.ge [sflag:s29], $0x1400  }
0x5e: {  	s5 =	sshra.s32 s5, $0x2;
	[sflag:s29] =	ssyncset.done $0x0  }
0x5f: {  	s6 =	sadd.s32 $0x27B0, s5;
	[sflag:s29] =	ssyncadd.s32 $0xFFFFEC00  }
0x60: {  	[spmem:s2] =	stream.indirect.scatter.add.f32 [tilespmem:s23], [sflag:$0x7], $0x40, s6, s18, $0xb8;
	[tilespmem:$0x1DE20] =	vst v63  }
0x61: {  	_ =	swait.ge [sflag:s30], $0x1400  }
0x62: {  	[sflag:s30] =	ssyncset.done $0x0  }
0x63: {  	s6 =	sadd.s32 $0x140, s5;
	[sflag:s30] =	ssyncadd.s32 $0xFFFFEC00  }
0x64: {  	[tilespmem:s19], [sflag:$0x1] =	stream.indirect.gather [spmem:s3], $0x40, s6, s18, $0xb8;
	[tilespmem:$0x1DE20] =	vst v63  }
0x65: {  	_ =	swait.ge [sflag:s31], $0x1400  }
0x66: {  	[sflag:s31] =	ssyncset.done $0x0  }
0x67: {  	s6 =	sadd.s32 $0x2800, s5;
	[sflag:s31] =	ssyncadd.s32 $0xFFFFEC00  }
0x68: {  	[spmem:s2] =	stream.indirect.scatter.add.f32 [tilespmem:s28], [sflag:$0x8], $0x40, s6, s18, $0xb8;
	[tilespmem:$0x1DE20] =	vst v63  }
0x69: {  	_ =	swait.ge [sflag:s0], $0x1400  }
0x6a: {  	[sflag:s0] =	ssyncset.done $0x0  }
0x6b: {  	s6 =	sadd.s32 $0x190, s5;
	[sflag:s0] =	ssyncadd.s32 $0xFFFFEC00  }
0x6c: {  	[tilespmem:s20], [sflag:$0x2] =	stream.indirect.gather [spmem:s3], $0x40, s6, s18, $0xb8;
	[tilespmem:$0x1DE20] =	vst v63  }
0x6d: {  	_ =	swait.ge [sflag:s21], $0x1400  }
0x6e: {  	[sflag:s21] =	ssyncset.done $0x0  }
0x6f: {  	s6 =	sadd.s32 $0x2850, s5;
	[sflag:s21] =	ssyncadd.s32 $0xFFFFEC00  }
0x70: {  	[spmem:s2] =	stream.indirect.scatter.add.f32 [tilespmem:s19], [sflag:$0x5], $0x40, s6, s18, $0xb8;
	[tilespmem:$0x1DE20] =	vst v63  }
0x71: {  	_ =	swait.ge [sflag:s1], $0x1400  }
0x72: {  	[sflag:s1] =	ssyncset.done $0x0  }
0x73: {  	s6 =	sadd.s32 $0x1E0, s5;
	[sflag:s1] =	ssyncadd.s32 $0xFFFFEC00  }
0x74: {  	[tilespmem:s23], [sflag:$0x3] =	stream.indirect.gather [spmem:s3], $0x40, s6, s18, $0xb8;
	[tilespmem:$0x1DE20] =	vst v63  }
0x75: {  	_ =	swait.ge [sflag:s24], $0x1400  }
0x76: {  	[sflag:s24] =	ssyncset.done $0x0  }
.Ltmp0:
0x77: {  	s6 =	sadd.s32 $0x28A0, s5;
	[sflag:s24] =	ssyncadd.s32 $0xFFFFEC00;
	(pc) =	sbr.rel @p1 .LBB2_2-.Ltmp0, $4  }
0x78: {  	[spmem:s2] =	stream.indirect.scatter.add.f32 [tilespmem:s20], [sflag:$0x6], $0x40, s6, s18, $0xb8;
	[tilespmem:$0x1DE20] =	vst v63  }
0x79: {  	_ =	swait.ge [sflag:s22], $0x1400  }
0x7a: {  	[sflag:s22] =	ssyncset.done $0x0  }
0x7b: {  	s5 =	sadd.s32 $0x230, s5;
	[sflag:s22] =	ssyncadd.s32 $0xFFFFEC00  }
0x7c: {  	[tilespmem:s28], [sflag:$0x4] =	stream.indirect.gather [spmem:s3], $0x40, s5, s18, $0xb8;
	[tilespmem:$0x1DE20] =	vst v63  }
0x7d: {  	_ =	swait.ge [sflag:s29], $0x1400  }
0x7e: {  	[sflag:s29] =	ssyncset.done $0x0  }
0x7f: {  	s6 =	simm.s32 $0x4D30;
	[sflag:s29] =	ssyncadd.s32 $0xFFFFEC00  }
0x80: {  	[spmem:s2] =	stream.indirect.scatter.add.f32 [tilespmem:s23], [sflag:$0x7], $0x40, s6, s18, $0xb8;
	[tilespmem:$0x1DE20] =	vst v63  }
0x81: {  	_ =	swait.ge [sflag:s30], $0x1400  }
0x82: {  	[sflag:s30] =	ssyncset.done $0x0  }
0x83: {  	s26 =	simm.s32 $0x26C0;
	[sflag:s30] =	ssyncadd.s32 $0xFFFFEC00  }
0x84: {  	[tilespmem:s19], [sflag:$0x1] =	stream.indirect.gather [spmem:s3], $0x40, s26, s18, $0xb8;
	[tilespmem:$0x1DE20] =	vst v63  }
0x85: {  	_ =	swait.ge [sflag:s31], $0x1400  }
0x86: {  	[sflag:s31] =	ssyncset.done $0x0  }
0x87: {  	s6 =	simm.s32 $0x4D80;
	[sflag:s31] =	ssyncadd.s32 $0xFFFFEC00  }
0x88: {  	[spmem:s2] =	stream.indirect.scatter.add.f32 [tilespmem:s28], [sflag:$0x8], $0x40, s6, s18, $0xb8;
	[tilespmem:$0x1DE20] =	vst v63  }
0x89: {  	_ =	swait.ge [sflag:s0], $0x1400  }
0x8a: {  	[sflag:s0] =	ssyncset.done $0x0  }
0x8b: {  	[sflag:s0] =	ssyncadd.s32 $0xFFFFEC00  }
0x8c: {  	_ =	swait.ge [sflag:s21], $0x1400  }
0x8d: {  	[sflag:s21] =	ssyncset.done $0x0  }
0x8e: {  	s26 =	simm.s32 $0x4DD0;
	[sflag:s21] =	ssyncadd.s32 $0xFFFFEC00  }
0x8f: {  	[spmem:s2] =	stream.indirect.scatter.add.f32 [tilespmem:s19], [sflag:$0x5], $0x40, s26, s18, $0xb8;
	[tilespmem:$0x1DE20] =	vst v63  }
0x90: {  	_ =	swait.ge [sflag:s1], $0x1400  }
0x91: {  	[sflag:s1] =	ssyncset.done $0x0  }
0x92: {  	[sflag:s1] =	ssyncadd.s32 $0xFFFFEC00  }
0x93: {  	_ =	swait.ge [sflag:s22], $0x1400  }
0x94: {  	[sflag:s22] =	ssyncset.done $0x0  }
0x95: {  	[sflag:s22] =	ssyncadd.s32 $0xFFFFEC00  }
0x96: {  	_ =	swait.ge [sflag:s30], $0x1400  }
0x97: {  	s25 =	sadd.s32 $0x1, s25;
	[sflag:s30] =	ssyncset.done $0x0  }
0x98: {  	p1 =	sne.s32 s25, s11;
	[sflag:s30] =	ssyncadd.s32 $0xFFFFEC00  }
.Ltmp1:
0x99: {  	[bflag:$0x0] =	sbarrier.arrive $0xFFFF;
	(pc) =	sbr.rel @p1 .LBB2_1-.Ltmp1, $4  }
0x9a: {  	[hbm:s10], [sflag:s14] =	dma.local [spmem:s15], $0x1400  }
0x9b: {  	_ =	swait.ge [sflag:s12], $0x1400  }
0x9c: {  	[sflag:s12] =	ssyncset.done $0x0  }
0x9d: {  	[sflag:s12] =	ssyncadd.s32 $0xFFFFEC00  }
0x9e: {  	_ =	sfence.sel $0x180000  }
0x9f: {  	[bflag:$0x0] =	sbarrier.arrive $0xFFFF  }
0xa0: {  	_ =	strace $0x9000004A  }
0xa1: {  	s0 =	stileid.u32;
	[bflag:$0x2] =	sbarrier.arrive $0xFFFF  }
0xa2: {  	p0 =	sne.s32 s0, $0x0;
	s0 =	rddreg [dreg:$0x4]  }
0xa3: {  	s0 =	sadd.s32 @!p0 $0x100000, s0  }
0xa4: {  	[sflag:s0] =	ssyncadd.tile.s32 @!p0 $0x1;
	_ =	shalt  }
.Lfunc_end2:
_tile_overlayer_lowered:
.L_overlay_start_2:
0xa5: {  	(tag) =	ssettag $0x2  }
0xa6: {  	s0 =	rddreg [dreg:$0x0];
	s2 =	stileid.u32  }
0xa7: {  	s1 =	rddreg [dreg:$0x1];
	p0 =	sne.s32 s2, $0x0  }
0xa8: {  	s3 =	rddreg [dreg:$0x2];
	[bflag:$0x3] =	sbarrier.arrive $0xFFFF;
	s2 =	simm.s32 @!p0 $0x1C09  }
0xa9: {  	[timem:s3], [sflag:s2] =	dma.local @!p0 [hbm:s0], s1  }
0xaa: {  	s0 =	simm.s32 @!p0 $0x9  }
0xab: {  	_ =	swait.ge @!p0 [sflag:s0], s1  }
0xac: {  	s1 =	ssub.s32 @!p0 $0x0, s1;
	[sflag:s0] =	ssyncset.done @!p0 $0x0  }
0xad: {  	[sflag:s0] =	ssyncadd.s32 @!p0 s1  }
0xae: {  	[bflag:$0x3] =	sbarrier.arrive $0xFFFF  }
0xaf: {  	_ =	shalt  }

// kernel: kernel.16.cloned.1.call-start
scs
__scs_entry_jumppad:
0x0: {  	(pc) =	sbr.rel $0x88, $3  }
0x1: {  	(tag) =	ssettag $0x0;
	lr =	simm.s32 $0x1  }
0x2: {  	[smem:$0x3F99] =	sst lr;
	_ =	strace $0xD0000000  }
0x3: {  	_ = 	snop  }
0x4: {  	_ = 	snop  }
0x5: {  	_ = 	snop  }
0x6: {  	_ = 	snop  }
0x7: {  	_ = 	snop  }
__scs_overlays_trampoline_lowered:
0x8: {  	[smem:$0x3FA8] =	sst s0  }
0x9: {  	[smem:$0x3FA9] =	sst s1  }
0xa: {  	[smem:$0x3FAA] =	sst s2  }
0xb: {  	[smem:$0x3FAB] =	sst s3  }
0xc: {  	[smem:$0x3FAC] =	sst s4  }
0xd: {  	[smem:$0x3FAD] =	sst s5  }
0xe: {  	[smem:$0x3FAE] =	sst s6  }
0xf: {  	[smem:$0x3FAF] =	sst s7  }
0x10: {  	[smem:$0x3FB0] =	sst s8  }
0x11: {  	[smem:$0x3FB1] =	sst s9;
	s0 =	simm.s32 @!p0 $0x0  }
0x12: {  	s1 =	sld [smem:$0x3F97];
	s0 =	simm.s32 @p0 $0x1  }
0x13: {  	[smem:$0x3FB2] =	sst s0;
	s0 =	simm.s32 @!p1 $0x0  }
0x14: {  	s2 =	sld [smem:$0x3F96];
	s0 =	simm.s32 @p1 $0x1  }
0x15: {  	[smem:$0x3FB3] =	sst s0;
	s0 =	simm.s32 @!p2 $0x0  }
0x16: {  	s3 =	sld [smem:$0x3FDB];
	s0 =	simm.s32 @p2 $0x1  }
0x17: {  	s4 =	simm.s32 $0x1BF5;
	[smem:$0x3FB5] =	sst s0  }
0x18: {  	s0 =	sld [smem:$0x3F98];
	_ =	swait.ge [sflag:s4], $0x0  }
0x19: {  	s7 =	sld [smem:$0x3F99]  }
0x1a: {  	s8 =	sadd.s32 $0xFFFFE003, lr  }
0x1b: {  	s9 =	sadd.s32 $0xFFFFFEF7, lr;
	s5 =	simm.s32 $0xFFFFFFFF;
	p2 =	slt.u32 s8, $0xFFFFF086  }
0x1c: {  	p1 =	slt.u32 s9, $0xF7A;
	s5 =	simm.s32 @!p2 $0x0  }
0x1d: {  	s5 =	simm.s32 @p1 $0x1;
	p0 =	seq.s32 s7, s2  }
0x1e: {  	s7 =	smul.u32 @!p0 $0xF7A, s2;
	p2 =	seq.s32 @!p0 s5, $0x0  }
0x1f: {  	s9 =	smul.u32 $0xF7A, s1;
	s8 =	simm.s32 @!p0 $0x1BF5;
	p2 =	por !p2, p0  }
0x20: {  	[sflag:s8] =	ssyncset.s32 @!p0 $0xFFFFF086;
	s6 =	sadd.s32 @!p0 s3, s7;
	s7 =	simm.s32 @!p0 $0x108  }
0x21: {  	s3 =	sadd.s32 s3, s9;
	s6 =	sadd.s32 @!p0 $0x88, s6;
	s7 =	simm.s32 @p2 $0x1082  }
0x22: {  	[simem:s7], [sflag:s8] =	dma.local @!p0 [hbm:s6], $0xF7A  }
0x23: {  	s9 =	sor.u32 $0xD0000000, s2;
	s6 =	simm.s32 $0x108;
	_ =	swait.ge @!p0 [sflag:s8], $0x0  }
0x24: {  	s3 =	sadd.s32 $0x88, s3;
	s6 =	simm.s32 @!p1 $0x1082;
	[sflag:s4] =	ssyncset.s32 $0xFFFFF086  }
0x25: {  	[simem:s6], [sflag:s4] =	dma.local [hbm:s3], $0xF7A  }
0x26: {  	[smem:$0x3F99] =	sst s1;
	(tag) =	ssettag s2;
	_ =	strace s9  }
0x27: {  	s1 =	sld [smem:$0x3FA9]  }
0x28: {  	s2 =	sld [smem:$0x3FAA]  }
0x29: {  	s4 =	sld [smem:$0x3FAC]  }
0x2a: {  	p0 =	seq.s32 s5, $0x0;
	s5 =	sld [smem:$0x3FAD]  }
0x2b: {  	s6 =	sld [smem:$0x3FAE]  }
0x2c: {  	s7 =	sld [smem:$0x3FAF]  }
0x2d: {  	s3 =	simm.s32 $0x108;
	s8 =	sld [smem:$0x3FB0]  }
0x2e: {  	s3 =	simm.s32 @!p0 $0x1082;
	s9 =	sld [smem:$0x3FB1]  }
0x2f: {  	lr =	sadd.s32 s0, s3;
	s0 =	sld [smem:$0x3FA8]  }
0x30: {  	s3 =	sld [smem:$0x3FAB]  }
0x31: {  	[smem:$0x3FB4] =	sst s10  }
0x32: {  	s10 =	sld [smem:$0x3FB2];
	_ =	sdelay $0x3  }
0x33: {  	p0 =	seq.s32 s10, $0x1;
	s10 =	sld [smem:$0x3FB4];
	_ =	sdelay $0x3  }
0x34: {  	[smem:$0x3FB4] =	sst s10  }
0x35: {  	s10 =	sld [smem:$0x3FB3];
	_ =	sdelay $0x3  }
0x36: {  	p1 =	seq.s32 s10, $0x1;
	s10 =	sld [smem:$0x3FB4];
	_ =	sdelay $0x3  }
0x37: {  	[smem:$0x3FB4] =	sst s10  }
0x38: {  	s10 =	sld [smem:$0x3FB5]  }
0x39: {  	_ = 	snop;
	(pc) =	sbr.ind lr, $3  }
0x3a: {  	_ = 	snop  }
0x3b: {  	_ = 	snop  }
0x3c: {  	p2 =	seq.s32 s10, $0x1;
	s10 =	sld [smem:$0x3FB4]  }
0x3d: {  	_ =	shalt  }
0x3e: {  	_ =	shalt  }
0x3f: {  	_ =	shalt  }
0x40: {  	_ =	shalt  }
0x41: {  	_ =	shalt  }
0x42: {  	_ =	shalt  }
0x43: {  	_ =	shalt  }
0x44: {  	_ =	shalt  }
0x45: {  	_ =	shalt  }
0x46: {  	_ =	shalt  }
0x47: {  	_ =	shalt  }
0x48: {  	_ =	shalt  }
0x49: {  	_ =	shalt  }
0x4a: {  	_ =	shalt  }
0x4b: {  	_ =	shalt  }
0x4c: {  	_ =	shalt  }
0x4d: {  	_ =	shalt  }
0x4e: {  	_ =	shalt  }
0x4f: {  	_ =	shalt  }
0x50: {  	_ =	shalt  }
0x51: {  	_ =	shalt  }
0x52: {  	_ =	shalt  }
0x53: {  	_ =	shalt  }
0x54: {  	_ =	shalt  }
0x55: {  	_ =	shalt  }
0x56: {  	_ =	shalt  }
0x57: {  	_ =	shalt  }
0x58: {  	_ =	shalt  }
0x59: {  	_ =	shalt  }
0x5a: {  	_ =	shalt  }
0x5b: {  	_ =	shalt  }
0x5c: {  	_ =	shalt  }
0x5d: {  	_ =	shalt  }
0x5e: {  	_ =	shalt  }
0x5f: {  	_ =	shalt  }
0x60: {  	_ =	shalt  }
0x61: {  	_ =	shalt  }
0x62: {  	_ =	shalt  }
0x63: {  	_ =	shalt  }
0x64: {  	_ =	shalt  }
0x65: {  	_ =	shalt  }
0x66: {  	_ =	shalt  }
0x67: {  	_ =	shalt  }
0x68: {  	_ =	shalt  }
0x69: {  	_ =	shalt  }
0x6a: {  	_ =	shalt  }
0x6b: {  	_ =	shalt  }
0x6c: {  	_ =	shalt  }
0x6d: {  	_ =	shalt  }
0x6e: {  	_ =	shalt  }
0x6f: {  	_ =	shalt  }
0x70: {  	_ =	shalt  }
0x71: {  	_ =	shalt  }
0x72: {  	_ =	shalt  }
0x73: {  	_ =	shalt  }
0x74: {  	_ =	shalt  }
0x75: {  	_ =	shalt  }
0x76: {  	_ =	shalt  }
0x77: {  	_ =	shalt  }
0x78: {  	_ =	shalt  }
0x79: {  	_ =	shalt  }
0x7a: {  	_ =	shalt  }
0x7b: {  	_ =	shalt  }
0x7c: {  	_ =	shalt  }
0x7d: {  	_ =	shalt  }
0x7e: {  	_ =	shalt  }
0x7f: {  	_ =	shalt  }
0x80: {  	_ =	shalt  }
0x81: {  	_ =	shalt  }
0x82: {  	_ =	shalt  }
0x83: {  	_ =	shalt  }
0x84: {  	_ =	shalt  }
0x85: {  	_ =	shalt  }
0x86: {  	_ =	shalt  }
0x87: {  	_ =	shalt  }
.Lfunc_end0:
.L_simem_size_0:
called_computation.2_lowered:
.L_overlay_start_0:
0x88: {  	s2 =	sld [smem:$0x3FD9]  }
0x89: {  	s3 =	sld [smem:$0x3FFE];
	_ =	sdelay $0x1  }
0x8a: {  	s1 =	srdreg.scid  }
0x8b: {  	s0 =	sand.u32 $0x1, s1  }
0x8c: {  	s17 =	sshll.u32 s0, $0xA;
	s2 =	sadd.s32 s3, s2  }
0x8d: {  	s2 =	sadd.s32 s2, s17  }
0x8e: {  	[smem:$0x3FC0] =	sst s2  }
0x8f: {  	_ = 	snop  }
0x90: {  	s2 =	sld [smem:$0x3FD0];
	(tm) =	ssettm $0x1  }
0x91: {  	s18 =	sld [smem:$0x3FFB];
	_ =	sdelay $0x3  }
0x92: {  	_ =	strace s18  }
0x93: {  	s3 =	sld [smem:$0x3FFC];
	_ =	sdelay $0x3  }
0x94: {  	_ =	strace s3  }
0x95: {  	s3 =	sld [smem:$0x3FFD];
	_ =	sdelay $0x3  }
0x96: {  	_ =	strace s3  }
0x97: {  	_ =	strace $0x8FFFFFFF  }
0x98: {  	s19 =	sld [smem:$0x3FDB];
	_ =	sdelay $0x1  }
0x99: {  	s4 =	simm.s32 $_scs_section_size  }
0x9a: {  	s5 =	simm.s32 $_size__tile_overlayer_lowered;
	s6 =	simm.s32 $_tile_overlayer_lowered  }
0x9b: {  	s22 =	simm.s32 $0x1BFF;
	s21 =	sshll.u32 s6, $0x1;
	s3 =	sadd.s32 s4, s19  }
0x9c: {  	s7 =	simm.s32 $0x0;
	s20 =	sshll.u32 s5, $0x1;
	s5 =	sadd.s32 s21, s3  }
0x9d: {  	[timem:s7], [sflag:s22] =	dma.local [hbm:s5], s20  }
0x9e: {  	_ =	swait.ge [sflag:s22], s20  }
0x9f: {  	s4 =	ssub.s32 $0x0, s20;
	[sflag:s22] =	ssyncset.done $0x0  }
0xa0: {  	[sflag:s22] =	ssyncadd.s32 s4;
	_ =	sdelay $0x1  }
0xa1: {  	s23 =	simm.s32 $0x1B8B  }
0xa2: {  	_ =	swait.ge [sflag:s23], $0x1  }
0xa3: {  	[sflag:s23] =	ssyncset.done $0x0  }
0xa4: {  	s25 =	simm.s32 $0x1B8E;
	s24 =	sld [smem:$0x3FFE];
	[sflag:s23] =	ssyncadd.s32 $0xFFFFFFFF  }
0xa5: {  	s26 =	simm.s32 $execute0_lowered;
	[smem:$0x3FD2] =	sst s25  }
0xa6: {  	s5 =	sshll.u32 s26, $0x1;
	_ =	strace $0x8000004C;
	[dreg:$0x1] =	wrdreg $0xFFFFFFFF  }
0xa7: {  	s28 =	simm.s32 $_size_execute0_lowered;
	s3 =	sadd.s32 s3, s5;
	[dreg:$0x0] =	wrdreg $0x0  }
0xa8: {  	s5 =	sshll.u32 s28, $0x1;
	[dreg:$0x2] =	wrdreg s3  }
0xa9: {  	[dreg:$0x3] =	wrdreg s5  }
0xaa: {  	[dreg:$0x4] =	wrdreg $0xC0  }
0xab: {  	_ =	task [dreg:s7], $0x5FFFF  }
0xac: {  	[dreg:$0x1] =	wrdreg $0xFFFFFFFF  }
0xad: {  	[dreg:$0x0] =	wrdreg $0x60  }
0xae: {  	[dreg:$0x2] =	wrdreg s24  }
0xaf: {  	[dreg:$0x3] =	wrdreg s2  }
0xb0: {  	[dreg:$0x4] =	wrdreg $0x9E200  }
0xb1: {  	[dreg:$0x5] =	wrdreg $0x13E200  }
0xb2: {  	[dreg:$0x6] =	wrdreg $0x9  }
0xb3: {  	_ =	task.clear_ibuf [dreg:s7], $0x7FFFF;
	_ =	strace $0x9000004C  }
0xb4: {  	s29 =	simm.s32 $0x9;
	_ =	strace $0x8000004E  }
0xb5: {  	_ =	swait.ge [sflag:s29], $0x1  }
0xb6: {  	[sflag:s29] =	ssyncadd.s32 $0xFFFFFFFF  }
0xb7: {  	_ =	strace $0x9000004E  }
0xb8: {  	_ =	sfence  }
0xb9: {  	s30 =	sld [smem:$0x0];
	_ =	sdelay $0x2  }
0xba: {  	s31 =	sshll.u32 s1, $0xD;
	s1 =	sshrl.u32 s1, $0x2  }
0xbb: {  	s3 =	sand.u32 $0x4000, s31;
	s1 =	sadd.s32 s1, s30  }
0xbc: {  	s0 =	sor.u32 s3, s0;
	s1 =	sshll.u32 s1, $0x11  }
0xbd: {  	s0 =	sor.u32 s1, s0  }
0xbe: {  	s0 =	sadd.s32 $0x8F2B, s0  }
0xbf: {  	[sflag:s0] =	ssyncadd.remote.s32 $0x1  }
0xc0: {  	_ =	sfence.sel $0xFFFF  }
0xc1: {  	[dreg:$0x0] =	wrdreg $0xFFFFFFFF;
	(pc) =	sbr.abs _section_cstart, $3  }
0xc2: {  	[dreg:$0x1] =	wrdreg $0xFFFFFFFF  }
0xc3: {  	_ =	task.clear_ibuf [dreg:s7], $0x2FFFF;
	_ =	strace $0x9FFFFFFF  }
0xc4: {  	(tm) =	ssettm $0x7FFFFFFF  }
0xc5: {  	_ =	shalt  }
tec
execute0_lowered:
.L_overlay_start_1:
0x0: {  	(tag) =	ssettag $0x1  }
0x1: {  	s0 =	rddreg [dreg:$0x0]  }
0x2: {  	s1 =	rddreg [dreg:$0x1]  }
0x3: {  	s2 =	rddreg [dreg:$0x2]  }
0x4: {  	s3 =	rddreg [dreg:$0x3]  }
0x5: {  	s13 =	stileid.u32;
	s5 =	srdreg.scid;
	s4 =	simm.s32 $0x0  }
0x6: {  	s18 =	simm.s32 $0x50;
	s19 =	simm.s32 $0x4E20;
	s20 =	simm.s32 $0x6220  }
0x7: {  	s21 =	simm.s32 $0x1;
	s23 =	simm.s32 $0x7620;
	s24 =	simm.s32 $0x2  }
0x8: {  	s28 =	simm.s32 $0x8A20;
	s29 =	simm.s32 $0x3;
	s30 =	simm.s32 $0x5  }
0x9: {  	s31 =	simm.s32 $0x4;
	s22 =	simm.s32 $0x8;
	s8 =	smul.u32 $0xA000, s13  }
0xa: {  	s5 =	sand.u32 $0x1, s5;
	[smem:$0x7FF] =	sst s4;
	s6 =	sshll.u32 s13, $0x1  }
0xb: {  	s16 =	sadd.s32 $0x96000, s3;
	p0 =	seq.s32 s13, $0xF;
	s26 =	sshll.u32 s13, $0x6  }
0xc: {  	s13 =	simm.s32 $0x2710;
	s7 =	smul.u32 $0xA0000, s5;
	_ =	strace $0x8000004D  }
0xd: {  	s6 =	sor.u32 s5, s6;
	s5 =	ssub.s32 $0x2, s5;
	s14 =	sor.u32 $0x1C09, s26  }
0xe: {  	s16 =	sshrl.u32 @p0 s16, $0x3;
	s9 =	sshrl.u32 s8, $0x3;
	s6 =	smul.u32 $0x4E2, s6  }
0xf: {  	s11 =	sshrl.u32 s5, $0x1;
	s15 =	sadd.s32 s8, s2;
	s7 =	sadd.s32 s8, s7  }
0x10: {  	s10 =	sadd.s32 s9, s0;
	s5 =	ssub.s32 s5, s11;
	s15 =	sshrl.u32 s15, $0x3  }
0x11: {  	s7 =	sshrl.u32 s7, $0x3;
	s6 =	sadd.s32 s6, s0;
	s11 =	smax.u32 s5, $0x1  }
0x12: {  	s12 =	sadd.s32 s7, s0;
	s25 =	sadd.s32 $0xBC00, s6;
	s6 =	sadd.s32 $0x1E00, s6  }
0x13: {  	s7 =	sadd.s32 s1, s9;
	s1 =	sadd.s32 s8, s3;
	s8 =	sadd.s32 $0x15A00, s10  }
0x14: {  	s9 =	sadd.s32 $0x28600, s0;
	s0 =	simm.s32 $0x6;
	[dreg:$0x5] =	wrdreg s25  }
0x15: {  	[dreg:$0x6] =	wrdreg s6;
	s10 =	sadd.s32 $0x29400, s12;
	s12 =	simm.s32 $0x9  }
0x16: {  	s17 =	sshrl.u32 @!p0 s1, $0x3;
	s1 =	simm.s32 $0x7;
	s25 =	simm.s32 $0x0  }
.LBB2_1:
0x17: {  	s5 =	rddreg [dreg:$0x5]  }
0x18: {  	[tilespmem:s4], [sflag:$0x9] =	stream.linear.gather [hbm4b:s5+s4], $0x2710, $0x38;
	[tilespmem:$0x1DE20] =	vst v63  }
0x19: {  	_ =	swait.ge [sflag:s12], $0x2710  }
0x1a: {  	[sflag:s12] =	ssyncset.done $0x0  }
0x1b: {  	s26 =	rddreg [dreg:$0x6];
	[sflag:s12] =	ssyncadd.s32 $0xFFFFD8F0  }
0x1c: {  	[tilespmem:s13], [sflag:$0x9] =	stream.linear.gather [hbm4b:s26+s4], $0x2710, $0x38;
	[tilespmem:$0x1DE20] =	vst v63  }
0x1d: {  	_ =	swait.ge [sflag:s12], $0x2710  }
0x1e: {  	[sflag:s12] =	ssyncset.done $0x0  }
0x1f: {  	[sflag:s12] =	ssyncadd.s32 $0xFFFFD8F0  }
0x20: {  	[spmem:s15], [sflag:s14] =	dma.local [hbm:s7], $0x1400  }
0x21: {  	_ =	swait.ge [sflag:s12], $0x1400  }
0x22: {  	[sflag:s12] =	ssyncset.done $0x0  }
0x23: {  	s5 =	simm.s32 @p0 $0x9;
	[sflag:s12] =	ssyncadd.s32 $0xFFFFEC00  }
0x24: {  	[spmem:s16], [sflag:s14] =	dma.local @p0 [hbm:s9], $0xC80  }
0x25: {  	_ =	swait.ge @p0 [sflag:s5], $0xC80  }
0x26: {  	[sflag:s5] =	ssyncset.done @p0 $0x0  }
0x27: {  	[sflag:s5] =	ssyncadd.s32 @p0 $0xFFFFF380;
	s5 =	simm.s32 @!p0 $0x9  }
0x28: {  	[spmem:s17], [sflag:s14] =	dma.local @!p0 [hbm:s8], $0x1400  }
0x29: {  	_ =	swait.ge @!p0 [sflag:s5], $0x1400  }
0x2a: {  	[sflag:s5] =	ssyncset.done @!p0 $0x0  }
0x2b: {  	[sflag:s5] =	ssyncadd.s32 @!p0 $0xFFFFEC00  }
0x2c: {  	[bflag:$0x0] =	sbarrier.arrive $0xFFFF  }
0x2d: {  	[tilespmem:s19], [sflag:$0x1] =	stream.indirect.gather [spmem:s3], $0x40, s4, s18, $0xb8;
	[tilespmem:$0x1DE20] =	vst v63  }
0x2e: {  	_ = 	snop  }
0x2f: {  	[tilespmem:s20], [sflag:$0x2] =	stream.indirect.gather [spmem:s3], $0x40, s18, s18, $0xb8;
	[tilespmem:$0x1DE20] =	vst v63  }
0x30: {  	_ =	swait.ge [sflag:s21], $0x1400  }
0x31: {  	[sflag:s21] =	ssyncset.done $0x0  }
0x32: {  	[sflag:s21] =	ssyncadd.s32 $0xFFFFEC00  }
0x33: {  	[spmem:s2] =	stream.indirect.scatter.add.f32 [tilespmem:s19], [sflag:$0x5], $0x40, s13, s18, $0xb8;
	[tilespmem:$0x1DE20] =	vst v63  }
0x34: {  	s6 =	simm.s32 $0xA0  }
0x35: {  	[tilespmem:s23], [sflag:$0x3] =	stream.indirect.gather [spmem:s3], $0x40, s6, s18, $0xb8;
	[tilespmem:$0x1DE20] =	vst v63  }
0x36: {  	_ =	swait.ge [sflag:s24], $0x1400  }
0x37: {  	[sflag:s24] =	ssyncset.done $0x0  }
0x38: {  	s26 =	simm.s32 $0x2760;
	[sflag:s24] =	ssyncadd.s32 $0xFFFFEC00  }
0x39: {  	[spmem:s2] =	stream.indirect.scatter.add.f32 [tilespmem:s20], [sflag:$0x6], $0x40, s26, s18, $0xb8;
	[tilespmem:$0x1DE20] =	vst v63  }
0x3a: {  	s6 =	simm.s32 $0xF0  }
0x3b: {  	[tilespmem:s28], [sflag:$0x4] =	stream.indirect.gather [spmem:s3], $0x40, s6, s18, $0xb8;
	[tilespmem:$0x1DE20] =	vst v63  }
0x3c: {  	_ =	swait.ge [sflag:s29], $0x1400  }
0x3d: {  	[sflag:s29] =	ssyncset.done $0x0  }
0x3e: {  	s26 =	simm.s32 $0x27B0;
	[sflag:s29] =	ssyncadd.s32 $0xFFFFEC00  }
0x3f: {  	[spmem:s2] =	stream.indirect.scatter.add.f32 [tilespmem:s23], [sflag:$0x7], $0x40, s26, s18, $0xb8;
	[tilespmem:$0x1DE20] =	vst v63  }
0x40: {  	_ =	swait.ge [sflag:s30], $0x1400  }
0x41: {  	[sflag:s30] =	ssyncset.done $0x0  }
0x42: {  	s6 =	simm.s32 $0x140;
	[sflag:s30] =	ssyncadd.s32 $0xFFFFEC00  }
0x43: {  	[tilespmem:s19], [sflag:$0x1] =	stream.indirect.gather [spmem:s3], $0x40, s6, s18, $0xb8;
	[tilespmem:$0x1DE20] =	vst v63  }
0x44: {  	_ =	swait.ge [sflag:s31], $0x1400  }
0x45: {  	[sflag:s31] =	ssyncset.done $0x0  }
0x46: {  	s26 =	simm.s32 $0x2800;
	[sflag:s31] =	ssyncadd.s32 $0xFFFFEC00  }
0x47: {  	[spmem:s2] =	stream.indirect.scatter.add.f32 [tilespmem:s28], [sflag:$0x8], $0x40, s26, s18, $0xb8;
	[tilespmem:$0x1DE20] =	vst v63  }
0x48: {  	_ =	swait.ge [sflag:s0], $0x1400  }
0x49: {  	[sflag:s0] =	ssyncset.done $0x0  }
0x4a: {  	s6 =	simm.s32 $0x190;
	[sflag:s0] =	ssyncadd.s32 $0xFFFFEC00  }
0x4b: {  	[tilespmem:s20], [sflag:$0x2] =	stream.indirect.gather [spmem:s3], $0x40, s6, s18, $0xb8;
	[tilespmem:$0x1DE20] =	vst v63  }
0x4c: {  	_ =	swait.ge [sflag:s21], $0x1400  }
0x4d: {  	[sflag:s21] =	ssyncset.done $0x0  }
0x4e: {  	s26 =	simm.s32 $0x2850;
	[sflag:s21] =	ssyncadd.s32 $0xFFFFEC00  }
0x4f: {  	[spmem:s2] =	stream.indirect.scatter.add.f32 [tilespmem:s19], [sflag:$0x5], $0x40, s26, s18, $0xb8;
	[tilespmem:$0x1DE20] =	vst v63  }
0x50: {  	_ =	swait.ge [sflag:s1], $0x1400  }
0x51: {  	[sflag:s1] =	ssyncset.done $0x0  }
0x52: {  	s6 =	simm.s32 $0x1E0;
	[sflag:s1] =	ssyncadd.s32 $0xFFFFEC00  }
0x53: {  	[tilespmem:s23], [sflag:$0x3] =	stream.indirect.gather [spmem:s3], $0x40, s6, s18, $0xb8;
	[tilespmem:$0x1DE20] =	vst v63  }
0x54: {  	_ =	swait.ge [sflag:s24], $0x1400  }
0x55: {  	[sflag:s24] =	ssyncset.done $0x0  }
0x56: {  	s26 =	simm.s32 $0x28A0;
	[sflag:s24] =	ssyncadd.s32 $0xFFFFEC00  }
0x57: {  	[spmem:s2] =	stream.indirect.scatter.add.f32 [tilespmem:s20], [sflag:$0x6], $0x40, s26, s18, $0xb8;
	[tilespmem:$0x1DE20] =	vst v63  }
0x58: {  	_ =	swait.ge [sflag:s22], $0x1400  }
0x59: {  	[sflag:s22] =	ssyncset.done $0x0  }
0x5a: {  	s5 =	simm.s32 $0x230;
	s26 =	simm.s32 $0x500;
	[sflag:s22] =	ssyncadd.s32 $0xFFFFEC00  }
.LBB2_2:
0x5b: {  	[tilespmem:s28], [sflag:$0x4] =	stream.indirect.gather [spmem:s3], $0x40, s5, s18, $0xb8;
	[tilespmem:$0x1DE20] =	vst v63  }
0x5c: {  	s5 =	smov.u32 s26  }
0x5d: {  	p1 =	sne.s32 s26, $0x9100;
	s26 =	sadd.s32 $0x500, s26;
	_ =	swait.ge [sflag:s29], $0x1400  }
0x5e: {  	s5 =	sshra.s32 s5, $0x2;
	[sflag:s29] =	ssyncset.done $0x0  }
0x5f: {  	s6 =	sadd.s32 $0x27B0, s5;
	[sflag:s29] =	ssyncadd.s32 $0xFFFFEC00  }
0x60: {  	[spmem:s2] =	stream.indirect.scatter.add.f32 [tilespmem:s23], [sflag:$0x7], $0x40, s6, s18, $0xb8;
	[tilespmem:$0x1DE20] =	vst v63  }
0x61: {  	_ =	swait.ge [sflag:s30], $0x1400  }
0x62: {  	[sflag:s30] =	ssyncset.done $0x0  }
0x63: {  	s6 =	sadd.s32 $0x140, s5;
	[sflag:s30] =	ssyncadd.s32 $0xFFFFEC00  }
0x64: {  	[tilespmem:s19], [sflag:$0x1] =	stream.indirect.gather [spmem:s3], $0x40, s6, s18, $0xb8;
	[tilespmem:$0x1DE20] =	vst v63  }
0x65: {  	_ =	swait.ge [sflag:s31], $0x1400  }
0x66: {  	[sflag:s31] =	ssyncset.done $0x0  }
0x67: {  	s6 =	sadd.s32 $0x2800, s5;
	[sflag:s31] =	ssyncadd.s32 $0xFFFFEC00  }
0x68: {  	[spmem:s2] =	stream.indirect.scatter.add.f32 [tilespmem:s28], [sflag:$0x8], $0x40, s6, s18, $0xb8;
	[tilespmem:$0x1DE20] =	vst v63  }
0x69: {  	_ =	swait.ge [sflag:s0], $0x1400  }
0x6a: {  	[sflag:s0] =	ssyncset.done $0x0  }
0x6b: {  	s6 =	sadd.s32 $0x190, s5;
	[sflag:s0] =	ssyncadd.s32 $0xFFFFEC00  }
0x6c: {  	[tilespmem:s20], [sflag:$0x2] =	stream.indirect.gather [spmem:s3], $0x40, s6, s18, $0xb8;
	[tilespmem:$0x1DE20] =	vst v63  }
0x6d: {  	_ =	swait.ge [sflag:s21], $0x1400  }
0x6e: {  	[sflag:s21] =	ssyncset.done $0x0  }
0x6f: {  	s6 =	sadd.s32 $0x2850, s5;
	[sflag:s21] =	ssyncadd.s32 $0xFFFFEC00  }
0x70: {  	[spmem:s2] =	stream.indirect.scatter.add.f32 [tilespmem:s19], [sflag:$0x5], $0x40, s6, s18, $0xb8;
	[tilespmem:$0x1DE20] =	vst v63  }
0x71: {  	_ =	swait.ge [sflag:s1], $0x1400  }
0x72: {  	[sflag:s1] =	ssyncset.done $0x0  }
0x73: {  	s6 =	sadd.s32 $0x1E0, s5;
	[sflag:s1] =	ssyncadd.s32 $0xFFFFEC00  }
0x74: {  	[tilespmem:s23], [sflag:$0x3] =	stream.indirect.gather [spmem:s3], $0x40, s6, s18, $0xb8;
	[tilespmem:$0x1DE20] =	vst v63  }
0x75: {  	_ =	swait.ge [sflag:s24], $0x1400  }
0x76: {  	[sflag:s24] =	ssyncset.done $0x0  }
.Ltmp0:
0x77: {  	s6 =	sadd.s32 $0x28A0, s5;
	[sflag:s24] =	ssyncadd.s32 $0xFFFFEC00;
	(pc) =	sbr.rel @p1 .LBB2_2-.Ltmp0, $4  }
0x78: {  	[spmem:s2] =	stream.indirect.scatter.add.f32 [tilespmem:s20], [sflag:$0x6], $0x40, s6, s18, $0xb8;
	[tilespmem:$0x1DE20] =	vst v63  }
0x79: {  	_ =	swait.ge [sflag:s22], $0x1400  }
0x7a: {  	[sflag:s22] =	ssyncset.done $0x0  }
0x7b: {  	s5 =	sadd.s32 $0x230, s5;
	[sflag:s22] =	ssyncadd.s32 $0xFFFFEC00  }
0x7c: {  	[tilespmem:s28], [sflag:$0x4] =	stream.indirect.gather [spmem:s3], $0x40, s5, s18, $0xb8;
	[tilespmem:$0x1DE20] =	vst v63  }
0x7d: {  	_ =	swait.ge [sflag:s29], $0x1400  }
0x7e: {  	[sflag:s29] =	ssyncset.done $0x0  }
0x7f: {  	s6 =	simm.s32 $0x4D30;
	[sflag:s29] =	ssyncadd.s32 $0xFFFFEC00  }
0x80: {  	[spmem:s2] =	stream.indirect.scatter.add.f32 [tilespmem:s23], [sflag:$0x7], $0x40, s6, s18, $0xb8;
	[tilespmem:$0x1DE20] =	vst v63  }
0x81: {  	_ =	swait.ge [sflag:s30], $0x1400  }
0x82: {  	[sflag:s30] =	ssyncset.done $0x0  }
0x83: {  	s26 =	simm.s32 $0x26C0;
	[sflag:s30] =	ssyncadd.s32 $0xFFFFEC00  }
0x84: {  	[tilespmem:s19], [sflag:$0x1] =	stream.indirect.gather [spmem:s3], $0x40, s26, s18, $0xb8;
	[tilespmem:$0x1DE20] =	vst v63  }
0x85: {  	_ =	swait.ge [sflag:s31], $0x1400  }
0x86: {  	[sflag:s31] =	ssyncset.done $0x0  }
0x87: {  	s6 =	simm.s32 $0x4D80;
	[sflag:s31] =	ssyncadd.s32 $0xFFFFEC00  }
0x88: {  	[spmem:s2] =	stream.indirect.scatter.add.f32 [tilespmem:s28], [sflag:$0x8], $0x40, s6, s18, $0xb8;
	[tilespmem:$0x1DE20] =	vst v63  }
0x89: {  	_ =	swait.ge [sflag:s0], $0x1400  }
0x8a: {  	[sflag:s0] =	ssyncset.done $0x0  }
0x8b: {  	[sflag:s0] =	ssyncadd.s32 $0xFFFFEC00  }
0x8c: {  	_ =	swait.ge [sflag:s21], $0x1400  }
0x8d: {  	[sflag:s21] =	ssyncset.done $0x0  }
0x8e: {  	s26 =	simm.s32 $0x4DD0;
	[sflag:s21] =	ssyncadd.s32 $0xFFFFEC00  }
0x8f: {  	[spmem:s2] =	stream.indirect.scatter.add.f32 [tilespmem:s19], [sflag:$0x5], $0x40, s26, s18, $0xb8;
	[tilespmem:$0x1DE20] =	vst v63  }
0x90: {  	_ =	swait.ge [sflag:s1], $0x1400  }
0x91: {  	[sflag:s1] =	ssyncset.done $0x0  }
0x92: {  	[sflag:s1] =	ssyncadd.s32 $0xFFFFEC00  }
0x93: {  	_ =	swait.ge [sflag:s22], $0x1400  }
0x94: {  	[sflag:s22] =	ssyncset.done $0x0  }
0x95: {  	[sflag:s22] =	ssyncadd.s32 $0xFFFFEC00  }
0x96: {  	_ =	swait.ge [sflag:s30], $0x1400  }
0x97: {  	s25 =	sadd.s32 $0x1, s25;
	[sflag:s30] =	ssyncset.done $0x0  }
0x98: {  	p1 =	sne.s32 s25, s11;
	[sflag:s30] =	ssyncadd.s32 $0xFFFFEC00  }
.Ltmp1:
0x99: {  	[bflag:$0x0] =	sbarrier.arrive $0xFFFF;
	(pc) =	sbr.rel @p1 .LBB2_1-.Ltmp1, $4  }
0x9a: {  	[hbm:s10], [sflag:s14] =	dma.local [spmem:s15], $0x1400  }
0x9b: {  	_ =	swait.ge [sflag:s12], $0x1400  }
0x9c: {  	[sflag:s12] =	ssyncset.done $0x0  }
0x9d: {  	[sflag:s12] =	ssyncadd.s32 $0xFFFFEC00  }
0x9e: {  	_ =	sfence.sel $0x180000  }
0x9f: {  	[bflag:$0x0] =	sbarrier.arrive $0xFFFF  }
0xa0: {  	_ =	strace $0x9000004D  }
0xa1: {  	s0 =	stileid.u32;
	[bflag:$0x2] =	sbarrier.arrive $0xFFFF  }
0xa2: {  	p0 =	sne.s32 s0, $0x0;
	s0 =	rddreg [dreg:$0x4]  }
0xa3: {  	s0 =	sadd.s32 @!p0 $0x100000, s0  }
0xa4: {  	[sflag:s0] =	ssyncadd.tile.s32 @!p0 $0x1;
	_ =	shalt  }
.Lfunc_end2:
_tile_overlayer_lowered:
.L_overlay_start_2:
0xa5: {  	(tag) =	ssettag $0x2  }
0xa6: {  	s0 =	rddreg [dreg:$0x0];
	s2 =	stileid.u32  }
0xa7: {  	s1 =	rddreg [dreg:$0x1];
	p0 =	sne.s32 s2, $0x0  }
0xa8: {  	s3 =	rddreg [dreg:$0x2];
	[bflag:$0x3] =	sbarrier.arrive $0xFFFF;
	s2 =	simm.s32 @!p0 $0x1C09  }
0xa9: {  	[timem:s3], [sflag:s2] =	dma.local @!p0 [hbm:s0], s1  }
0xaa: {  	s0 =	simm.s32 @!p0 $0x9  }
0xab: {  	_ =	swait.ge @!p0 [sflag:s0], s1  }
0xac: {  	s1 =	ssub.s32 @!p0 $0x0, s1;
	[sflag:s0] =	ssyncset.done @!p0 $0x0  }
0xad: {  	[sflag:s0] =	ssyncadd.s32 @!p0 s1  }
0xae: {  	[bflag:$0x3] =	sbarrier.arrive $0xFFFF  }
0xaf: {  	_ =	shalt  }

</sc_bundles>
